<compile_context>
chip_gen: v7x
topology: tpu7x:2x2x1
jax: 0.10.2.dev20260603
libtpu: 0.0.44.dev20260713+nightly
codegen_flags: <defaults>
</compile_context>

<pallas_src>
import functools

import jax
import jax.numpy as jnp
from jax import lax
from jax.experimental import pallas as pl
from jax.experimental.pallas import tpu as pltpu
from jax.experimental.pallas import tpu_sc as plsc

N = 10000
E = 320000
D_IN = 128
DH = 256
HALF = 128
D_OUT = 128
G = 16

TILES = 16
CH = 64
NB = 11
B = 30
NCH = NB * B
EP = NCH * CH
PAD = TILES * EP - E
JUNK = N

ACC_W = 10112
ZPT = ACC_W // TILES
OUT_ROWS = ACC_W

R = 1000



def _agg_body(hsa, hsb, srcs, dsts, zrows, outa, outb,
              src_v, dst_v, buf0, buf1, buf2, acc_s,
              sg0, sg1, sg2, ss0, ss1, ss2):
    c = lax.axis_index("c")
    s = lax.axis_index("s")
    pltpu.sync_copy(zrows, acc_s.at[pl.ds(s * ZPT, ZPT)])
    plsc.subcore_barrier()

    def run(hs, out):
        bufs = (buf0, buf1, buf2)
        sgs = (sg0, sg1, sg2)
        sss = (ss0, ss1, ss2)

        def blk(nb, carry):
            pltpu.sync_copy(srcs.at[s * NB + nb], src_v)
            pltpu.sync_copy(dsts.at[s * NB + nb], dst_v)
            pltpu.make_async_copy(
                hs.at[src_v.at[pl.ds(0, CH)]], buf0, sg0).start()
            pltpu.make_async_copy(
                hs.at[src_v.at[pl.ds(CH, CH)]], buf1, sg1).start()

            def grp(g, carry2):
                for k in range(3):
                    kp = (k + 2) % 3
                    j = 3 * g + k
                    pltpu.make_async_copy(
                        hs.at[src_v.at[pl.ds(0, CH)]], bufs[k], sgs[k]).wait()
                    pltpu.make_async_copy(
                        bufs[k], acc_s.at[dst_v.at[j]], sss[k]).start(add=True)

                    def wait_prev(kk=kp):
                        pltpu.make_async_copy(
                            bufs[kk], acc_s.at[dst_v.at[0]], sss[kk]).wait()

                    def fire_next(jj=j, kk=kp):
                        idx = src_v.at[pl.ds((jj + 2) * CH, CH)]
                        pltpu.make_async_copy(
                            hs.at[idx], bufs[kk], sgs[kk]).start()

                    if k == 0:
                        @pl.when(g > 0)
                        def _():
                            wait_prev()
                        fire_next()
                    else:
                        wait_prev()

                        @pl.when(g < B // 3 - 1)
                        def _():
                            fire_next()
                return carry2

            lax.fori_loop(0, B // 3, grp, 0)
            pltpu.make_async_copy(
                buf2, acc_s.at[dst_v.at[0]], ss2).wait()
            return carry

        lax.fori_loop(0, NB, blk, 0)
        plsc.subcore_barrier()
        lo = s * ZPT
        pltpu.sync_copy(acc_s.at[pl.ds(lo, ZPT)], out.at[pl.ds(lo, ZPT)])

    @pl.when(c == 0)
    def _():
        run(hsa, outa)

    @pl.when(c == 1)
    def _():
        run(hsb, outb)


@functools.lru_cache(maxsize=None)
def _sc_kernels():
    mesh = plsc.VectorSubcoreMesh(core_axis_name="c", subcore_axis_name="s")
    agg_call = pl.kernel(
        _agg_body,
        mesh=mesh,
        out_type=[
            jax.ShapeDtypeStruct((OUT_ROWS, HALF), jnp.float32),
            jax.ShapeDtypeStruct((OUT_ROWS, HALF), jnp.float32),
        ],
        scratch_types=[
            pltpu.VMEM((B * CH,), jnp.int32),
            pltpu.VMEM((B, CH), jnp.int32),
            pltpu.VMEM((CH, HALF), jnp.float32),
            pltpu.VMEM((CH, HALF), jnp.float32),
            pltpu.VMEM((CH, HALF), jnp.float32),
            pltpu.VMEM_SHARED((ACC_W, HALF), jnp.float32),
            pltpu.SemaphoreType.DMA,
            pltpu.SemaphoreType.DMA,
            pltpu.SemaphoreType.DMA,
            pltpu.SemaphoreType.DMA,
            pltpu.SemaphoreType.DMA,
            pltpu.SemaphoreType.DMA,
        ],
    )
    return agg_call



def _dinv_of(dego):
    return lax.rsqrt(dego[:, 0:1] + 1.0)


def _tc_a_body(x_ref, w1_ref, dego_ref, hsa_ref, hsb_ref):
    h = jnp.dot(x_ref[...], w1_ref[...], preferred_element_type=jnp.float32)
    dinv = _dinv_of(dego_ref[...])
    hs = h * dinv
    hsa_ref[...] = hs[:, :HALF]
    hsb_ref[...] = hs[:, HALF:]


def _tc_a(x, W1, dego):
    return pl.pallas_call(
        _tc_a_body,
        grid=(N // R,),
        in_specs=[
            pl.BlockSpec((R, D_IN), lambda i: (i, 0)),
            pl.BlockSpec((D_IN, DH), lambda i: (0, 0)),
            pl.BlockSpec((R, HALF), lambda i: (i, 0)),
        ],
        out_specs=[
            pl.BlockSpec((R, HALF), lambda i: (i, 0)),
            pl.BlockSpec((R, HALF), lambda i: (i, 0)),
        ],
        out_shape=[
            jax.ShapeDtypeStruct((N, HALF), jnp.float32),
            jax.ShapeDtypeStruct((N, HALF), jnp.float32),
        ],
    )(x, W1, dego)


def _post_agg(acca, accb, hsa, hsb, dinv, b, g, be):
    acc = jnp.concatenate([acca, accb], axis=1)
    hs = jnp.concatenate([hsa, hsb], axis=1)
    t = dinv * (acc + hs) + b
    r = jnp.maximum(t, 0.0)
    mu = jnp.mean(r, axis=1, keepdims=True)
    var = jnp.mean((r - mu) * (r - mu), axis=1, keepdims=True)
    return (r - mu) * lax.rsqrt(var + 1e-5) * g + be


def _tc_b_body(acca_ref, accb_ref, hsa_ref, hsb_ref, dego_ref,
               b_ref, g_ref, be_ref, w_ref, outa_ref, outb_ref):
    dinv = _dinv_of(dego_ref[...])
    hn = _post_agg(acca_ref[...], accb_ref[...], hsa_ref[...], hsb_ref[...],
                   dinv, b_ref[...], g_ref[...], be_ref[...])
    hs2 = jnp.dot(hn, w_ref[...], preferred_element_type=jnp.float32) * dinv
    outa_ref[...] = hs2[:, :HALF]
    outb_ref[...] = hs2[:, HALF:]


def _tc_b(acca, accb, hsa, hsb, dego, b1, g1, be1, W2):
    row = pl.BlockSpec((R, HALF), lambda i: (i, 0))
    vec = pl.BlockSpec((1, DH), lambda i: (0, 0))
    return pl.pallas_call(
        _tc_b_body,
        grid=(N // R,),
        in_specs=[
            row, row, row, row,
            row,
            vec, vec, vec,
            pl.BlockSpec((DH, DH), lambda i: (0, 0)),
        ],
        out_specs=[row, row],
        out_shape=[
            jax.ShapeDtypeStruct((N, HALF), jnp.float32),
            jax.ShapeDtypeStruct((N, HALF), jnp.float32),
        ],
    )(acca, accb, hsa, hsb, dego, b1, g1, be1, W2)


def _tc_c_body(acca_ref, accb_ref, hsa_ref, hsb_ref, dego_ref,
               b_ref, g_ref, be_ref, batch_ref,
               fcw1_ref, fcb1_ref, fcw2_ref, fcb2_ref,
               out_ref, sums_s, cnt_s, max_s):
    i = pl.program_id(0)
    dinv = _dinv_of(dego_ref[...])
    hn = _post_agg(acca_ref[...], accb_ref[...], hsa_ref[...], hsb_ref[...],
                   dinv, b_ref[...], g_ref[...], be_ref[...])

    @pl.when(i == 0)
    def _():
        sums_s[...] = jnp.zeros_like(sums_s)
        cnt_s[...] = jnp.zeros_like(cnt_s)
        max_s[...] = jnp.full_like(max_s, -jnp.inf)

    b = batch_ref[...]
    onehot = (b == lax.broadcasted_iota(jnp.int32, (1, G), 1)).astype(jnp.float32)
    dims = (((0,), (0,)), ((), ()))
    sums_s[...] += lax.dot_general(onehot, hn, dims,
                                   preferred_element_type=jnp.float32)
    cnt_s[...] += lax.dot_general(onehot, jnp.ones_like(hn), dims,
                                  preferred_element_type=jnp.float32)
    rows = []
    for g in range(G):
        m = (b == g)
        rows.append(jnp.max(jnp.where(m, hn, -jnp.inf), axis=0, keepdims=True))
    max_s[...] = jnp.maximum(max_s[...], jnp.concatenate(rows, axis=0))

    @pl.when(i == (N // R) - 1)
    def _():
        sums = sums_s[...]
        cnt = jnp.maximum(cnt_s[...], 1.0)
        pooled = jnp.concatenate([sums / cnt, sums, max_s[...]], axis=1)
        o1 = jnp.dot(pooled, fcw1_ref[...], preferred_element_type=jnp.float32)
        o1 = jnp.maximum(o1 + fcb1_ref[...], 0.0)
        out_ref[...] = (jnp.dot(o1, fcw2_ref[...],
                                preferred_element_type=jnp.float32)
                        + fcb2_ref[...])


def _tc_c(acca, accb, hsa, hsb, dego, b2, g2, be2, batch2,
          fcW1, fcb1, fcW2, fcb2):
    row = pl.BlockSpec((R, HALF), lambda i: (i, 0))
    vec = pl.BlockSpec((1, DH), lambda i: (0, 0))
    return pl.pallas_call(
        _tc_c_body,
        grid=(N // R,),
        in_specs=[
            row, row, row, row,
            row,
            vec, vec, vec,
            pl.BlockSpec((R, 1), lambda i: (i, 0)),
            pl.BlockSpec((3 * DH, DH), lambda i: (0, 0)),
            vec,
            pl.BlockSpec((DH, D_OUT), lambda i: (0, 0)),
            pl.BlockSpec((1, D_OUT), lambda i: (0, 0)),
        ],
        out_specs=pl.BlockSpec((G, D_OUT), lambda i: (0, 0)),
        out_shape=jax.ShapeDtypeStruct((G, D_OUT), jnp.float32),
        scratch_shapes=[
            pltpu.VMEM((G, DH), jnp.float32),
            pltpu.VMEM((G, DH), jnp.float32),
            pltpu.VMEM((G, DH), jnp.float32),
        ],
    )(acca, accb, hsa, hsb, dego, b2, g2, be2, batch2,
      fcW1, fcb1, fcW2, fcb2)



def kernel(x, edge_index, batch, W1, b1, W2, b2, g1, be1, g2, be2,
           fcW1, fcb1, fcW2, fcb2):
    src = edge_index[0].astype(jnp.int32)
    dst = edge_index[1].astype(jnp.int32)
    srcs = jnp.concatenate([src, jnp.zeros((PAD,), jnp.int32)])
    srcs = srcs.reshape(TILES * NB, B * CH)
    dstp = jnp.concatenate([dst, jnp.full((PAD,), JUNK, jnp.int32)])
    dsts = dstp.reshape(TILES * NB, B, CH)
    zrows = jnp.zeros((ZPT, HALF), jnp.float32)
    onesh = jnp.ones((N, HALF), jnp.float32)
    batch2 = batch.astype(jnp.int32).reshape(N, 1)

    agg_call = _sc_kernels()
    dego, _unused = agg_call(onesh, onesh, srcs, dsts, zrows)
    hs1a, hs1b = _tc_a(x, W1, dego)
    acc1a, acc1b = agg_call(hs1a, hs1b, srcs, dsts, zrows)
    hs2a, hs2b = _tc_b(acc1a, acc1b, hs1a, hs1b, dego,
                       b1.reshape(1, -1), g1.reshape(1, -1),
                       be1.reshape(1, -1), W2)
    acc2a, acc2b = agg_call(hs2a, hs2b, srcs, dsts, zrows)
    return _tc_c(acc2a, acc2b, hs2a, hs2b, dego,
                 b2.reshape(1, -1), g2.reshape(1, -1), be2.reshape(1, -1),
                 batch2, fcW1, fcb1.reshape(1, -1), fcW2, fcb2.reshape(1, -1))

# --- scband reference (transcript-rebuilt; emitter-appended) ---
"""Pipeline reference for scband-graph-pooling-model-layer-2-51616916963375 (READ-ONLY COPY).

The authoritative reference and input builder live on the scoring server;
editing this copy changes nothing except your own understanding.
"""

import jax, jax.numpy as jnp
import numpy as np

N = 10000
E = 320000
D_IN = 128
D_H = 256
D_OUT = 128
G = 16


def layer_norm(x, g, b, eps=1e-5):
    mu = jnp.mean(x, axis=-1, keepdims=True)
    var = jnp.var(x, axis=-1, keepdims=True)
    return (x - mu) * jax.lax.rsqrt(var + eps) * g + b


def gcn_conv(x, W, b, src, dst):
    # PyG GCNConv default: add self-loops, symmetric normalization
    h = x @ W
    ones = jnp.ones((src.shape[0],), dtype=x.dtype)
    deg = jax.ops.segment_sum(ones, dst, num_segments=N) + 1.0  # +1 for self-loop
    dinv = jax.lax.rsqrt(deg)
    norm = dinv[src] * dinv[dst]
    msg = h[src] * norm[:, None]
    agg = jax.ops.segment_sum(msg, dst, num_segments=N)
    agg = agg + h * (dinv * dinv)[:, None]  # self-loop message
    return agg + b


def setup_inputs(seed: int = 0) -> dict:
    key = jax.random.key(seed)
    ks = jax.random.split(key, 16)
    x = jax.random.normal(ks[0], (N, D_IN), dtype=jnp.float32)
    edge_index = jax.random.randint(ks[1], (2, E), 0, N, dtype=jnp.int64)
    batch = jnp.sort(jax.random.randint(ks[2], (N,), 0, G, dtype=jnp.int64))
    s1 = 1.0 / np.sqrt(D_IN)
    s2 = 1.0 / np.sqrt(D_H)
    s3 = 1.0 / np.sqrt(3 * D_H)
    W1 = jax.random.uniform(ks[3], (D_IN, D_H), jnp.float32, -s1, s1)
    b1 = jnp.zeros((D_H,), jnp.float32)
    W2 = jax.random.uniform(ks[4], (D_H, D_H), jnp.float32, -s2, s2)
    b2 = jnp.zeros((D_H,), jnp.float32)
    g1 = jnp.ones((D_H,), jnp.float32)
    be1 = jnp.zeros((D_H,), jnp.float32)
    g2 = jnp.ones((D_H,), jnp.float32)
    be2 = jnp.zeros((D_H,), jnp.float32)
    fcW1 = jax.random.uniform(ks[5], (3 * D_H, D_H), jnp.float32, -s3, s3)
    fcb1 = jnp.zeros((D_H,), jnp.float32)
    fcW2 = jax.random.uniform(ks[6], (D_H, D_OUT), jnp.float32, -s2, s2)
    fcb2 = jnp.zeros((D_OUT,), jnp.float32)
    return {"x": x, "edge_index": edge_index, "batch": batch,
            "W1": W1, "b1": b1, "W2": W2, "b2": b2,
            "g1": g1, "be1": be1, "g2": g2, "be2": be2,
            "fcW1": fcW1, "fcb1": fcb1, "fcW2": fcW2, "fcb2": fcb2}


def reference(x, edge_index, batch, W1, b1, W2, b2, g1, be1, g2, be2, fcW1, fcb1, fcW2, fcb2):
    src, dst = edge_index[0], edge_index[1]
    h = jax.nn.relu(gcn_conv(x, W1, b1, src, dst))
    h = layer_norm(h, g1, be1)
    h = jax.nn.relu(gcn_conv(h, W2, b2, src, dst))
    h = layer_norm(h, g2, be2)
    # global pools over graph ids
    sums = jax.ops.segment_sum(h, batch, num_segments=G)
    counts = jax.ops.segment_sum(jnp.ones((N,), h.dtype), batch, num_segments=G)
    counts = jnp.maximum(counts, 1.0)
    mean = sums / counts[:, None]
    gmax = jax.ops.segment_max(h, batch, num_segments=G)
    pooled = jnp.concatenate([mean, sums, gmax], axis=1)
    # dropout in eval mode -> identity
    out = jax.nn.relu(pooled @ fcW1 + fcb1)
    out = out @ fcW2 + fcb2
    return out

if __name__ == "__main__":
    import jax
    _d = setup_inputs()
    print(jax.jit(kernel)(*tuple(_d.values())))

</pallas_src>

<mosaic_0001>
#map = affine_map<(d0, d1) -> (0, 0)>
#map1 = affine_map<(d0, d1) -> (0, 0, 0)>
module attributes {stable_mosaic.version = 14 : i64} {
  func.func @_agg_body(%arg0: i32, %arg1: i32, %arg2: memref<10000x128xf32, #tpu.memory_space<hbm>>, %arg3: memref<10000x128xf32, #tpu.memory_space<hbm>>, %arg4: memref<176x1920xi32, #tpu.memory_space<hbm>>, %arg5: memref<176x30x64xi32, #tpu.memory_space<hbm>>, %arg6: memref<632x128xf32, #tpu.memory_space<hbm>>, %arg7: memref<10112x128xf32, #tpu.memory_space<hbm>>, %arg8: memref<10112x128xf32, #tpu.memory_space<hbm>>, %arg9: memref<1920xi32, #tpu.memory_space<vmem>>, %arg10: memref<30x64xi32, #tpu.memory_space<vmem>>, %arg11: memref<64x128xf32, #tpu.memory_space<vmem>>, %arg12: memref<64x128xf32, #tpu.memory_space<vmem>>, %arg13: memref<64x128xf32, #tpu.memory_space<vmem>>, %arg14: memref<10112x128xf32, #tpu.memory_space<vmem_shared>>, %arg15: memref<!tpu.dma_semaphore, #tpu.memory_space<semaphore_mem>>, %arg16: memref<!tpu.dma_semaphore, #tpu.memory_space<semaphore_mem>>, %arg17: memref<!tpu.dma_semaphore, #tpu.memory_space<semaphore_mem>>, %arg18: memref<!tpu.dma_semaphore, #tpu.memory_space<semaphore_mem>>, %arg19: memref<!tpu.dma_semaphore, #tpu.memory_space<semaphore_mem>>, %arg20: memref<!tpu.dma_semaphore, #tpu.memory_space<semaphore_mem>>) attributes {dimension_semantics = [#tpu.dimension_semantics<core_parallel>, #tpu.dimension_semantics<subcore_parallel>], iteration_bounds = array<i64: 2, 16>, scalar_prefetch = 0 : i64, scratch_operands = 12 : i64, tpu.core_type = #tpu.core_type<sc_vector_subcore>, window_params = [{transform_indices = #map}, {transform_indices = #map}, {transform_indices = #map}, {transform_indices = #map1}, {transform_indices = #map}, {transform_indices = #map}, {transform_indices = #map}]} {
    %mul3A = arith.constant 632 : i32
    %mul3A_0 = arith.muli %arg1, %mul3A : i32
    "tpu.region"() ({
      %run_scoped3A = tpu.sem_alloc : memref<!tpu.dma_semaphore, #tpu.memory_space<semaphore_mem>>
      %dma_start3A = arith.constant 0 : i32
      %dma_start3A_8 = tpu.memref_slice %arg14[%mul3A_0, %dma_start3A] : memref<10112x128xf32, #tpu.memory_space<vmem_shared>> -> memref<632x128xf32, #tpu.memory_space<vmem_shared>>
      tpu.enqueue_dma source(%arg6 : memref<632x128xf32, #tpu.memory_space<hbm>>) target(%dma_start3A_8 : memref<632x128xf32, #tpu.memory_space<vmem_shared>>) target_semaphore(%run_scoped3A : memref<!tpu.dma_semaphore, #tpu.memory_space<semaphore_mem>>)
      %dma_wait3A = arith.constant 0 : i32
      %dma_wait3A_9 = tpu.memref_slice %arg14[%mul3A_0, %dma_wait3A] : memref<10112x128xf32, #tpu.memory_space<vmem_shared>> -> memref<632x128xf32, #tpu.memory_space<vmem_shared>>
      tpu.wait_dma2 semaphore(%run_scoped3A : memref<!tpu.dma_semaphore, #tpu.memory_space<semaphore_mem>>) src(%arg6 : memref<632x128xf32, #tpu.memory_space<hbm>>) dst(%dma_wait3A_9 : memref<632x128xf32, #tpu.memory_space<vmem_shared>>)
      tpu.yield
    }) : () -> ()
    %barrier3A = arith.constant 0 : index
    tpu.barrier barrier_id(%barrier3A)
    %eq3A = arith.constant 0 : i32
    %eq3A_1 = arith.cmpi eq, %arg0, %eq3A : i32
    %convert_element_type3A = arith.extui %eq3A_1 : i1 to i32
    %cond3A = arith.constant 0 : i32
    %cond3A_2 = arith.cmpi ne, %convert_element_type3A, %cond3A : i32
    scf.if %cond3A_2 {
      %scan3A = arith.constant 0 : i32
      %scan3A_8 = arith.constant 0 : i32
      %scan3A_9 = arith.constant 11 : i32
      %scan3A_10 = arith.addi %scan3A_8, %scan3A_9 : i32
      %scan3A_11 = arith.constant 1 : i32
      scf.for %scan3A_16 = %scan3A_8 to %scan3A_10 step %scan3A_11  : i32 {
        %mul3A_17 = arith.constant 11 : i32
        %mul3A_18 = arith.muli %arg1, %mul3A_17 : i32
        %add3A = arith.addi %mul3A_18, %scan3A_16 : i32
        "tpu.region"() ({
          %run_scoped3A = tpu.sem_alloc : memref<!tpu.dma_semaphore, #tpu.memory_space<semaphore_mem>>
          %dma_start3A_43 = arith.constant 0 : i32
          %dma_start3A_44 = tpu.memref_slice %arg4[%add3A, %dma_start3A_43] : memref<176x1920xi32, #tpu.memory_space<hbm>> -> memref<1x1920xi32, #tpu.memory_space<hbm>>
          %dma_start3A_45 = tpu.memref_squeeze %dma_start3A_44 : memref<1x1920xi32, #tpu.memory_space<hbm>> -> memref<1920xi32, #tpu.memory_space<hbm>>
          %dma_start3A_46 = arith.constant 0 : i32
          %dma_start3A_47 = tpu.memref_slice %arg4[%add3A, %dma_start3A_46] : memref<176x1920xi32, #tpu.memory_space<hbm>> -> memref<1x1920xi32, #tpu.memory_space<hbm>>
          %dma_start3A_48 = tpu.memref_squeeze %dma_start3A_47 : memref<1x1920xi32, #tpu.memory_space<hbm>> -> memref<1920xi32, #tpu.memory_space<hbm>>
          tpu.enqueue_dma source(%dma_start3A_48 : memref<1920xi32, #tpu.memory_space<hbm>>) target(%arg9 : memref<1920xi32, #tpu.memory_space<vmem>>) target_semaphore(%run_scoped3A : memref<!tpu.dma_semaphore, #tpu.memory_space<semaphore_mem>>)
          %dma_wait3A_49 = arith.constant 0 : i32
          %dma_wait3A_50 = tpu.memref_slice %arg4[%add3A, %dma_wait3A_49] : memref<176x1920xi32, #tpu.memory_space<hbm>> -> memref<1x1920xi32, #tpu.memory_space<hbm>>
          %dma_wait3A_51 = tpu.memref_squeeze %dma_wait3A_50 : memref<1x1920xi32, #tpu.memory_space<hbm>> -> memref<1920xi32, #tpu.memory_space<hbm>>
          %dma_wait3A_52 = arith.constant 0 : i32
          %dma_wait3A_53 = tpu.memref_slice %arg4[%add3A, %dma_wait3A_52] : memref<176x1920xi32, #tpu.memory_space<hbm>> -> memref<1x1920xi32, #tpu.memory_space<hbm>>
          %dma_wait3A_54 = tpu.memref_squeeze %dma_wait3A_53 : memref<1x1920xi32, #tpu.memory_space<hbm>> -> memref<1920xi32, #tpu.memory_space<hbm>>
          tpu.wait_dma2 semaphore(%run_scoped3A : memref<!tpu.dma_semaphore, #tpu.memory_space<semaphore_mem>>) src(%dma_wait3A_54 : memref<1920xi32, #tpu.memory_space<hbm>>) dst(%arg9 : memref<1920xi32, #tpu.memory_space<vmem>>)
          tpu.yield
        }) : () -> ()
        %mul3A_19 = arith.constant 11 : i32
        %mul3A_20 = arith.muli %arg1, %mul3A_19 : i32
        %add3A_21 = arith.addi %mul3A_20, %scan3A_16 : i32
        "tpu.region"() ({
          %run_scoped3A = tpu.sem_alloc : memref<!tpu.dma_semaphore, #tpu.memory_space<semaphore_mem>>
          %dma_start3A_43 = arith.constant 0 : i32
          %dma_start3A_44 = arith.constant 0 : i32
          %dma_start3A_45 = tpu.memref_slice %arg5[%add3A_21, %dma_start3A_43, %dma_start3A_44] : memref<176x30x64xi32, #tpu.memory_space<hbm>> -> memref<1x30x64xi32, #tpu.memory_space<hbm>>
          %dma_start3A_46 = tpu.memref_squeeze %dma_start3A_45 : memref<1x30x64xi32, #tpu.memory_space<hbm>> -> memref<30x64xi32, #tpu.memory_space<hbm>>
          %dma_start3A_47 = arith.constant 0 : i32
          %dma_start3A_48 = arith.constant 0 : i32
          %dma_start3A_49 = tpu.memref_slice %arg5[%add3A_21, %dma_start3A_47, %dma_start3A_48] : memref<176x30x64xi32, #tpu.memory_space<hbm>> -> memref<1x30x64xi32, #tpu.memory_space<hbm>>
          %dma_start3A_50 = tpu.memref_squeeze %dma_start3A_49 : memref<1x30x64xi32, #tpu.memory_space<hbm>> -> memref<30x64xi32, #tpu.memory_space<hbm>>
          tpu.enqueue_dma source(%dma_start3A_50 : memref<30x64xi32, #tpu.memory_space<hbm>>) target(%arg10 : memref<30x64xi32, #tpu.memory_space<vmem>>) target_semaphore(%run_scoped3A : memref<!tpu.dma_semaphore, #tpu.memory_space<semaphore_mem>>)
          %dma_wait3A_51 = arith.constant 0 : i32
          %dma_wait3A_52 = arith.constant 0 : i32
          %dma_wait3A_53 = tpu.memref_slice %arg5[%add3A_21, %dma_wait3A_51, %dma_wait3A_52] : memref<176x30x64xi32, #tpu.memory_space<hbm>> -> memref<1x30x64xi32, #tpu.memory_space<hbm>>
          %dma_wait3A_54 = tpu.memref_squeeze %dma_wait3A_53 : memref<1x30x64xi32, #tpu.memory_space<hbm>> -> memref<30x64xi32, #tpu.memory_space<hbm>>
          %dma_wait3A_55 = arith.constant 0 : i32
          %dma_wait3A_56 = arith.constant 0 : i32
          %dma_wait3A_57 = tpu.memref_slice %arg5[%add3A_21, %dma_wait3A_55, %dma_wait3A_56] : memref<176x30x64xi32, #tpu.memory_space<hbm>> -> memref<1x30x64xi32, #tpu.memory_space<hbm>>
          %dma_wait3A_58 = tpu.memref_squeeze %dma_wait3A_57 : memref<1x30x64xi32, #tpu.memory_space<hbm>> -> memref<30x64xi32, #tpu.memory_space<hbm>>
          tpu.wait_dma2 semaphore(%run_scoped3A : memref<!tpu.dma_semaphore, #tpu.memory_space<semaphore_mem>>) src(%dma_wait3A_58 : memref<30x64xi32, #tpu.memory_space<hbm>>) dst(%arg10 : memref<30x64xi32, #tpu.memory_space<vmem>>)
          tpu.yield
        }) : () -> ()
        %dma_start3A = arith.constant 0 : i32
        %dma_start3A_22 = tpu.memref_slice %arg9[%dma_start3A] : memref<1920xi32, #tpu.memory_space<vmem>> -> memref<64xi32, #tpu.memory_space<vmem>>
        %dma_start3A_23 = arith.constant 0 : i32
        %dma_start3A_24 = arith.constant 0 : i32
        %dma_start3A_25 = tpu.memref_slice %arg2[%dma_start3A_23, %dma_start3A_24] : memref<10000x128xf32, #tpu.memory_space<hbm>> -> memref<10000x128xf32, #tpu.memory_space<hbm>>
        tpu.enqueue_indirect_dma source(%dma_start3A_25 : memref<10000x128xf32, #tpu.memory_space<hbm>>) target(%arg11 : memref<64x128xf32, #tpu.memory_space<vmem>>) offsets(%dma_start3A_22 : memref<64xi32, #tpu.memory_space<vmem>>) semaphore(%arg15 : memref<!tpu.dma_semaphore, #tpu.memory_space<semaphore_mem>>)
        %dma_start3A_26 = arith.constant 64 : i32
        %dma_start3A_27 = tpu.memref_slice %arg9[%dma_start3A_26] : memref<1920xi32, #tpu.memory_space<vmem>> -> memref<64xi32, #tpu.memory_space<vmem>>
        %dma_start3A_28 = arith.constant 0 : i32
        %dma_start3A_29 = arith.constant 0 : i32
        %dma_start3A_30 = tpu.memref_slice %arg2[%dma_start3A_28, %dma_start3A_29] : memref<10000x128xf32, #tpu.memory_space<hbm>> -> memref<10000x128xf32, #tpu.memory_space<hbm>>
        tpu.enqueue_indirect_dma source(%dma_start3A_30 : memref<10000x128xf32, #tpu.memory_space<hbm>>) target(%arg12 : memref<64x128xf32, #tpu.memory_space<vmem>>) offsets(%dma_start3A_27 : memref<64xi32, #tpu.memory_space<vmem>>) semaphore(%arg16 : memref<!tpu.dma_semaphore, #tpu.memory_space<semaphore_mem>>)
        %scan3A_31 = arith.constant 0 : i32
        %scan3A_32 = arith.constant 0 : i32
        %scan3A_33 = arith.constant 10 : i32
        %scan3A_34 = arith.addi %scan3A_32, %scan3A_33 : i32
        %scan3A_35 = arith.constant 1 : i32
        scf.for %scan3A_43 = %scan3A_32 to %scan3A_34 step %scan3A_35  : i32 {
          %mul3A_44 = arith.constant 3 : i32
          %mul3A_45 = arith.muli %mul3A_44, %scan3A_43 : i32
          %add3A_46 = arith.constant 0 : i32
          %add3A_47 = arith.addi %mul3A_45, %add3A_46 : i32
          %dma_wait3A_48 = arith.constant 0 : i32
          %dma_wait3A_49 = tpu.memref_slice %arg9[%dma_wait3A_48] : memref<1920xi32, #tpu.memory_space<vmem>> -> memref<64xi32, #tpu.memory_space<vmem>>
          %dma_wait3A_50 = arith.constant 0 : i32
          %dma_wait3A_51 = arith.constant 0 : i32
          %dma_wait3A_52 = tpu.memref_slice %arg2[%dma_wait3A_50, %dma_wait3A_51] : memref<10000x128xf32, #tpu.memory_space<hbm>> -> memref<10000x128xf32, #tpu.memory_space<hbm>>
          tpu.wait_indirect_dma semaphore(%arg15 : memref<!tpu.dma_semaphore, #tpu.memory_space<semaphore_mem>>) src(%dma_wait3A_52 : memref<10000x128xf32, #tpu.memory_space<hbm>>) dst(%arg11 : memref<64x128xf32, #tpu.memory_space<vmem>>)
          %dma_start3A_53 = arith.constant 0 : i32
          %dma_start3A_54 = tpu.memref_slice %arg10[%add3A_47, %dma_start3A_53] : memref<30x64xi32, #tpu.memory_space<vmem>> -> memref<1x64xi32, #tpu.memory_space<vmem>>
          %dma_start3A_55 = tpu.memref_squeeze %dma_start3A_54 : memref<1x64xi32, #tpu.memory_space<vmem>> -> memref<64xi32, #tpu.memory_space<vmem>>
          %dma_start3A_56 = arith.constant 0 : i32
          %dma_start3A_57 = arith.constant 0 : i32
          %dma_start3A_58 = tpu.memref_slice %arg14[%dma_start3A_56, %dma_start3A_57] : memref<10112x128xf32, #tpu.memory_space<vmem_shared>> -> memref<10112x128xf32, #tpu.memory_space<vmem_shared>>
          tpu.enqueue_indirect_dma source(%arg11 : memref<64x128xf32, #tpu.memory_space<vmem>>) target(%dma_start3A_58 : memref<10112x128xf32, #tpu.memory_space<vmem_shared>>) offsets(%dma_start3A_55 : memref<64xi32, #tpu.memory_space<vmem>>) semaphore(%arg18 : memref<!tpu.dma_semaphore, #tpu.memory_space<semaphore_mem>>) {add = true}
          %gt3A = arith.constant 0 : i32
          %gt3A_59 = arith.cmpi sgt, %scan3A_43, %gt3A : i32
          %convert_element_type3A_60 = arith.extui %gt3A_59 : i1 to i32
          %cond3A_61 = arith.constant 0 : i32
          %cond3A_62 = arith.cmpi ne, %convert_element_type3A_60, %cond3A_61 : i32
          scf.if %cond3A_62 {
            %dma_wait3A_124 = arith.constant 0 : i32
            %dma_wait3A_125 = arith.constant 0 : i32
            %dma_wait3A_126 = tpu.memref_slice %arg10[%dma_wait3A_124, %dma_wait3A_125] : memref<30x64xi32, #tpu.memory_space<vmem>> -> memref<1x64xi32, #tpu.memory_space<vmem>>
            %dma_wait3A_127 = tpu.memref_squeeze %dma_wait3A_126 : memref<1x64xi32, #tpu.memory_space<vmem>> -> memref<64xi32, #tpu.memory_space<vmem>>
            %dma_wait3A_128 = arith.constant 0 : i32
            %dma_wait3A_129 = arith.constant 0 : i32
            %dma_wait3A_130 = tpu.memref_slice %arg14[%dma_wait3A_128, %dma_wait3A_129] : memref<10112x128xf32, #tpu.memory_space<vmem_shared>> -> memref<10112x128xf32, #tpu.memory_space<vmem_shared>>
            tpu.wait_indirect_dma semaphore(%arg20 : memref<!tpu.dma_semaphore, #tpu.memory_space<semaphore_mem>>) src(%arg13 : memref<64x128xf32, #tpu.memory_space<vmem>>) dst(%dma_wait3A_130 : memref<10112x128xf32, #tpu.memory_space<vmem_shared>>)
          } else {
          }
          %add3A_63 = arith.constant 2 : i32
          %add3A_64 = arith.addi %add3A_47, %add3A_63 : i32
          %mul3A_65 = arith.constant 64 : i32
          %mul3A_66 = arith.muli %add3A_64, %mul3A_65 : i32
          %dma_start3A_67 = tpu.memref_slice %arg9[%mul3A_66] : memref<1920xi32, #tpu.memory_space<vmem>> -> memref<64xi32, #tpu.memory_space<vmem>>
          %dma_start3A_68 = arith.constant 0 : i32
          %dma_start3A_69 = arith.constant 0 : i32
          %dma_start3A_70 = tpu.memref_slice %arg2[%dma_start3A_68, %dma_start3A_69] : memref<10000x128xf32, #tpu.memory_space<hbm>> -> memref<10000x128xf32, #tpu.memory_space<hbm>>
          tpu.enqueue_indirect_dma source(%dma_start3A_70 : memref<10000x128xf32, #tpu.memory_space<hbm>>) target(%arg13 : memref<64x128xf32, #tpu.memory_space<vmem>>) offsets(%dma_start3A_67 : memref<64xi32, #tpu.memory_space<vmem>>) semaphore(%arg17 : memref<!tpu.dma_semaphore, #tpu.memory_space<semaphore_mem>>)
          %mul3A_71 = arith.constant 3 : i32
          %mul3A_72 = arith.muli %mul3A_71, %scan3A_43 : i32
          %add3A_73 = arith.constant 1 : i32
          %add3A_74 = arith.addi %mul3A_72, %add3A_73 : i32
          %dma_wait3A_75 = arith.constant 0 : i32
          %dma_wait3A_76 = tpu.memref_slice %arg9[%dma_wait3A_75] : memref<1920xi32, #tpu.memory_space<vmem>> -> memref<64xi32, #tpu.memory_space<vmem>>
          %dma_wait3A_77 = arith.constant 0 : i32
          %dma_wait3A_78 = arith.constant 0 : i32
          %dma_wait3A_79 = tpu.memref_slice %arg2[%dma_wait3A_77, %dma_wait3A_78] : memref<10000x128xf32, #tpu.memory_space<hbm>> -> memref<10000x128xf32, #tpu.memory_space<hbm>>
          tpu.wait_indirect_dma semaphore(%arg16 : memref<!tpu.dma_semaphore, #tpu.memory_space<semaphore_mem>>) src(%dma_wait3A_79 : memref<10000x128xf32, #tpu.memory_space<hbm>>) dst(%arg12 : memref<64x128xf32, #tpu.memory_space<vmem>>)
          %dma_start3A_80 = arith.constant 0 : i32
          %dma_start3A_81 = tpu.memref_slice %arg10[%add3A_74, %dma_start3A_80] : memref<30x64xi32, #tpu.memory_space<vmem>> -> memref<1x64xi32, #tpu.memory_space<vmem>>
          %dma_start3A_82 = tpu.memref_squeeze %dma_start3A_81 : memref<1x64xi32, #tpu.memory_space<vmem>> -> memref<64xi32, #tpu.memory_space<vmem>>
          %dma_start3A_83 = arith.constant 0 : i32
          %dma_start3A_84 = arith.constant 0 : i32
          %dma_start3A_85 = tpu.memref_slice %arg14[%dma_start3A_83, %dma_start3A_84] : memref<10112x128xf32, #tpu.memory_space<vmem_shared>> -> memref<10112x128xf32, #tpu.memory_space<vmem_shared>>
          tpu.enqueue_indirect_dma source(%arg12 : memref<64x128xf32, #tpu.memory_space<vmem>>) target(%dma_start3A_85 : memref<10112x128xf32, #tpu.memory_space<vmem_shared>>) offsets(%dma_start3A_82 : memref<64xi32, #tpu.memory_space<vmem>>) semaphore(%arg19 : memref<!tpu.dma_semaphore, #tpu.memory_space<semaphore_mem>>) {add = true}
          %dma_wait3A_86 = arith.constant 0 : i32
          %dma_wait3A_87 = arith.constant 0 : i32
          %dma_wait3A_88 = tpu.memref_slice %arg10[%dma_wait3A_86, %dma_wait3A_87] : memref<30x64xi32, #tpu.memory_space<vmem>> -> memref<1x64xi32, #tpu.memory_space<vmem>>
          %dma_wait3A_89 = tpu.memref_squeeze %dma_wait3A_88 : memref<1x64xi32, #tpu.memory_space<vmem>> -> memref<64xi32, #tpu.memory_space<vmem>>
          %dma_wait3A_90 = arith.constant 0 : i32
          %dma_wait3A_91 = arith.constant 0 : i32
          %dma_wait3A_92 = tpu.memref_slice %arg14[%dma_wait3A_90, %dma_wait3A_91] : memref<10112x128xf32, #tpu.memory_space<vmem_shared>> -> memref<10112x128xf32, #tpu.memory_space<vmem_shared>>
          tpu.wait_indirect_dma semaphore(%arg18 : memref<!tpu.dma_semaphore, #tpu.memory_space<semaphore_mem>>) src(%arg11 : memref<64x128xf32, #tpu.memory_space<vmem>>) dst(%dma_wait3A_92 : memref<10112x128xf32, #tpu.memory_space<vmem_shared>>)
          %lt3A = arith.constant 9 : i32
          %lt3A_93 = arith.cmpi slt, %scan3A_43, %lt3A : i32
          %convert_element_type3A_94 = arith.extui %lt3A_93 : i1 to i32
          %cond3A_95 = arith.constant 0 : i32
          %cond3A_96 = arith.cmpi ne, %convert_element_type3A_94, %cond3A_95 : i32
          scf.if %cond3A_96 {
            %add3A_124 = arith.constant 2 : i32
            %add3A_125 = arith.addi %add3A_74, %add3A_124 : i32
            %mul3A_126 = arith.constant 64 : i32
            %mul3A_127 = arith.muli %add3A_125, %mul3A_126 : i32
            %dma_start3A_128 = tpu.memref_slice %arg9[%mul3A_127] : memref<1920xi32, #tpu.memory_space<vmem>> -> memref<64xi32, #tpu.memory_space<vmem>>
            %dma_start3A_129 = arith.constant 0 : i32
            %dma_start3A_130 = arith.constant 0 : i32
            %dma_start3A_131 = tpu.memref_slice %arg2[%dma_start3A_129, %dma_start3A_130] : memref<10000x128xf32, #tpu.memory_space<hbm>> -> memref<10000x128xf32, #tpu.memory_space<hbm>>
            tpu.enqueue_indirect_dma source(%dma_start3A_131 : memref<10000x128xf32, #tpu.memory_space<hbm>>) target(%arg11 : memref<64x128xf32, #tpu.memory_space<vmem>>) offsets(%dma_start3A_128 : memref<64xi32, #tpu.memory_space<vmem>>) semaphore(%arg15 : memref<!tpu.dma_semaphore, #tpu.memory_space<semaphore_mem>>)
          } else {
          }
          %mul3A_97 = arith.constant 3 : i32
          %mul3A_98 = arith.muli %mul3A_97, %scan3A_43 : i32
          %add3A_99 = arith.constant 2 : i32
          %add3A_100 = arith.addi %mul3A_98, %add3A_99 : i32
          %dma_wait3A_101 = arith.constant 0 : i32
          %dma_wait3A_102 = tpu.memref_slice %arg9[%dma_wait3A_101] : memref<1920xi32, #tpu.memory_space<vmem>> -> memref<64xi32, #tpu.memory_space<vmem>>
          %dma_wait3A_103 = arith.constant 0 : i32
          %dma_wait3A_104 = arith.constant 0 : i32
          %dma_wait3A_105 = tpu.memref_slice %arg2[%dma_wait3A_103, %dma_wait3A_104] : memref<10000x128xf32, #tpu.memory_space<hbm>> -> memref<10000x128xf32, #tpu.memory_space<hbm>>
          tpu.wait_indirect_dma semaphore(%arg17 : memref<!tpu.dma_semaphore, #tpu.memory_space<semaphore_mem>>) src(%dma_wait3A_105 : memref<10000x128xf32, #tpu.memory_space<hbm>>) dst(%arg13 : memref<64x128xf32, #tpu.memory_space<vmem>>)
          %dma_start3A_106 = arith.constant 0 : i32
          %dma_start3A_107 = tpu.memref_slice %arg10[%add3A_100, %dma_start3A_106] : memref<30x64xi32, #tpu.memory_space<vmem>> -> memref<1x64xi32, #tpu.memory_space<vmem>>
          %dma_start3A_108 = tpu.memref_squeeze %dma_start3A_107 : memref<1x64xi32, #tpu.memory_space<vmem>> -> memref<64xi32, #tpu.memory_space<vmem>>
          %dma_start3A_109 = arith.constant 0 : i32
          %dma_start3A_110 = arith.constant 0 : i32
          %dma_start3A_111 = tpu.memref_slice %arg14[%dma_start3A_109, %dma_start3A_110] : memref<10112x128xf32, #tpu.memory_space<vmem_shared>> -> memref<10112x128xf32, #tpu.memory_space<vmem_shared>>
          tpu.enqueue_indirect_dma source(%arg13 : memref<64x128xf32, #tpu.memory_space<vmem>>) target(%dma_start3A_111 : memref<10112x128xf32, #tpu.memory_space<vmem_shared>>) offsets(%dma_start3A_108 : memref<64xi32, #tpu.memory_space<vmem>>) semaphore(%arg20 : memref<!tpu.dma_semaphore, #tpu.memory_space<semaphore_mem>>) {add = true}
          %dma_wait3A_112 = arith.constant 0 : i32
          %dma_wait3A_113 = arith.constant 0 : i32
          %dma_wait3A_114 = tpu.memref_slice %arg10[%dma_wait3A_112, %dma_wait3A_113] : memref<30x64xi32, #tpu.memory_space<vmem>> -> memref<1x64xi32, #tpu.memory_space<vmem>>
          %dma_wait3A_115 = tpu.memref_squeeze %dma_wait3A_114 : memref<1x64xi32, #tpu.memory_space<vmem>> -> memref<64xi32, #tpu.memory_space<vmem>>
          %dma_wait3A_116 = arith.constant 0 : i32
          %dma_wait3A_117 = arith.constant 0 : i32
          %dma_wait3A_118 = tpu.memref_slice %arg14[%dma_wait3A_116, %dma_wait3A_117] : memref<10112x128xf32, #tpu.memory_space<vmem_shared>> -> memref<10112x128xf32, #tpu.memory_space<vmem_shared>>
          tpu.wait_indirect_dma semaphore(%arg19 : memref<!tpu.dma_semaphore, #tpu.memory_space<semaphore_mem>>) src(%arg12 : memref<64x128xf32, #tpu.memory_space<vmem>>) dst(%dma_wait3A_118 : memref<10112x128xf32, #tpu.memory_space<vmem_shared>>)
          %lt3A_119 = arith.constant 9 : i32
          %lt3A_120 = arith.cmpi slt, %scan3A_43, %lt3A_119 : i32
          %convert_element_type3A_121 = arith.extui %lt3A_120 : i1 to i32
          %cond3A_122 = arith.constant 0 : i32
          %cond3A_123 = arith.cmpi ne, %convert_element_type3A_121, %cond3A_122 : i32
          scf.if %cond3A_123 {
            %add3A_124 = arith.constant 2 : i32
            %add3A_125 = arith.addi %add3A_100, %add3A_124 : i32
            %mul3A_126 = arith.constant 64 : i32
            %mul3A_127 = arith.muli %add3A_125, %mul3A_126 : i32
            %dma_start3A_128 = tpu.memref_slice %arg9[%mul3A_127] : memref<1920xi32, #tpu.memory_space<vmem>> -> memref<64xi32, #tpu.memory_space<vmem>>
            %dma_start3A_129 = arith.constant 0 : i32
            %dma_start3A_130 = arith.constant 0 : i32
            %dma_start3A_131 = tpu.memref_slice %arg2[%dma_start3A_129, %dma_start3A_130] : memref<10000x128xf32, #tpu.memory_space<hbm>> -> memref<10000x128xf32, #tpu.memory_space<hbm>>
            tpu.enqueue_indirect_dma source(%dma_start3A_131 : memref<10000x128xf32, #tpu.memory_space<hbm>>) target(%arg12 : memref<64x128xf32, #tpu.memory_space<vmem>>) offsets(%dma_start3A_128 : memref<64xi32, #tpu.memory_space<vmem>>) semaphore(%arg16 : memref<!tpu.dma_semaphore, #tpu.memory_space<semaphore_mem>>)
          } else {
          }
        }
        %scan3A_36 = arith.constant 10 : i32
        %dma_wait3A = arith.constant 0 : i32
        %dma_wait3A_37 = arith.constant 0 : i32
        %dma_wait3A_38 = tpu.memref_slice %arg10[%dma_wait3A, %dma_wait3A_37] : memref<30x64xi32, #tpu.memory_space<vmem>> -> memref<1x64xi32, #tpu.memory_space<vmem>>
        %dma_wait3A_39 = tpu.memref_squeeze %dma_wait3A_38 : memref<1x64xi32, #tpu.memory_space<vmem>> -> memref<64xi32, #tpu.memory_space<vmem>>
        %dma_wait3A_40 = arith.constant 0 : i32
        %dma_wait3A_41 = arith.constant 0 : i32
        %dma_wait3A_42 = tpu.memref_slice %arg14[%dma_wait3A_40, %dma_wait3A_41] : memref<10112x128xf32, #tpu.memory_space<vmem_shared>> -> memref<10112x128xf32, #tpu.memory_space<vmem_shared>>
        tpu.wait_indirect_dma semaphore(%arg20 : memref<!tpu.dma_semaphore, #tpu.memory_space<semaphore_mem>>) src(%arg13 : memref<64x128xf32, #tpu.memory_space<vmem>>) dst(%dma_wait3A_42 : memref<10112x128xf32, #tpu.memory_space<vmem_shared>>)
      }
      %scan3A_12 = arith.constant 11 : i32
      %barrier3A_13 = arith.constant 0 : index
      tpu.barrier barrier_id(%barrier3A_13)
      %mul3A_14 = arith.constant 632 : i32
      %mul3A_15 = arith.muli %arg1, %mul3A_14 : i32
      "tpu.region"() ({
        %run_scoped3A = tpu.sem_alloc : memref<!tpu.dma_semaphore, #tpu.memory_space<semaphore_mem>>
        %dma_start3A = arith.constant 0 : i32
        %dma_start3A_16 = tpu.memref_slice %arg7[%mul3A_15, %dma_start3A] : memref<10112x128xf32, #tpu.memory_space<hbm>> -> memref<632x128xf32, #tpu.memory_space<hbm>>
        %dma_start3A_17 = arith.constant 0 : i32
        %dma_start3A_18 = tpu.memref_slice %arg14[%mul3A_15, %dma_start3A_17] : memref<10112x128xf32, #tpu.memory_space<vmem_shared>> -> memref<632x128xf32, #tpu.memory_space<vmem_shared>>
        tpu.enqueue_dma source(%dma_start3A_18 : memref<632x128xf32, #tpu.memory_space<vmem_shared>>) target(%dma_start3A_16 : memref<632x128xf32, #tpu.memory_space<hbm>>) target_semaphore(%run_scoped3A : memref<!tpu.dma_semaphore, #tpu.memory_space<semaphore_mem>>)
        %dma_wait3A = arith.constant 0 : i32
        %dma_wait3A_19 = tpu.memref_slice %arg7[%mul3A_15, %dma_wait3A] : memref<10112x128xf32, #tpu.memory_space<hbm>> -> memref<632x128xf32, #tpu.memory_space<hbm>>
        %dma_wait3A_20 = arith.constant 0 : i32
        %dma_wait3A_21 = tpu.memref_slice %arg14[%mul3A_15, %dma_wait3A_20] : memref<10112x128xf32, #tpu.memory_space<vmem_shared>> -> memref<632x128xf32, #tpu.memory_space<vmem_shared>>
        tpu.wait_dma2 semaphore(%run_scoped3A : memref<!tpu.dma_semaphore, #tpu.memory_space<semaphore_mem>>) src(%dma_wait3A_21 : memref<632x128xf32, #tpu.memory_space<vmem_shared>>) dst(%dma_wait3A_19 : memref<632x128xf32, #tpu.memory_space<hbm>>)
        tpu.yield
      }) : () -> ()
    } else {
    }
    %eq3A_3 = arith.constant 1 : i32
    %eq3A_4 = arith.cmpi eq, %arg0, %eq3A_3 : i32
    %convert_element_type3A_5 = arith.extui %eq3A_4 : i1 to i32
    %cond3A_6 = arith.constant 0 : i32
    %cond3A_7 = arith.cmpi ne, %convert_element_type3A_5, %cond3A_6 : i32
    scf.if %cond3A_7 {
      %scan3A = arith.constant 0 : i32
      %scan3A_8 = arith.constant 0 : i32
      %scan3A_9 = arith.constant 11 : i32
      %scan3A_10 = arith.addi %scan3A_8, %scan3A_9 : i32
      %scan3A_11 = arith.constant 1 : i32
      scf.for %scan3A_16 = %scan3A_8 to %scan3A_10 step %scan3A_11  : i32 {
        %mul3A_17 = arith.constant 11 : i32
        %mul3A_18 = arith.muli %arg1, %mul3A_17 : i32
        %add3A = arith.addi %mul3A_18, %scan3A_16 : i32
        "tpu.region"() ({
          %run_scoped3A = tpu.sem_alloc : memref<!tpu.dma_semaphore, #tpu.memory_space<semaphore_mem>>
          %dma_start3A_43 = arith.constant 0 : i32
          %dma_start3A_44 = tpu.memref_slice %arg4[%add3A, %dma_start3A_43] : memref<176x1920xi32, #tpu.memory_space<hbm>> -> memref<1x1920xi32, #tpu.memory_space<hbm>>
          %dma_start3A_45 = tpu.memref_squeeze %dma_start3A_44 : memref<1x1920xi32, #tpu.memory_space<hbm>> -> memref<1920xi32, #tpu.memory_space<hbm>>
          %dma_start3A_46 = arith.constant 0 : i32
          %dma_start3A_47 = tpu.memref_slice %arg4[%add3A, %dma_start3A_46] : memref<176x1920xi32, #tpu.memory_space<hbm>> -> memref<1x1920xi32, #tpu.memory_space<hbm>>
          %dma_start3A_48 = tpu.memref_squeeze %dma_start3A_47 : memref<1x1920xi32, #tpu.memory_space<hbm>> -> memref<1920xi32, #tpu.memory_space<hbm>>
          tpu.enqueue_dma source(%dma_start3A_48 : memref<1920xi32, #tpu.memory_space<hbm>>) target(%arg9 : memref<1920xi32, #tpu.memory_space<vmem>>) target_semaphore(%run_scoped3A : memref<!tpu.dma_semaphore, #tpu.memory_space<semaphore_mem>>)
          %dma_wait3A_49 = arith.constant 0 : i32
          %dma_wait3A_50 = tpu.memref_slice %arg4[%add3A, %dma_wait3A_49] : memref<176x1920xi32, #tpu.memory_space<hbm>> -> memref<1x1920xi32, #tpu.memory_space<hbm>>
          %dma_wait3A_51 = tpu.memref_squeeze %dma_wait3A_50 : memref<1x1920xi32, #tpu.memory_space<hbm>> -> memref<1920xi32, #tpu.memory_space<hbm>>
          %dma_wait3A_52 = arith.constant 0 : i32
          %dma_wait3A_53 = tpu.memref_slice %arg4[%add3A, %dma_wait3A_52] : memref<176x1920xi32, #tpu.memory_space<hbm>> -> memref<1x1920xi32, #tpu.memory_space<hbm>>
          %dma_wait3A_54 = tpu.memref_squeeze %dma_wait3A_53 : memref<1x1920xi32, #tpu.memory_space<hbm>> -> memref<1920xi32, #tpu.memory_space<hbm>>
          tpu.wait_dma2 semaphore(%run_scoped3A : memref<!tpu.dma_semaphore, #tpu.memory_space<semaphore_mem>>) src(%dma_wait3A_54 : memref<1920xi32, #tpu.memory_space<hbm>>) dst(%arg9 : memref<1920xi32, #tpu.memory_space<vmem>>)
          tpu.yield
        }) : () -> ()
        %mul3A_19 = arith.constant 11 : i32
        %mul3A_20 = arith.muli %arg1, %mul3A_19 : i32
        %add3A_21 = arith.addi %mul3A_20, %scan3A_16 : i32
        "tpu.region"() ({
          %run_scoped3A = tpu.sem_alloc : memref<!tpu.dma_semaphore, #tpu.memory_space<semaphore_mem>>
          %dma_start3A_43 = arith.constant 0 : i32
          %dma_start3A_44 = arith.constant 0 : i32
          %dma_start3A_45 = tpu.memref_slice %arg5[%add3A_21, %dma_start3A_43, %dma_start3A_44] : memref<176x30x64xi32, #tpu.memory_space<hbm>> -> memref<1x30x64xi32, #tpu.memory_space<hbm>>
          %dma_start3A_46 = tpu.memref_squeeze %dma_start3A_45 : memref<1x30x64xi32, #tpu.memory_space<hbm>> -> memref<30x64xi32, #tpu.memory_space<hbm>>
          %dma_start3A_47 = arith.constant 0 : i32
          %dma_start3A_48 = arith.constant 0 : i32
          %dma_start3A_49 = tpu.memref_slice %arg5[%add3A_21, %dma_start3A_47, %dma_start3A_48] : memref<176x30x64xi32, #tpu.memory_space<hbm>> -> memref<1x30x64xi32, #tpu.memory_space<hbm>>
          %dma_start3A_50 = tpu.memref_squeeze %dma_start3A_49 : memref<1x30x64xi32, #tpu.memory_space<hbm>> -> memref<30x64xi32, #tpu.memory_space<hbm>>
          tpu.enqueue_dma source(%dma_start3A_50 : memref<30x64xi32, #tpu.memory_space<hbm>>) target(%arg10 : memref<30x64xi32, #tpu.memory_space<vmem>>) target_semaphore(%run_scoped3A : memref<!tpu.dma_semaphore, #tpu.memory_space<semaphore_mem>>)
          %dma_wait3A_51 = arith.constant 0 : i32
          %dma_wait3A_52 = arith.constant 0 : i32
          %dma_wait3A_53 = tpu.memref_slice %arg5[%add3A_21, %dma_wait3A_51, %dma_wait3A_52] : memref<176x30x64xi32, #tpu.memory_space<hbm>> -> memref<1x30x64xi32, #tpu.memory_space<hbm>>
          %dma_wait3A_54 = tpu.memref_squeeze %dma_wait3A_53 : memref<1x30x64xi32, #tpu.memory_space<hbm>> -> memref<30x64xi32, #tpu.memory_space<hbm>>
          %dma_wait3A_55 = arith.constant 0 : i32
          %dma_wait3A_56 = arith.constant 0 : i32
          %dma_wait3A_57 = tpu.memref_slice %arg5[%add3A_21, %dma_wait3A_55, %dma_wait3A_56] : memref<176x30x64xi32, #tpu.memory_space<hbm>> -> memref<1x30x64xi32, #tpu.memory_space<hbm>>
          %dma_wait3A_58 = tpu.memref_squeeze %dma_wait3A_57 : memref<1x30x64xi32, #tpu.memory_space<hbm>> -> memref<30x64xi32, #tpu.memory_space<hbm>>
          tpu.wait_dma2 semaphore(%run_scoped3A : memref<!tpu.dma_semaphore, #tpu.memory_space<semaphore_mem>>) src(%dma_wait3A_58 : memref<30x64xi32, #tpu.memory_space<hbm>>) dst(%arg10 : memref<30x64xi32, #tpu.memory_space<vmem>>)
          tpu.yield
        }) : () -> ()
        %dma_start3A = arith.constant 0 : i32
        %dma_start3A_22 = tpu.memref_slice %arg9[%dma_start3A] : memref<1920xi32, #tpu.memory_space<vmem>> -> memref<64xi32, #tpu.memory_space<vmem>>
        %dma_start3A_23 = arith.constant 0 : i32
        %dma_start3A_24 = arith.constant 0 : i32
        %dma_start3A_25 = tpu.memref_slice %arg3[%dma_start3A_23, %dma_start3A_24] : memref<10000x128xf32, #tpu.memory_space<hbm>> -> memref<10000x128xf32, #tpu.memory_space<hbm>>
        tpu.enqueue_indirect_dma source(%dma_start3A_25 : memref<10000x128xf32, #tpu.memory_space<hbm>>) target(%arg11 : memref<64x128xf32, #tpu.memory_space<vmem>>) offsets(%dma_start3A_22 : memref<64xi32, #tpu.memory_space<vmem>>) semaphore(%arg15 : memref<!tpu.dma_semaphore, #tpu.memory_space<semaphore_mem>>)
        %dma_start3A_26 = arith.constant 64 : i32
        %dma_start3A_27 = tpu.memref_slice %arg9[%dma_start3A_26] : memref<1920xi32, #tpu.memory_space<vmem>> -> memref<64xi32, #tpu.memory_space<vmem>>
        %dma_start3A_28 = arith.constant 0 : i32
        %dma_start3A_29 = arith.constant 0 : i32
        %dma_start3A_30 = tpu.memref_slice %arg3[%dma_start3A_28, %dma_start3A_29] : memref<10000x128xf32, #tpu.memory_space<hbm>> -> memref<10000x128xf32, #tpu.memory_space<hbm>>
        tpu.enqueue_indirect_dma source(%dma_start3A_30 : memref<10000x128xf32, #tpu.memory_space<hbm>>) target(%arg12 : memref<64x128xf32, #tpu.memory_space<vmem>>) offsets(%dma_start3A_27 : memref<64xi32, #tpu.memory_space<vmem>>) semaphore(%arg16 : memref<!tpu.dma_semaphore, #tpu.memory_space<semaphore_mem>>)
        %scan3A_31 = arith.constant 0 : i32
        %scan3A_32 = arith.constant 0 : i32
        %scan3A_33 = arith.constant 10 : i32
        %scan3A_34 = arith.addi %scan3A_32, %scan3A_33 : i32
        %scan3A_35 = arith.constant 1 : i32
        scf.for %scan3A_43 = %scan3A_32 to %scan3A_34 step %scan3A_35  : i32 {
          %mul3A_44 = arith.constant 3 : i32
          %mul3A_45 = arith.muli %mul3A_44, %scan3A_43 : i32
          %add3A_46 = arith.constant 0 : i32
          %add3A_47 = arith.addi %mul3A_45, %add3A_46 : i32
          %dma_wait3A_48 = arith.constant 0 : i32
          %dma_wait3A_49 = tpu.memref_slice %arg9[%dma_wait3A_48] : memref<1920xi32, #tpu.memory_space<vmem>> -> memref<64xi32, #tpu.memory_space<vmem>>
          %dma_wait3A_50 = arith.constant 0 : i32
          %dma_wait3A_51 = arith.constant 0 : i32
          %dma_wait3A_52 = tpu.memref_slice %arg3[%dma_wait3A_50, %dma_wait3A_51] : memref<10000x128xf32, #tpu.memory_space<hbm>> -> memref<10000x128xf32, #tpu.memory_space<hbm>>
          tpu.wait_indirect_dma semaphore(%arg15 : memref<!tpu.dma_semaphore, #tpu.memory_space<semaphore_mem>>) src(%dma_wait3A_52 : memref<10000x128xf32, #tpu.memory_space<hbm>>) dst(%arg11 : memref<64x128xf32, #tpu.memory_space<vmem>>)
          %dma_start3A_53 = arith.constant 0 : i32
          %dma_start3A_54 = tpu.memref_slice %arg10[%add3A_47, %dma_start3A_53] : memref<30x64xi32, #tpu.memory_space<vmem>> -> memref<1x64xi32, #tpu.memory_space<vmem>>
          %dma_start3A_55 = tpu.memref_squeeze %dma_start3A_54 : memref<1x64xi32, #tpu.memory_space<vmem>> -> memref<64xi32, #tpu.memory_space<vmem>>
          %dma_start3A_56 = arith.constant 0 : i32
          %dma_start3A_57 = arith.constant 0 : i32
          %dma_start3A_58 = tpu.memref_slice %arg14[%dma_start3A_56, %dma_start3A_57] : memref<10112x128xf32, #tpu.memory_space<vmem_shared>> -> memref<10112x128xf32, #tpu.memory_space<vmem_shared>>
          tpu.enqueue_indirect_dma source(%arg11 : memref<64x128xf32, #tpu.memory_space<vmem>>) target(%dma_start3A_58 : memref<10112x128xf32, #tpu.memory_space<vmem_shared>>) offsets(%dma_start3A_55 : memref<64xi32, #tpu.memory_space<vmem>>) semaphore(%arg18 : memref<!tpu.dma_semaphore, #tpu.memory_space<semaphore_mem>>) {add = true}
          %gt3A = arith.constant 0 : i32
          %gt3A_59 = arith.cmpi sgt, %scan3A_43, %gt3A : i32
          %convert_element_type3A_60 = arith.extui %gt3A_59 : i1 to i32
          %cond3A_61 = arith.constant 0 : i32
          %cond3A_62 = arith.cmpi ne, %convert_element_type3A_60, %cond3A_61 : i32
          scf.if %cond3A_62 {
            %dma_wait3A_124 = arith.constant 0 : i32
            %dma_wait3A_125 = arith.constant 0 : i32
            %dma_wait3A_126 = tpu.memref_slice %arg10[%dma_wait3A_124, %dma_wait3A_125] : memref<30x64xi32, #tpu.memory_space<vmem>> -> memref<1x64xi32, #tpu.memory_space<vmem>>
            %dma_wait3A_127 = tpu.memref_squeeze %dma_wait3A_126 : memref<1x64xi32, #tpu.memory_space<vmem>> -> memref<64xi32, #tpu.memory_space<vmem>>
            %dma_wait3A_128 = arith.constant 0 : i32
            %dma_wait3A_129 = arith.constant 0 : i32
            %dma_wait3A_130 = tpu.memref_slice %arg14[%dma_wait3A_128, %dma_wait3A_129] : memref<10112x128xf32, #tpu.memory_space<vmem_shared>> -> memref<10112x128xf32, #tpu.memory_space<vmem_shared>>
            tpu.wait_indirect_dma semaphore(%arg20 : memref<!tpu.dma_semaphore, #tpu.memory_space<semaphore_mem>>) src(%arg13 : memref<64x128xf32, #tpu.memory_space<vmem>>) dst(%dma_wait3A_130 : memref<10112x128xf32, #tpu.memory_space<vmem_shared>>)
          } else {
          }
          %add3A_63 = arith.constant 2 : i32
          %add3A_64 = arith.addi %add3A_47, %add3A_63 : i32
          %mul3A_65 = arith.constant 64 : i32
          %mul3A_66 = arith.muli %add3A_64, %mul3A_65 : i32
          %dma_start3A_67 = tpu.memref_slice %arg9[%mul3A_66] : memref<1920xi32, #tpu.memory_space<vmem>> -> memref<64xi32, #tpu.memory_space<vmem>>
          %dma_start3A_68 = arith.constant 0 : i32
          %dma_start3A_69 = arith.constant 0 : i32
          %dma_start3A_70 = tpu.memref_slice %arg3[%dma_start3A_68, %dma_start3A_69] : memref<10000x128xf32, #tpu.memory_space<hbm>> -> memref<10000x128xf32, #tpu.memory_space<hbm>>
          tpu.enqueue_indirect_dma source(%dma_start3A_70 : memref<10000x128xf32, #tpu.memory_space<hbm>>) target(%arg13 : memref<64x128xf32, #tpu.memory_space<vmem>>) offsets(%dma_start3A_67 : memref<64xi32, #tpu.memory_space<vmem>>) semaphore(%arg17 : memref<!tpu.dma_semaphore, #tpu.memory_space<semaphore_mem>>)
          %mul3A_71 = arith.constant 3 : i32
          %mul3A_72 = arith.muli %mul3A_71, %scan3A_43 : i32
          %add3A_73 = arith.constant 1 : i32
          %add3A_74 = arith.addi %mul3A_72, %add3A_73 : i32
          %dma_wait3A_75 = arith.constant 0 : i32
          %dma_wait3A_76 = tpu.memref_slice %arg9[%dma_wait3A_75] : memref<1920xi32, #tpu.memory_space<vmem>> -> memref<64xi32, #tpu.memory_space<vmem>>
          %dma_wait3A_77 = arith.constant 0 : i32
          %dma_wait3A_78 = arith.constant 0 : i32
          %dma_wait3A_79 = tpu.memref_slice %arg3[%dma_wait3A_77, %dma_wait3A_78] : memref<10000x128xf32, #tpu.memory_space<hbm>> -> memref<10000x128xf32, #tpu.memory_space<hbm>>
          tpu.wait_indirect_dma semaphore(%arg16 : memref<!tpu.dma_semaphore, #tpu.memory_space<semaphore_mem>>) src(%dma_wait3A_79 : memref<10000x128xf32, #tpu.memory_space<hbm>>) dst(%arg12 : memref<64x128xf32, #tpu.memory_space<vmem>>)
          %dma_start3A_80 = arith.constant 0 : i32
          %dma_start3A_81 = tpu.memref_slice %arg10[%add3A_74, %dma_start3A_80] : memref<30x64xi32, #tpu.memory_space<vmem>> -> memref<1x64xi32, #tpu.memory_space<vmem>>
          %dma_start3A_82 = tpu.memref_squeeze %dma_start3A_81 : memref<1x64xi32, #tpu.memory_space<vmem>> -> memref<64xi32, #tpu.memory_space<vmem>>
          %dma_start3A_83 = arith.constant 0 : i32
          %dma_start3A_84 = arith.constant 0 : i32
          %dma_start3A_85 = tpu.memref_slice %arg14[%dma_start3A_83, %dma_start3A_84] : memref<10112x128xf32, #tpu.memory_space<vmem_shared>> -> memref<10112x128xf32, #tpu.memory_space<vmem_shared>>
          tpu.enqueue_indirect_dma source(%arg12 : memref<64x128xf32, #tpu.memory_space<vmem>>) target(%dma_start3A_85 : memref<10112x128xf32, #tpu.memory_space<vmem_shared>>) offsets(%dma_start3A_82 : memref<64xi32, #tpu.memory_space<vmem>>) semaphore(%arg19 : memref<!tpu.dma_semaphore, #tpu.memory_space<semaphore_mem>>) {add = true}
          %dma_wait3A_86 = arith.constant 0 : i32
          %dma_wait3A_87 = arith.constant 0 : i32
          %dma_wait3A_88 = tpu.memref_slice %arg10[%dma_wait3A_86, %dma_wait3A_87] : memref<30x64xi32, #tpu.memory_space<vmem>> -> memref<1x64xi32, #tpu.memory_space<vmem>>
          %dma_wait3A_89 = tpu.memref_squeeze %dma_wait3A_88 : memref<1x64xi32, #tpu.memory_space<vmem>> -> memref<64xi32, #tpu.memory_space<vmem>>
          %dma_wait3A_90 = arith.constant 0 : i32
          %dma_wait3A_91 = arith.constant 0 : i32
          %dma_wait3A_92 = tpu.memref_slice %arg14[%dma_wait3A_90, %dma_wait3A_91] : memref<10112x128xf32, #tpu.memory_space<vmem_shared>> -> memref<10112x128xf32, #tpu.memory_space<vmem_shared>>
          tpu.wait_indirect_dma semaphore(%arg18 : memref<!tpu.dma_semaphore, #tpu.memory_space<semaphore_mem>>) src(%arg11 : memref<64x128xf32, #tpu.memory_space<vmem>>) dst(%dma_wait3A_92 : memref<10112x128xf32, #tpu.memory_space<vmem_shared>>)
          %lt3A = arith.constant 9 : i32
          %lt3A_93 = arith.cmpi slt, %scan3A_43, %lt3A : i32
          %convert_element_type3A_94 = arith.extui %lt3A_93 : i1 to i32
          %cond3A_95 = arith.constant 0 : i32
          %cond3A_96 = arith.cmpi ne, %convert_element_type3A_94, %cond3A_95 : i32
          scf.if %cond3A_96 {
            %add3A_124 = arith.constant 2 : i32
            %add3A_125 = arith.addi %add3A_74, %add3A_124 : i32
            %mul3A_126 = arith.constant 64 : i32
            %mul3A_127 = arith.muli %add3A_125, %mul3A_126 : i32
            %dma_start3A_128 = tpu.memref_slice %arg9[%mul3A_127] : memref<1920xi32, #tpu.memory_space<vmem>> -> memref<64xi32, #tpu.memory_space<vmem>>
            %dma_start3A_129 = arith.constant 0 : i32
            %dma_start3A_130 = arith.constant 0 : i32
            %dma_start3A_131 = tpu.memref_slice %arg3[%dma_start3A_129, %dma_start3A_130] : memref<10000x128xf32, #tpu.memory_space<hbm>> -> memref<10000x128xf32, #tpu.memory_space<hbm>>
            tpu.enqueue_indirect_dma source(%dma_start3A_131 : memref<10000x128xf32, #tpu.memory_space<hbm>>) target(%arg11 : memref<64x128xf32, #tpu.memory_space<vmem>>) offsets(%dma_start3A_128 : memref<64xi32, #tpu.memory_space<vmem>>) semaphore(%arg15 : memref<!tpu.dma_semaphore, #tpu.memory_space<semaphore_mem>>)
          } else {
          }
          %mul3A_97 = arith.constant 3 : i32
          %mul3A_98 = arith.muli %mul3A_97, %scan3A_43 : i32
          %add3A_99 = arith.constant 2 : i32
          %add3A_100 = arith.addi %mul3A_98, %add3A_99 : i32
          %dma_wait3A_101 = arith.constant 0 : i32
          %dma_wait3A_102 = tpu.memref_slice %arg9[%dma_wait3A_101] : memref<1920xi32, #tpu.memory_space<vmem>> -> memref<64xi32, #tpu.memory_space<vmem>>
          %dma_wait3A_103 = arith.constant 0 : i32
          %dma_wait3A_104 = arith.constant 0 : i32
          %dma_wait3A_105 = tpu.memref_slice %arg3[%dma_wait3A_103, %dma_wait3A_104] : memref<10000x128xf32, #tpu.memory_space<hbm>> -> memref<10000x128xf32, #tpu.memory_space<hbm>>
          tpu.wait_indirect_dma semaphore(%arg17 : memref<!tpu.dma_semaphore, #tpu.memory_space<semaphore_mem>>) src(%dma_wait3A_105 : memref<10000x128xf32, #tpu.memory_space<hbm>>) dst(%arg13 : memref<64x128xf32, #tpu.memory_space<vmem>>)
          %dma_start3A_106 = arith.constant 0 : i32
          %dma_start3A_107 = tpu.memref_slice %arg10[%add3A_100, %dma_start3A_106] : memref<30x64xi32, #tpu.memory_space<vmem>> -> memref<1x64xi32, #tpu.memory_space<vmem>>
          %dma_start3A_108 = tpu.memref_squeeze %dma_start3A_107 : memref<1x64xi32, #tpu.memory_space<vmem>> -> memref<64xi32, #tpu.memory_space<vmem>>
          %dma_start3A_109 = arith.constant 0 : i32
          %dma_start3A_110 = arith.constant 0 : i32
          %dma_start3A_111 = tpu.memref_slice %arg14[%dma_start3A_109, %dma_start3A_110] : memref<10112x128xf32, #tpu.memory_space<vmem_shared>> -> memref<10112x128xf32, #tpu.memory_space<vmem_shared>>
          tpu.enqueue_indirect_dma source(%arg13 : memref<64x128xf32, #tpu.memory_space<vmem>>) target(%dma_start3A_111 : memref<10112x128xf32, #tpu.memory_space<vmem_shared>>) offsets(%dma_start3A_108 : memref<64xi32, #tpu.memory_space<vmem>>) semaphore(%arg20 : memref<!tpu.dma_semaphore, #tpu.memory_space<semaphore_mem>>) {add = true}
          %dma_wait3A_112 = arith.constant 0 : i32
          %dma_wait3A_113 = arith.constant 0 : i32
          %dma_wait3A_114 = tpu.memref_slice %arg10[%dma_wait3A_112, %dma_wait3A_113] : memref<30x64xi32, #tpu.memory_space<vmem>> -> memref<1x64xi32, #tpu.memory_space<vmem>>
          %dma_wait3A_115 = tpu.memref_squeeze %dma_wait3A_114 : memref<1x64xi32, #tpu.memory_space<vmem>> -> memref<64xi32, #tpu.memory_space<vmem>>
          %dma_wait3A_116 = arith.constant 0 : i32
          %dma_wait3A_117 = arith.constant 0 : i32
          %dma_wait3A_118 = tpu.memref_slice %arg14[%dma_wait3A_116, %dma_wait3A_117] : memref<10112x128xf32, #tpu.memory_space<vmem_shared>> -> memref<10112x128xf32, #tpu.memory_space<vmem_shared>>
          tpu.wait_indirect_dma semaphore(%arg19 : memref<!tpu.dma_semaphore, #tpu.memory_space<semaphore_mem>>) src(%arg12 : memref<64x128xf32, #tpu.memory_space<vmem>>) dst(%dma_wait3A_118 : memref<10112x128xf32, #tpu.memory_space<vmem_shared>>)
          %lt3A_119 = arith.constant 9 : i32
          %lt3A_120 = arith.cmpi slt, %scan3A_43, %lt3A_119 : i32
          %convert_element_type3A_121 = arith.extui %lt3A_120 : i1 to i32
          %cond3A_122 = arith.constant 0 : i32
          %cond3A_123 = arith.cmpi ne, %convert_element_type3A_121, %cond3A_122 : i32
          scf.if %cond3A_123 {
            %add3A_124 = arith.constant 2 : i32
            %add3A_125 = arith.addi %add3A_100, %add3A_124 : i32
            %mul3A_126 = arith.constant 64 : i32
            %mul3A_127 = arith.muli %add3A_125, %mul3A_126 : i32
            %dma_start3A_128 = tpu.memref_slice %arg9[%mul3A_127] : memref<1920xi32, #tpu.memory_space<vmem>> -> memref<64xi32, #tpu.memory_space<vmem>>
            %dma_start3A_129 = arith.constant 0 : i32
            %dma_start3A_130 = arith.constant 0 : i32
            %dma_start3A_131 = tpu.memref_slice %arg3[%dma_start3A_129, %dma_start3A_130] : memref<10000x128xf32, #tpu.memory_space<hbm>> -> memref<10000x128xf32, #tpu.memory_space<hbm>>
            tpu.enqueue_indirect_dma source(%dma_start3A_131 : memref<10000x128xf32, #tpu.memory_space<hbm>>) target(%arg12 : memref<64x128xf32, #tpu.memory_space<vmem>>) offsets(%dma_start3A_128 : memref<64xi32, #tpu.memory_space<vmem>>) semaphore(%arg16 : memref<!tpu.dma_semaphore, #tpu.memory_space<semaphore_mem>>)
          } else {
          }
        }
        %scan3A_36 = arith.constant 10 : i32
        %dma_wait3A = arith.constant 0 : i32
        %dma_wait3A_37 = arith.constant 0 : i32
        %dma_wait3A_38 = tpu.memref_slice %arg10[%dma_wait3A, %dma_wait3A_37] : memref<30x64xi32, #tpu.memory_space<vmem>> -> memref<1x64xi32, #tpu.memory_space<vmem>>
        %dma_wait3A_39 = tpu.memref_squeeze %dma_wait3A_38 : memref<1x64xi32, #tpu.memory_space<vmem>> -> memref<64xi32, #tpu.memory_space<vmem>>
        %dma_wait3A_40 = arith.constant 0 : i32
        %dma_wait3A_41 = arith.constant 0 : i32
        %dma_wait3A_42 = tpu.memref_slice %arg14[%dma_wait3A_40, %dma_wait3A_41] : memref<10112x128xf32, #tpu.memory_space<vmem_shared>> -> memref<10112x128xf32, #tpu.memory_space<vmem_shared>>
        tpu.wait_indirect_dma semaphore(%arg20 : memref<!tpu.dma_semaphore, #tpu.memory_space<semaphore_mem>>) src(%arg13 : memref<64x128xf32, #tpu.memory_space<vmem>>) dst(%dma_wait3A_42 : memref<10112x128xf32, #tpu.memory_space<vmem_shared>>)
      }
      %scan3A_12 = arith.constant 11 : i32
      %barrier3A_13 = arith.constant 0 : index
      tpu.barrier barrier_id(%barrier3A_13)
      %mul3A_14 = arith.constant 632 : i32
      %mul3A_15 = arith.muli %arg1, %mul3A_14 : i32
      "tpu.region"() ({
        %run_scoped3A = tpu.sem_alloc : memref<!tpu.dma_semaphore, #tpu.memory_space<semaphore_mem>>
        %dma_start3A = arith.constant 0 : i32
        %dma_start3A_16 = tpu.memref_slice %arg8[%mul3A_15, %dma_start3A] : memref<10112x128xf32, #tpu.memory_space<hbm>> -> memref<632x128xf32, #tpu.memory_space<hbm>>
        %dma_start3A_17 = arith.constant 0 : i32
        %dma_start3A_18 = tpu.memref_slice %arg14[%mul3A_15, %dma_start3A_17] : memref<10112x128xf32, #tpu.memory_space<vmem_shared>> -> memref<632x128xf32, #tpu.memory_space<vmem_shared>>
        tpu.enqueue_dma source(%dma_start3A_18 : memref<632x128xf32, #tpu.memory_space<vmem_shared>>) target(%dma_start3A_16 : memref<632x128xf32, #tpu.memory_space<hbm>>) target_semaphore(%run_scoped3A : memref<!tpu.dma_semaphore, #tpu.memory_space<semaphore_mem>>)
        %dma_wait3A = arith.constant 0 : i32
        %dma_wait3A_19 = tpu.memref_slice %arg8[%mul3A_15, %dma_wait3A] : memref<10112x128xf32, #tpu.memory_space<hbm>> -> memref<632x128xf32, #tpu.memory_space<hbm>>
        %dma_wait3A_20 = arith.constant 0 : i32
        %dma_wait3A_21 = tpu.memref_slice %arg14[%mul3A_15, %dma_wait3A_20] : memref<10112x128xf32, #tpu.memory_space<vmem_shared>> -> memref<632x128xf32, #tpu.memory_space<vmem_shared>>
        tpu.wait_dma2 semaphore(%run_scoped3A : memref<!tpu.dma_semaphore, #tpu.memory_space<semaphore_mem>>) src(%dma_wait3A_21 : memref<632x128xf32, #tpu.memory_space<vmem_shared>>) dst(%dma_wait3A_19 : memref<632x128xf32, #tpu.memory_space<hbm>>)
        tpu.yield
      }) : () -> ()
    } else {
    }
    return
  }
}

#map = affine_map<(d0, d1) -> (0, 0)>
#map1 = affine_map<(d0, d1) -> (0, 0, 0)>
module attributes {stable_mosaic.version = 14 : i64} {
  func.func @_agg_body(%arg0: i32, %arg1: i32, %arg2: memref<10000x128xf32, #tpu.memory_space<hbm>>, %arg3: memref<10000x128xf32, #tpu.memory_space<hbm>>, %arg4: memref<176x1920xi32, #tpu.memory_space<hbm>>, %arg5: memref<176x30x64xi32, #tpu.memory_space<hbm>>, %arg6: memref<632x128xf32, #tpu.memory_space<hbm>>, %arg7: memref<10112x128xf32, #tpu.memory_space<hbm>>, %arg8: memref<10112x128xf32, #tpu.memory_space<hbm>>, %arg9: memref<1920xi32, #tpu.memory_space<vmem>>, %arg10: memref<30x64xi32, #tpu.memory_space<vmem>>, %arg11: memref<64x128xf32, #tpu.memory_space<vmem>>, %arg12: memref<64x128xf32, #tpu.memory_space<vmem>>, %arg13: memref<64x128xf32, #tpu.memory_space<vmem>>, %arg14: memref<10112x128xf32, #tpu.memory_space<vmem_shared>>, %arg15: memref<!tpu.dma_semaphore, #tpu.memory_space<semaphore_mem>>, %arg16: memref<!tpu.dma_semaphore, #tpu.memory_space<semaphore_mem>>, %arg17: memref<!tpu.dma_semaphore, #tpu.memory_space<semaphore_mem>>, %arg18: memref<!tpu.dma_semaphore, #tpu.memory_space<semaphore_mem>>, %arg19: memref<!tpu.dma_semaphore, #tpu.memory_space<semaphore_mem>>, %arg20: memref<!tpu.dma_semaphore, #tpu.memory_space<semaphore_mem>>) attributes {dimension_semantics = [#tpu.dimension_semantics<core_parallel>, #tpu.dimension_semantics<subcore_parallel>], iteration_bounds = array<i64: 2, 16>, scalar_prefetch = 0 : i64, scratch_operands = 12 : i64, tpu.core_type = #tpu.core_type<sc_vector_subcore>, window_params = [{transform_indices = #map}, {transform_indices = #map}, {transform_indices = #map}, {transform_indices = #map1}, {transform_indices = #map}, {transform_indices = #map}, {transform_indices = #map}]} {
    %mul3A = arith.constant 632 : i32
    %mul3A_0 = arith.muli %arg1, %mul3A : i32
    "tpu.region"() ({
      %run_scoped3A = tpu.sem_alloc : memref<!tpu.dma_semaphore, #tpu.memory_space<semaphore_mem>>
      %dma_start3A = arith.constant 0 : i32
      %dma_start3A_8 = tpu.memref_slice %arg14[%mul3A_0, %dma_start3A] : memref<10112x128xf32, #tpu.memory_space<vmem_shared>> -> memref<632x128xf32, #tpu.memory_space<vmem_shared>>
      tpu.enqueue_dma source(%arg6 : memref<632x128xf32, #tpu.memory_space<hbm>>) target(%dma_start3A_8 : memref<632x128xf32, #tpu.memory_space<vmem_shared>>) target_semaphore(%run_scoped3A : memref<!tpu.dma_semaphore, #tpu.memory_space<semaphore_mem>>)
      %dma_wait3A = arith.constant 0 : i32
      %dma_wait3A_9 = tpu.memref_slice %arg14[%mul3A_0, %dma_wait3A] : memref<10112x128xf32, #tpu.memory_space<vmem_shared>> -> memref<632x128xf32, #tpu.memory_space<vmem_shared>>
      tpu.wait_dma2 semaphore(%run_scoped3A : memref<!tpu.dma_semaphore, #tpu.memory_space<semaphore_mem>>) src(%arg6 : memref<632x128xf32, #tpu.memory_space<hbm>>) dst(%dma_wait3A_9 : memref<632x128xf32, #tpu.memory_space<vmem_shared>>)
      tpu.yield
    }) : () -> ()
    %barrier3A = arith.constant 0 : index
    tpu.barrier barrier_id(%barrier3A)
    %eq3A = arith.constant 0 : i32
    %eq3A_1 = arith.cmpi eq, %arg0, %eq3A : i32
    %convert_element_type3A = arith.extui %eq3A_1 : i1 to i32
    %cond3A = arith.constant 0 : i32
    %cond3A_2 = arith.cmpi ne, %convert_element_type3A, %cond3A : i32
    scf.if %cond3A_2 {
      %scan3A = arith.constant 0 : i32
      %scan3A_8 = arith.constant 0 : i32
      %scan3A_9 = arith.constant 11 : i32
      %scan3A_10 = arith.addi %scan3A_8, %scan3A_9 : i32
      %scan3A_11 = arith.constant 1 : i32
      scf.for %scan3A_16 = %scan3A_8 to %scan3A_10 step %scan3A_11  : i32 {
        %mul3A_17 = arith.constant 11 : i32
        %mul3A_18 = arith.muli %arg1, %mul3A_17 : i32
        %add3A = arith.addi %mul3A_18, %scan3A_16 : i32
        "tpu.region"() ({
          %run_scoped3A = tpu.sem_alloc : memref<!tpu.dma_semaphore, #tpu.memory_space<semaphore_mem>>
          %dma_start3A_43 = arith.constant 0 : i32
          %dma_start3A_44 = tpu.memref_slice %arg4[%add3A, %dma_start3A_43] : memref<176x1920xi32, #tpu.memory_space<hbm>> -> memref<1x1920xi32, #tpu.memory_space<hbm>>
          %dma_start3A_45 = tpu.memref_squeeze %dma_start3A_44 : memref<1x1920xi32, #tpu.memory_space<hbm>> -> memref<1920xi32, #tpu.memory_space<hbm>>
          %dma_start3A_46 = arith.constant 0 : i32
          %dma_start3A_47 = tpu.memref_slice %arg4[%add3A, %dma_start3A_46] : memref<176x1920xi32, #tpu.memory_space<hbm>> -> memref<1x1920xi32, #tpu.memory_space<hbm>>
          %dma_start3A_48 = tpu.memref_squeeze %dma_start3A_47 : memref<1x1920xi32, #tpu.memory_space<hbm>> -> memref<1920xi32, #tpu.memory_space<hbm>>
          tpu.enqueue_dma source(%dma_start3A_48 : memref<1920xi32, #tpu.memory_space<hbm>>) target(%arg9 : memref<1920xi32, #tpu.memory_space<vmem>>) target_semaphore(%run_scoped3A : memref<!tpu.dma_semaphore, #tpu.memory_space<semaphore_mem>>)
          %dma_wait3A_49 = arith.constant 0 : i32
          %dma_wait3A_50 = tpu.memref_slice %arg4[%add3A, %dma_wait3A_49] : memref<176x1920xi32, #tpu.memory_space<hbm>> -> memref<1x1920xi32, #tpu.memory_space<hbm>>
          %dma_wait3A_51 = tpu.memref_squeeze %dma_wait3A_50 : memref<1x1920xi32, #tpu.memory_space<hbm>> -> memref<1920xi32, #tpu.memory_space<hbm>>
          %dma_wait3A_52 = arith.constant 0 : i32
          %dma_wait3A_53 = tpu.memref_slice %arg4[%add3A, %dma_wait3A_52] : memref<176x1920xi32, #tpu.memory_space<hbm>> -> memref<1x1920xi32, #tpu.memory_space<hbm>>
          %dma_wait3A_54 = tpu.memref_squeeze %dma_wait3A_53 : memref<1x1920xi32, #tpu.memory_space<hbm>> -> memref<1920xi32, #tpu.memory_space<hbm>>
          tpu.wait_dma2 semaphore(%run_scoped3A : memref<!tpu.dma_semaphore, #tpu.memory_space<semaphore_mem>>) src(%dma_wait3A_54 : memref<1920xi32, #tpu.memory_space<hbm>>) dst(%arg9 : memref<1920xi32, #tpu.memory_space<vmem>>)
          tpu.yield
        }) : () -> ()
        %mul3A_19 = arith.constant 11 : i32
        %mul3A_20 = arith.muli %arg1, %mul3A_19 : i32
        %add3A_21 = arith.addi %mul3A_20, %scan3A_16 : i32
        "tpu.region"() ({
          %run_scoped3A = tpu.sem_alloc : memref<!tpu.dma_semaphore, #tpu.memory_space<semaphore_mem>>
          %dma_start3A_43 = arith.constant 0 : i32
          %dma_start3A_44 = arith.constant 0 : i32
          %dma_start3A_45 = tpu.memref_slice %arg5[%add3A_21, %dma_start3A_43, %dma_start3A_44] : memref<176x30x64xi32, #tpu.memory_space<hbm>> -> memref<1x30x64xi32, #tpu.memory_space<hbm>>
          %dma_start3A_46 = tpu.memref_squeeze %dma_start3A_45 : memref<1x30x64xi32, #tpu.memory_space<hbm>> -> memref<30x64xi32, #tpu.memory_space<hbm>>
          %dma_start3A_47 = arith.constant 0 : i32
          %dma_start3A_48 = arith.constant 0 : i32
          %dma_start3A_49 = tpu.memref_slice %arg5[%add3A_21, %dma_start3A_47, %dma_start3A_48] : memref<176x30x64xi32, #tpu.memory_space<hbm>> -> memref<1x30x64xi32, #tpu.memory_space<hbm>>
          %dma_start3A_50 = tpu.memref_squeeze %dma_start3A_49 : memref<1x30x64xi32, #tpu.memory_space<hbm>> -> memref<30x64xi32, #tpu.memory_space<hbm>>
          tpu.enqueue_dma source(%dma_start3A_50 : memref<30x64xi32, #tpu.memory_space<hbm>>) target(%arg10 : memref<30x64xi32, #tpu.memory_space<vmem>>) target_semaphore(%run_scoped3A : memref<!tpu.dma_semaphore, #tpu.memory_space<semaphore_mem>>)
          %dma_wait3A_51 = arith.constant 0 : i32
          %dma_wait3A_52 = arith.constant 0 : i32
          %dma_wait3A_53 = tpu.memref_slice %arg5[%add3A_21, %dma_wait3A_51, %dma_wait3A_52] : memref<176x30x64xi32, #tpu.memory_space<hbm>> -> memref<1x30x64xi32, #tpu.memory_space<hbm>>
          %dma_wait3A_54 = tpu.memref_squeeze %dma_wait3A_53 : memref<1x30x64xi32, #tpu.memory_space<hbm>> -> memref<30x64xi32, #tpu.memory_space<hbm>>
          %dma_wait3A_55 = arith.constant 0 : i32
          %dma_wait3A_56 = arith.constant 0 : i32
          %dma_wait3A_57 = tpu.memref_slice %arg5[%add3A_21, %dma_wait3A_55, %dma_wait3A_56] : memref<176x30x64xi32, #tpu.memory_space<hbm>> -> memref<1x30x64xi32, #tpu.memory_space<hbm>>
          %dma_wait3A_58 = tpu.memref_squeeze %dma_wait3A_57 : memref<1x30x64xi32, #tpu.memory_space<hbm>> -> memref<30x64xi32, #tpu.memory_space<hbm>>
          tpu.wait_dma2 semaphore(%run_scoped3A : memref<!tpu.dma_semaphore, #tpu.memory_space<semaphore_mem>>) src(%dma_wait3A_58 : memref<30x64xi32, #tpu.memory_space<hbm>>) dst(%arg10 : memref<30x64xi32, #tpu.memory_space<vmem>>)
          tpu.yield
        }) : () -> ()
        %dma_start3A = arith.constant 0 : i32
        %dma_start3A_22 = tpu.memref_slice %arg9[%dma_start3A] : memref<1920xi32, #tpu.memory_space<vmem>> -> memref<64xi32, #tpu.memory_space<vmem>>
        %dma_start3A_23 = arith.constant 0 : i32
        %dma_start3A_24 = arith.constant 0 : i32
        %dma_start3A_25 = tpu.memref_slice %arg2[%dma_start3A_23, %dma_start3A_24] : memref<10000x128xf32, #tpu.memory_space<hbm>> -> memref<10000x128xf32, #tpu.memory_space<hbm>>
        tpu.enqueue_indirect_dma source(%dma_start3A_25 : memref<10000x128xf32, #tpu.memory_space<hbm>>) target(%arg11 : memref<64x128xf32, #tpu.memory_space<vmem>>) offsets(%dma_start3A_22 : memref<64xi32, #tpu.memory_space<vmem>>) semaphore(%arg15 : memref<!tpu.dma_semaphore, #tpu.memory_space<semaphore_mem>>)
        %dma_start3A_26 = arith.constant 64 : i32
        %dma_start3A_27 = tpu.memref_slice %arg9[%dma_start3A_26] : memref<1920xi32, #tpu.memory_space<vmem>> -> memref<64xi32, #tpu.memory_space<vmem>>
        %dma_start3A_28 = arith.constant 0 : i32
        %dma_start3A_29 = arith.constant 0 : i32
        %dma_start3A_30 = tpu.memref_slice %arg2[%dma_start3A_28, %dma_start3A_29] : memref<10000x128xf32, #tpu.memory_space<hbm>> -> memref<10000x128xf32, #tpu.memory_space<hbm>>
        tpu.enqueue_indirect_dma source(%dma_start3A_30 : memref<10000x128xf32, #tpu.memory_space<hbm>>) target(%arg12 : memref<64x128xf32, #tpu.memory_space<vmem>>) offsets(%dma_start3A_27 : memref<64xi32, #tpu.memory_space<vmem>>) semaphore(%arg16 : memref<!tpu.dma_semaphore, #tpu.memory_space<semaphore_mem>>)
        %scan3A_31 = arith.constant 0 : i32
        %scan3A_32 = arith.constant 0 : i32
        %scan3A_33 = arith.constant 10 : i32
        %scan3A_34 = arith.addi %scan3A_32, %scan3A_33 : i32
        %scan3A_35 = arith.constant 1 : i32
        scf.for %scan3A_43 = %scan3A_32 to %scan3A_34 step %scan3A_35  : i32 {
          %mul3A_44 = arith.constant 3 : i32
          %mul3A_45 = arith.muli %mul3A_44, %scan3A_43 : i32
          %add3A_46 = arith.constant 0 : i32
          %add3A_47 = arith.addi %mul3A_45, %add3A_46 : i32
          %dma_wait3A_48 = arith.constant 0 : i32
          %dma_wait3A_49 = tpu.memref_slice %arg9[%dma_wait3A_48] : memref<1920xi32, #tpu.memory_space<vmem>> -> memref<64xi32, #tpu.memory_space<vmem>>
          %dma_wait3A_50 = arith.constant 0 : i32
          %dma_wait3A_51 = arith.constant 0 : i32
          %dma_wait3A_52 = tpu.memref_slice %arg2[%dma_wait3A_50, %dma_wait3A_51] : memref<10000x128xf32, #tpu.memory_space<hbm>> -> memref<10000x128xf32, #tpu.memory_space<hbm>>
          tpu.wait_indirect_dma semaphore(%arg15 : memref<!tpu.dma_semaphore, #tpu.memory_space<semaphore_mem>>) src(%dma_wait3A_52 : memref<10000x128xf32, #tpu.memory_space<hbm>>) dst(%arg11 : memref<64x128xf32, #tpu.memory_space<vmem>>)
          %dma_start3A_53 = arith.constant 0 : i32
          %dma_start3A_54 = tpu.memref_slice %arg10[%add3A_47, %dma_start3A_53] : memref<30x64xi32, #tpu.memory_space<vmem>> -> memref<1x64xi32, #tpu.memory_space<vmem>>
          %dma_start3A_55 = tpu.memref_squeeze %dma_start3A_54 : memref<1x64xi32, #tpu.memory_space<vmem>> -> memref<64xi32, #tpu.memory_space<vmem>>
          %dma_start3A_56 = arith.constant 0 : i32
          %dma_start3A_57 = arith.constant 0 : i32
          %dma_start3A_58 = tpu.memref_slice %arg14[%dma_start3A_56, %dma_start3A_57] : memref<10112x128xf32, #tpu.memory_space<vmem_shared>> -> memref<10112x128xf32, #tpu.memory_space<vmem_shared>>
          tpu.enqueue_indirect_dma source(%arg11 : memref<64x128xf32, #tpu.memory_space<vmem>>) target(%dma_start3A_58 : memref<10112x128xf32, #tpu.memory_space<vmem_shared>>) offsets(%dma_start3A_55 : memref<64xi32, #tpu.memory_space<vmem>>) semaphore(%arg18 : memref<!tpu.dma_semaphore, #tpu.memory_space<semaphore_mem>>) {add = true}
          %gt3A = arith.constant 0 : i32
          %gt3A_59 = arith.cmpi sgt, %scan3A_43, %gt3A : i32
          %convert_element_type3A_60 = arith.extui %gt3A_59 : i1 to i32
          %cond3A_61 = arith.constant 0 : i32
          %cond3A_62 = arith.cmpi ne, %convert_element_type3A_60, %cond3A_61 : i32
          scf.if %cond3A_62 {
            %dma_wait3A_124 = arith.constant 0 : i32
            %dma_wait3A_125 = arith.constant 0 : i32
            %dma_wait3A_126 = tpu.memref_slice %arg10[%dma_wait3A_124, %dma_wait3A_125] : memref<30x64xi32, #tpu.memory_space<vmem>> -> memref<1x64xi32, #tpu.memory_space<vmem>>
            %dma_wait3A_127 = tpu.memref_squeeze %dma_wait3A_126 : memref<1x64xi32, #tpu.memory_space<vmem>> -> memref<64xi32, #tpu.memory_space<vmem>>
            %dma_wait3A_128 = arith.constant 0 : i32
            %dma_wait3A_129 = arith.constant 0 : i32
            %dma_wait3A_130 = tpu.memref_slice %arg14[%dma_wait3A_128, %dma_wait3A_129] : memref<10112x128xf32, #tpu.memory_space<vmem_shared>> -> memref<10112x128xf32, #tpu.memory_space<vmem_shared>>
            tpu.wait_indirect_dma semaphore(%arg20 : memref<!tpu.dma_semaphore, #tpu.memory_space<semaphore_mem>>) src(%arg13 : memref<64x128xf32, #tpu.memory_space<vmem>>) dst(%dma_wait3A_130 : memref<10112x128xf32, #tpu.memory_space<vmem_shared>>)
          } else {
          }
          %add3A_63 = arith.constant 2 : i32
          %add3A_64 = arith.addi %add3A_47, %add3A_63 : i32
          %mul3A_65 = arith.constant 64 : i32
          %mul3A_66 = arith.muli %add3A_64, %mul3A_65 : i32
          %dma_start3A_67 = tpu.memref_slice %arg9[%mul3A_66] : memref<1920xi32, #tpu.memory_space<vmem>> -> memref<64xi32, #tpu.memory_space<vmem>>
          %dma_start3A_68 = arith.constant 0 : i32
          %dma_start3A_69 = arith.constant 0 : i32
          %dma_start3A_70 = tpu.memref_slice %arg2[%dma_start3A_68, %dma_start3A_69] : memref<10000x128xf32, #tpu.memory_space<hbm>> -> memref<10000x128xf32, #tpu.memory_space<hbm>>
          tpu.enqueue_indirect_dma source(%dma_start3A_70 : memref<10000x128xf32, #tpu.memory_space<hbm>>) target(%arg13 : memref<64x128xf32, #tpu.memory_space<vmem>>) offsets(%dma_start3A_67 : memref<64xi32, #tpu.memory_space<vmem>>) semaphore(%arg17 : memref<!tpu.dma_semaphore, #tpu.memory_space<semaphore_mem>>)
          %mul3A_71 = arith.constant 3 : i32
          %mul3A_72 = arith.muli %mul3A_71, %scan3A_43 : i32
          %add3A_73 = arith.constant 1 : i32
          %add3A_74 = arith.addi %mul3A_72, %add3A_73 : i32
          %dma_wait3A_75 = arith.constant 0 : i32
          %dma_wait3A_76 = tpu.memref_slice %arg9[%dma_wait3A_75] : memref<1920xi32, #tpu.memory_space<vmem>> -> memref<64xi32, #tpu.memory_space<vmem>>
          %dma_wait3A_77 = arith.constant 0 : i32
          %dma_wait3A_78 = arith.constant 0 : i32
          %dma_wait3A_79 = tpu.memref_slice %arg2[%dma_wait3A_77, %dma_wait3A_78] : memref<10000x128xf32, #tpu.memory_space<hbm>> -> memref<10000x128xf32, #tpu.memory_space<hbm>>
          tpu.wait_indirect_dma semaphore(%arg16 : memref<!tpu.dma_semaphore, #tpu.memory_space<semaphore_mem>>) src(%dma_wait3A_79 : memref<10000x128xf32, #tpu.memory_space<hbm>>) dst(%arg12 : memref<64x128xf32, #tpu.memory_space<vmem>>)
          %dma_start3A_80 = arith.constant 0 : i32
          %dma_start3A_81 = tpu.memref_slice %arg10[%add3A_74, %dma_start3A_80] : memref<30x64xi32, #tpu.memory_space<vmem>> -> memref<1x64xi32, #tpu.memory_space<vmem>>
          %dma_start3A_82 = tpu.memref_squeeze %dma_start3A_81 : memref<1x64xi32, #tpu.memory_space<vmem>> -> memref<64xi32, #tpu.memory_space<vmem>>
          %dma_start3A_83 = arith.constant 0 : i32
          %dma_start3A_84 = arith.constant 0 : i32
          %dma_start3A_85 = tpu.memref_slice %arg14[%dma_start3A_83, %dma_start3A_84] : memref<10112x128xf32, #tpu.memory_space<vmem_shared>> -> memref<10112x128xf32, #tpu.memory_space<vmem_shared>>
          tpu.enqueue_indirect_dma source(%arg12 : memref<64x128xf32, #tpu.memory_space<vmem>>) target(%dma_start3A_85 : memref<10112x128xf32, #tpu.memory_space<vmem_shared>>) offsets(%dma_start3A_82 : memref<64xi32, #tpu.memory_space<vmem>>) semaphore(%arg19 : memref<!tpu.dma_semaphore, #tpu.memory_space<semaphore_mem>>) {add = true}
          %dma_wait3A_86 = arith.constant 0 : i32
          %dma_wait3A_87 = arith.constant 0 : i32
          %dma_wait3A_88 = tpu.memref_slice %arg10[%dma_wait3A_86, %dma_wait3A_87] : memref<30x64xi32, #tpu.memory_space<vmem>> -> memref<1x64xi32, #tpu.memory_space<vmem>>
          %dma_wait3A_89 = tpu.memref_squeeze %dma_wait3A_88 : memref<1x64xi32, #tpu.memory_space<vmem>> -> memref<64xi32, #tpu.memory_space<vmem>>
          %dma_wait3A_90 = arith.constant 0 : i32
          %dma_wait3A_91 = arith.constant 0 : i32
          %dma_wait3A_92 = tpu.memref_slice %arg14[%dma_wait3A_90, %dma_wait3A_91] : memref<10112x128xf32, #tpu.memory_space<vmem_shared>> -> memref<10112x128xf32, #tpu.memory_space<vmem_shared>>
          tpu.wait_indirect_dma semaphore(%arg18 : memref<!tpu.dma_semaphore, #tpu.memory_space<semaphore_mem>>) src(%arg11 : memref<64x128xf32, #tpu.memory_space<vmem>>) dst(%dma_wait3A_92 : memref<10112x128xf32, #tpu.memory_space<vmem_shared>>)
          %lt3A = arith.constant 9 : i32
          %lt3A_93 = arith.cmpi slt, %scan3A_43, %lt3A : i32
          %convert_element_type3A_94 = arith.extui %lt3A_93 : i1 to i32
          %cond3A_95 = arith.constant 0 : i32
          %cond3A_96 = arith.cmpi ne, %convert_element_type3A_94, %cond3A_95 : i32
          scf.if %cond3A_96 {
            %add3A_124 = arith.constant 2 : i32
            %add3A_125 = arith.addi %add3A_74, %add3A_124 : i32
            %mul3A_126 = arith.constant 64 : i32
            %mul3A_127 = arith.muli %add3A_125, %mul3A_126 : i32
            %dma_start3A_128 = tpu.memref_slice %arg9[%mul3A_127] : memref<1920xi32, #tpu.memory_space<vmem>> -> memref<64xi32, #tpu.memory_space<vmem>>
            %dma_start3A_129 = arith.constant 0 : i32
            %dma_start3A_130 = arith.constant 0 : i32
            %dma_start3A_131 = tpu.memref_slice %arg2[%dma_start3A_129, %dma_start3A_130] : memref<10000x128xf32, #tpu.memory_space<hbm>> -> memref<10000x128xf32, #tpu.memory_space<hbm>>
            tpu.enqueue_indirect_dma source(%dma_start3A_131 : memref<10000x128xf32, #tpu.memory_space<hbm>>) target(%arg11 : memref<64x128xf32, #tpu.memory_space<vmem>>) offsets(%dma_start3A_128 : memref<64xi32, #tpu.memory_space<vmem>>) semaphore(%arg15 : memref<!tpu.dma_semaphore, #tpu.memory_space<semaphore_mem>>)
          } else {
          }
          %mul3A_97 = arith.constant 3 : i32
          %mul3A_98 = arith.muli %mul3A_97, %scan3A_43 : i32
          %add3A_99 = arith.constant 2 : i32
          %add3A_100 = arith.addi %mul3A_98, %add3A_99 : i32
          %dma_wait3A_101 = arith.constant 0 : i32
          %dma_wait3A_102 = tpu.memref_slice %arg9[%dma_wait3A_101] : memref<1920xi32, #tpu.memory_space<vmem>> -> memref<64xi32, #tpu.memory_space<vmem>>
          %dma_wait3A_103 = arith.constant 0 : i32
          %dma_wait3A_104 = arith.constant 0 : i32
          %dma_wait3A_105 = tpu.memref_slice %arg2[%dma_wait3A_103, %dma_wait3A_104] : memref<10000x128xf32, #tpu.memory_space<hbm>> -> memref<10000x128xf32, #tpu.memory_space<hbm>>
          tpu.wait_indirect_dma semaphore(%arg17 : memref<!tpu.dma_semaphore, #tpu.memory_space<semaphore_mem>>) src(%dma_wait3A_105 : memref<10000x128xf32, #tpu.memory_space<hbm>>) dst(%arg13 : memref<64x128xf32, #tpu.memory_space<vmem>>)
          %dma_start3A_106 = arith.constant 0 : i32
          %dma_start3A_107 = tpu.memref_slice %arg10[%add3A_100, %dma_start3A_106] : memref<30x64xi32, #tpu.memory_space<vmem>> -> memref<1x64xi32, #tpu.memory_space<vmem>>
          %dma_start3A_108 = tpu.memref_squeeze %dma_start3A_107 : memref<1x64xi32, #tpu.memory_space<vmem>> -> memref<64xi32, #tpu.memory_space<vmem>>
          %dma_start3A_109 = arith.constant 0 : i32
          %dma_start3A_110 = arith.constant 0 : i32
          %dma_start3A_111 = tpu.memref_slice %arg14[%dma_start3A_109, %dma_start3A_110] : memref<10112x128xf32, #tpu.memory_space<vmem_shared>> -> memref<10112x128xf32, #tpu.memory_space<vmem_shared>>
          tpu.enqueue_indirect_dma source(%arg13 : memref<64x128xf32, #tpu.memory_space<vmem>>) target(%dma_start3A_111 : memref<10112x128xf32, #tpu.memory_space<vmem_shared>>) offsets(%dma_start3A_108 : memref<64xi32, #tpu.memory_space<vmem>>) semaphore(%arg20 : memref<!tpu.dma_semaphore, #tpu.memory_space<semaphore_mem>>) {add = true}
          %dma_wait3A_112 = arith.constant 0 : i32
          %dma_wait3A_113 = arith.constant 0 : i32
          %dma_wait3A_114 = tpu.memref_slice %arg10[%dma_wait3A_112, %dma_wait3A_113] : memref<30x64xi32, #tpu.memory_space<vmem>> -> memref<1x64xi32, #tpu.memory_space<vmem>>
          %dma_wait3A_115 = tpu.memref_squeeze %dma_wait3A_114 : memref<1x64xi32, #tpu.memory_space<vmem>> -> memref<64xi32, #tpu.memory_space<vmem>>
          %dma_wait3A_116 = arith.constant 0 : i32
          %dma_wait3A_117 = arith.constant 0 : i32
          %dma_wait3A_118 = tpu.memref_slice %arg14[%dma_wait3A_116, %dma_wait3A_117] : memref<10112x128xf32, #tpu.memory_space<vmem_shared>> -> memref<10112x128xf32, #tpu.memory_space<vmem_shared>>
          tpu.wait_indirect_dma semaphore(%arg19 : memref<!tpu.dma_semaphore, #tpu.memory_space<semaphore_mem>>) src(%arg12 : memref<64x128xf32, #tpu.memory_space<vmem>>) dst(%dma_wait3A_118 : memref<10112x128xf32, #tpu.memory_space<vmem_shared>>)
          %lt3A_119 = arith.constant 9 : i32
          %lt3A_120 = arith.cmpi slt, %scan3A_43, %lt3A_119 : i32
          %convert_element_type3A_121 = arith.extui %lt3A_120 : i1 to i32
          %cond3A_122 = arith.constant 0 : i32
          %cond3A_123 = arith.cmpi ne, %convert_element_type3A_121, %cond3A_122 : i32
          scf.if %cond3A_123 {
            %add3A_124 = arith.constant 2 : i32
            %add3A_125 = arith.addi %add3A_100, %add3A_124 : i32
            %mul3A_126 = arith.constant 64 : i32
            %mul3A_127 = arith.muli %add3A_125, %mul3A_126 : i32
            %dma_start3A_128 = tpu.memref_slice %arg9[%mul3A_127] : memref<1920xi32, #tpu.memory_space<vmem>> -> memref<64xi32, #tpu.memory_space<vmem>>
            %dma_start3A_129 = arith.constant 0 : i32
            %dma_start3A_130 = arith.constant 0 : i32
            %dma_start3A_131 = tpu.memref_slice %arg2[%dma_start3A_129, %dma_start3A_130] : memref<10000x128xf32, #tpu.memory_space<hbm>> -> memref<10000x128xf32, #tpu.memory_space<hbm>>
            tpu.enqueue_indirect_dma source(%dma_start3A_131 : memref<10000x128xf32, #tpu.memory_space<hbm>>) target(%arg12 : memref<64x128xf32, #tpu.memory_space<vmem>>) offsets(%dma_start3A_128 : memref<64xi32, #tpu.memory_space<vmem>>) semaphore(%arg16 : memref<!tpu.dma_semaphore, #tpu.memory_space<semaphore_mem>>)
          } else {
          }
        }
        %scan3A_36 = arith.constant 10 : i32
        %dma_wait3A = arith.constant 0 : i32
        %dma_wait3A_37 = arith.constant 0 : i32
        %dma_wait3A_38 = tpu.memref_slice %arg10[%dma_wait3A, %dma_wait3A_37] : memref<30x64xi32, #tpu.memory_space<vmem>> -> memref<1x64xi32, #tpu.memory_space<vmem>>
        %dma_wait3A_39 = tpu.memref_squeeze %dma_wait3A_38 : memref<1x64xi32, #tpu.memory_space<vmem>> -> memref<64xi32, #tpu.memory_space<vmem>>
        %dma_wait3A_40 = arith.constant 0 : i32
        %dma_wait3A_41 = arith.constant 0 : i32
        %dma_wait3A_42 = tpu.memref_slice %arg14[%dma_wait3A_40, %dma_wait3A_41] : memref<10112x128xf32, #tpu.memory_space<vmem_shared>> -> memref<10112x128xf32, #tpu.memory_space<vmem_shared>>
        tpu.wait_indirect_dma semaphore(%arg20 : memref<!tpu.dma_semaphore, #tpu.memory_space<semaphore_mem>>) src(%arg13 : memref<64x128xf32, #tpu.memory_space<vmem>>) dst(%dma_wait3A_42 : memref<10112x128xf32, #tpu.memory_space<vmem_shared>>)
      }
      %scan3A_12 = arith.constant 11 : i32
      %barrier3A_13 = arith.constant 0 : index
      tpu.barrier barrier_id(%barrier3A_13)
      %mul3A_14 = arith.constant 632 : i32
      %mul3A_15 = arith.muli %arg1, %mul3A_14 : i32
      "tpu.region"() ({
        %run_scoped3A = tpu.sem_alloc : memref<!tpu.dma_semaphore, #tpu.memory_space<semaphore_mem>>
        %dma_start3A = arith.constant 0 : i32
        %dma_start3A_16 = tpu.memref_slice %arg7[%mul3A_15, %dma_start3A] : memref<10112x128xf32, #tpu.memory_space<hbm>> -> memref<632x128xf32, #tpu.memory_space<hbm>>
        %dma_start3A_17 = arith.constant 0 : i32
        %dma_start3A_18 = tpu.memref_slice %arg14[%mul3A_15, %dma_start3A_17] : memref<10112x128xf32, #tpu.memory_space<vmem_shared>> -> memref<632x128xf32, #tpu.memory_space<vmem_shared>>
        tpu.enqueue_dma source(%dma_start3A_18 : memref<632x128xf32, #tpu.memory_space<vmem_shared>>) target(%dma_start3A_16 : memref<632x128xf32, #tpu.memory_space<hbm>>) target_semaphore(%run_scoped3A : memref<!tpu.dma_semaphore, #tpu.memory_space<semaphore_mem>>)
        %dma_wait3A = arith.constant 0 : i32
        %dma_wait3A_19 = tpu.memref_slice %arg7[%mul3A_15, %dma_wait3A] : memref<10112x128xf32, #tpu.memory_space<hbm>> -> memref<632x128xf32, #tpu.memory_space<hbm>>
        %dma_wait3A_20 = arith.constant 0 : i32
        %dma_wait3A_21 = tpu.memref_slice %arg14[%mul3A_15, %dma_wait3A_20] : memref<10112x128xf32, #tpu.memory_space<vmem_shared>> -> memref<632x128xf32, #tpu.memory_space<vmem_shared>>
        tpu.wait_dma2 semaphore(%run_scoped3A : memref<!tpu.dma_semaphore, #tpu.memory_space<semaphore_mem>>) src(%dma_wait3A_21 : memref<632x128xf32, #tpu.memory_space<vmem_shared>>) dst(%dma_wait3A_19 : memref<632x128xf32, #tpu.memory_space<hbm>>)
        tpu.yield
      }) : () -> ()
    } else {
    }
    %eq3A_3 = arith.constant 1 : i32
    %eq3A_4 = arith.cmpi eq, %arg0, %eq3A_3 : i32
    %convert_element_type3A_5 = arith.extui %eq3A_4 : i1 to i32
    %cond3A_6 = arith.constant 0 : i32
    %cond3A_7 = arith.cmpi ne, %convert_element_type3A_5, %cond3A_6 : i32
    scf.if %cond3A_7 {
      %scan3A = arith.constant 0 : i32
      %scan3A_8 = arith.constant 0 : i32
      %scan3A_9 = arith.constant 11 : i32
      %scan3A_10 = arith.addi %scan3A_8, %scan3A_9 : i32
      %scan3A_11 = arith.constant 1 : i32
      scf.for %scan3A_16 = %scan3A_8 to %scan3A_10 step %scan3A_11  : i32 {
        %mul3A_17 = arith.constant 11 : i32
        %mul3A_18 = arith.muli %arg1, %mul3A_17 : i32
        %add3A = arith.addi %mul3A_18, %scan3A_16 : i32
        "tpu.region"() ({
          %run_scoped3A = tpu.sem_alloc : memref<!tpu.dma_semaphore, #tpu.memory_space<semaphore_mem>>
          %dma_start3A_43 = arith.constant 0 : i32
          %dma_start3A_44 = tpu.memref_slice %arg4[%add3A, %dma_start3A_43] : memref<176x1920xi32, #tpu.memory_space<hbm>> -> memref<1x1920xi32, #tpu.memory_space<hbm>>
          %dma_start3A_45 = tpu.memref_squeeze %dma_start3A_44 : memref<1x1920xi32, #tpu.memory_space<hbm>> -> memref<1920xi32, #tpu.memory_space<hbm>>
          %dma_start3A_46 = arith.constant 0 : i32
          %dma_start3A_47 = tpu.memref_slice %arg4[%add3A, %dma_start3A_46] : memref<176x1920xi32, #tpu.memory_space<hbm>> -> memref<1x1920xi32, #tpu.memory_space<hbm>>
          %dma_start3A_48 = tpu.memref_squeeze %dma_start3A_47 : memref<1x1920xi32, #tpu.memory_space<hbm>> -> memref<1920xi32, #tpu.memory_space<hbm>>
          tpu.enqueue_dma source(%dma_start3A_48 : memref<1920xi32, #tpu.memory_space<hbm>>) target(%arg9 : memref<1920xi32, #tpu.memory_space<vmem>>) target_semaphore(%run_scoped3A : memref<!tpu.dma_semaphore, #tpu.memory_space<semaphore_mem>>)
          %dma_wait3A_49 = arith.constant 0 : i32
          %dma_wait3A_50 = tpu.memref_slice %arg4[%add3A, %dma_wait3A_49] : memref<176x1920xi32, #tpu.memory_space<hbm>> -> memref<1x1920xi32, #tpu.memory_space<hbm>>
          %dma_wait3A_51 = tpu.memref_squeeze %dma_wait3A_50 : memref<1x1920xi32, #tpu.memory_space<hbm>> -> memref<1920xi32, #tpu.memory_space<hbm>>
          %dma_wait3A_52 = arith.constant 0 : i32
          %dma_wait3A_53 = tpu.memref_slice %arg4[%add3A, %dma_wait3A_52] : memref<176x1920xi32, #tpu.memory_space<hbm>> -> memref<1x1920xi32, #tpu.memory_space<hbm>>
          %dma_wait3A_54 = tpu.memref_squeeze %dma_wait3A_53 : memref<1x1920xi32, #tpu.memory_space<hbm>> -> memref<1920xi32, #tpu.memory_space<hbm>>
          tpu.wait_dma2 semaphore(%run_scoped3A : memref<!tpu.dma_semaphore, #tpu.memory_space<semaphore_mem>>) src(%dma_wait3A_54 : memref<1920xi32, #tpu.memory_space<hbm>>) dst(%arg9 : memref<1920xi32, #tpu.memory_space<vmem>>)
          tpu.yield
        }) : () -> ()
        %mul3A_19 = arith.constant 11 : i32
        %mul3A_20 = arith.muli %arg1, %mul3A_19 : i32
        %add3A_21 = arith.addi %mul3A_20, %scan3A_16 : i32
        "tpu.region"() ({
          %run_scoped3A = tpu.sem_alloc : memref<!tpu.dma_semaphore, #tpu.memory_space<semaphore_mem>>
          %dma_start3A_43 = arith.constant 0 : i32
          %dma_start3A_44 = arith.constant 0 : i32
          %dma_start3A_45 = tpu.memref_slice %arg5[%add3A_21, %dma_start3A_43, %dma_start3A_44] : memref<176x30x64xi32, #tpu.memory_space<hbm>> -> memref<1x30x64xi32, #tpu.memory_space<hbm>>
          %dma_start3A_46 = tpu.memref_squeeze %dma_start3A_45 : memref<1x30x64xi32, #tpu.memory_space<hbm>> -> memref<30x64xi32, #tpu.memory_space<hbm>>
          %dma_start3A_47 = arith.constant 0 : i32
          %dma_start3A_48 = arith.constant 0 : i32
          %dma_start3A_49 = tpu.memref_slice %arg5[%add3A_21, %dma_start3A_47, %dma_start3A_48] : memref<176x30x64xi32, #tpu.memory_space<hbm>> -> memref<1x30x64xi32, #tpu.memory_space<hbm>>
          %dma_start3A_50 = tpu.memref_squeeze %dma_start3A_49 : memref<1x30x64xi32, #tpu.memory_space<hbm>> -> memref<30x64xi32, #tpu.memory_space<hbm>>
          tpu.enqueue_dma source(%dma_start3A_50 : memref<30x64xi32, #tpu.memory_space<hbm>>) target(%arg10 : memref<30x64xi32, #tpu.memory_space<vmem>>) target_semaphore(%run_scoped3A : memref<!tpu.dma_semaphore, #tpu.memory_space<semaphore_mem>>)
          %dma_wait3A_51 = arith.constant 0 : i32
          %dma_wait3A_52 = arith.constant 0 : i32
          %dma_wait3A_53 = tpu.memref_slice %arg5[%add3A_21, %dma_wait3A_51, %dma_wait3A_52] : memref<176x30x64xi32, #tpu.memory_space<hbm>> -> memref<1x30x64xi32, #tpu.memory_space<hbm>>
          %dma_wait3A_54 = tpu.memref_squeeze %dma_wait3A_53 : memref<1x30x64xi32, #tpu.memory_space<hbm>> -> memref<30x64xi32, #tpu.memory_space<hbm>>
          %dma_wait3A_55 = arith.constant 0 : i32
          %dma_wait3A_56 = arith.constant 0 : i32
          %dma_wait3A_57 = tpu.memref_slice %arg5[%add3A_21, %dma_wait3A_55, %dma_wait3A_56] : memref<176x30x64xi32, #tpu.memory_space<hbm>> -> memref<1x30x64xi32, #tpu.memory_space<hbm>>
          %dma_wait3A_58 = tpu.memref_squeeze %dma_wait3A_57 : memref<1x30x64xi32, #tpu.memory_space<hbm>> -> memref<30x64xi32, #tpu.memory_space<hbm>>
          tpu.wait_dma2 semaphore(%run_scoped3A : memref<!tpu.dma_semaphore, #tpu.memory_space<semaphore_mem>>) src(%dma_wait3A_58 : memref<30x64xi32, #tpu.memory_space<hbm>>) dst(%arg10 : memref<30x64xi32, #tpu.memory_space<vmem>>)
          tpu.yield
        }) : () -> ()
        %dma_start3A = arith.constant 0 : i32
        %dma_start3A_22 = tpu.memref_slice %arg9[%dma_start3A] : memref<1920xi32, #tpu.memory_space<vmem>> -> memref<64xi32, #tpu.memory_space<vmem>>
        %dma_start3A_23 = arith.constant 0 : i32
        %dma_start3A_24 = arith.constant 0 : i32
        %dma_start3A_25 = tpu.memref_slice %arg3[%dma_start3A_23, %dma_start3A_24] : memref<10000x128xf32, #tpu.memory_space<hbm>> -> memref<10000x128xf32, #tpu.memory_space<hbm>>
        tpu.enqueue_indirect_dma source(%dma_start3A_25 : memref<10000x128xf32, #tpu.memory_space<hbm>>) target(%arg11 : memref<64x128xf32, #tpu.memory_space<vmem>>) offsets(%dma_start3A_22 : memref<64xi32, #tpu.memory_space<vmem>>) semaphore(%arg15 : memref<!tpu.dma_semaphore, #tpu.memory_space<semaphore_mem>>)
        %dma_start3A_26 = arith.constant 64 : i32
        %dma_start3A_27 = tpu.memref_slice %arg9[%dma_start3A_26] : memref<1920xi32, #tpu.memory_space<vmem>> -> memref<64xi32, #tpu.memory_space<vmem>>
        %dma_start3A_28 = arith.constant 0 : i32
        %dma_start3A_29 = arith.constant 0 : i32
        %dma_start3A_30 = tpu.memref_slice %arg3[%dma_start3A_28, %dma_start3A_29] : memref<10000x128xf32, #tpu.memory_space<hbm>> -> memref<10000x128xf32, #tpu.memory_space<hbm>>
        tpu.enqueue_indirect_dma source(%dma_start3A_30 : memref<10000x128xf32, #tpu.memory_space<hbm>>) target(%arg12 : memref<64x128xf32, #tpu.memory_space<vmem>>) offsets(%dma_start3A_27 : memref<64xi32, #tpu.memory_space<vmem>>) semaphore(%arg16 : memref<!tpu.dma_semaphore, #tpu.memory_space<semaphore_mem>>)
        %scan3A_31 = arith.constant 0 : i32
        %scan3A_32 = arith.constant 0 : i32
        %scan3A_33 = arith.constant 10 : i32
        %scan3A_34 = arith.addi %scan3A_32, %scan3A_33 : i32
        %scan3A_35 = arith.constant 1 : i32
        scf.for %scan3A_43 = %scan3A_32 to %scan3A_34 step %scan3A_35  : i32 {
          %mul3A_44 = arith.constant 3 : i32
          %mul3A_45 = arith.muli %mul3A_44, %scan3A_43 : i32
          %add3A_46 = arith.constant 0 : i32
          %add3A_47 = arith.addi %mul3A_45, %add3A_46 : i32
          %dma_wait3A_48 = arith.constant 0 : i32
          %dma_wait3A_49 = tpu.memref_slice %arg9[%dma_wait3A_48] : memref<1920xi32, #tpu.memory_space<vmem>> -> memref<64xi32, #tpu.memory_space<vmem>>
          %dma_wait3A_50 = arith.constant 0 : i32
          %dma_wait3A_51 = arith.constant 0 : i32
          %dma_wait3A_52 = tpu.memref_slice %arg3[%dma_wait3A_50, %dma_wait3A_51] : memref<10000x128xf32, #tpu.memory_space<hbm>> -> memref<10000x128xf32, #tpu.memory_space<hbm>>
          tpu.wait_indirect_dma semaphore(%arg15 : memref<!tpu.dma_semaphore, #tpu.memory_space<semaphore_mem>>) src(%dma_wait3A_52 : memref<10000x128xf32, #tpu.memory_space<hbm>>) dst(%arg11 : memref<64x128xf32, #tpu.memory_space<vmem>>)
          %dma_start3A_53 = arith.constant 0 : i32
          %dma_start3A_54 = tpu.memref_slice %arg10[%add3A_47, %dma_start3A_53] : memref<30x64xi32, #tpu.memory_space<vmem>> -> memref<1x64xi32, #tpu.memory_space<vmem>>
          %dma_start3A_55 = tpu.memref_squeeze %dma_start3A_54 : memref<1x64xi32, #tpu.memory_space<vmem>> -> memref<64xi32, #tpu.memory_space<vmem>>
          %dma_start3A_56 = arith.constant 0 : i32
          %dma_start3A_57 = arith.constant 0 : i32
          %dma_start3A_58 = tpu.memref_slice %arg14[%dma_start3A_56, %dma_start3A_57] : memref<10112x128xf32, #tpu.memory_space<vmem_shared>> -> memref<10112x128xf32, #tpu.memory_space<vmem_shared>>
          tpu.enqueue_indirect_dma source(%arg11 : memref<64x128xf32, #tpu.memory_space<vmem>>) target(%dma_start3A_58 : memref<10112x128xf32, #tpu.memory_space<vmem_shared>>) offsets(%dma_start3A_55 : memref<64xi32, #tpu.memory_space<vmem>>) semaphore(%arg18 : memref<!tpu.dma_semaphore, #tpu.memory_space<semaphore_mem>>) {add = true}
          %gt3A = arith.constant 0 : i32
          %gt3A_59 = arith.cmpi sgt, %scan3A_43, %gt3A : i32
          %convert_element_type3A_60 = arith.extui %gt3A_59 : i1 to i32
          %cond3A_61 = arith.constant 0 : i32
          %cond3A_62 = arith.cmpi ne, %convert_element_type3A_60, %cond3A_61 : i32
          scf.if %cond3A_62 {
            %dma_wait3A_124 = arith.constant 0 : i32
            %dma_wait3A_125 = arith.constant 0 : i32
            %dma_wait3A_126 = tpu.memref_slice %arg10[%dma_wait3A_124, %dma_wait3A_125] : memref<30x64xi32, #tpu.memory_space<vmem>> -> memref<1x64xi32, #tpu.memory_space<vmem>>
            %dma_wait3A_127 = tpu.memref_squeeze %dma_wait3A_126 : memref<1x64xi32, #tpu.memory_space<vmem>> -> memref<64xi32, #tpu.memory_space<vmem>>
            %dma_wait3A_128 = arith.constant 0 : i32
            %dma_wait3A_129 = arith.constant 0 : i32
            %dma_wait3A_130 = tpu.memref_slice %arg14[%dma_wait3A_128, %dma_wait3A_129] : memref<10112x128xf32, #tpu.memory_space<vmem_shared>> -> memref<10112x128xf32, #tpu.memory_space<vmem_shared>>
            tpu.wait_indirect_dma semaphore(%arg20 : memref<!tpu.dma_semaphore, #tpu.memory_space<semaphore_mem>>) src(%arg13 : memref<64x128xf32, #tpu.memory_space<vmem>>) dst(%dma_wait3A_130 : memref<10112x128xf32, #tpu.memory_space<vmem_shared>>)
          } else {
          }
          %add3A_63 = arith.constant 2 : i32
          %add3A_64 = arith.addi %add3A_47, %add3A_63 : i32
          %mul3A_65 = arith.constant 64 : i32
          %mul3A_66 = arith.muli %add3A_64, %mul3A_65 : i32
          %dma_start3A_67 = tpu.memref_slice %arg9[%mul3A_66] : memref<1920xi32, #tpu.memory_space<vmem>> -> memref<64xi32, #tpu.memory_space<vmem>>
          %dma_start3A_68 = arith.constant 0 : i32
          %dma_start3A_69 = arith.constant 0 : i32
          %dma_start3A_70 = tpu.memref_slice %arg3[%dma_start3A_68, %dma_start3A_69] : memref<10000x128xf32, #tpu.memory_space<hbm>> -> memref<10000x128xf32, #tpu.memory_space<hbm>>
          tpu.enqueue_indirect_dma source(%dma_start3A_70 : memref<10000x128xf32, #tpu.memory_space<hbm>>) target(%arg13 : memref<64x128xf32, #tpu.memory_space<vmem>>) offsets(%dma_start3A_67 : memref<64xi32, #tpu.memory_space<vmem>>) semaphore(%arg17 : memref<!tpu.dma_semaphore, #tpu.memory_space<semaphore_mem>>)
          %mul3A_71 = arith.constant 3 : i32
          %mul3A_72 = arith.muli %mul3A_71, %scan3A_43 : i32
          %add3A_73 = arith.constant 1 : i32
          %add3A_74 = arith.addi %mul3A_72, %add3A_73 : i32
          %dma_wait3A_75 = arith.constant 0 : i32
          %dma_wait3A_76 = tpu.memref_slice %arg9[%dma_wait3A_75] : memref<1920xi32, #tpu.memory_space<vmem>> -> memref<64xi32, #tpu.memory_space<vmem>>
          %dma_wait3A_77 = arith.constant 0 : i32
          %dma_wait3A_78 = arith.constant 0 : i32
          %dma_wait3A_79 = tpu.memref_slice %arg3[%dma_wait3A_77, %dma_wait3A_78] : memref<10000x128xf32, #tpu.memory_space<hbm>> -> memref<10000x128xf32, #tpu.memory_space<hbm>>
          tpu.wait_indirect_dma semaphore(%arg16 : memref<!tpu.dma_semaphore, #tpu.memory_space<semaphore_mem>>) src(%dma_wait3A_79 : memref<10000x128xf32, #tpu.memory_space<hbm>>) dst(%arg12 : memref<64x128xf32, #tpu.memory_space<vmem>>)
          %dma_start3A_80 = arith.constant 0 : i32
          %dma_start3A_81 = tpu.memref_slice %arg10[%add3A_74, %dma_start3A_80] : memref<30x64xi32, #tpu.memory_space<vmem>> -> memref<1x64xi32, #tpu.memory_space<vmem>>
          %dma_start3A_82 = tpu.memref_squeeze %dma_start3A_81 : memref<1x64xi32, #tpu.memory_space<vmem>> -> memref<64xi32, #tpu.memory_space<vmem>>
          %dma_start3A_83 = arith.constant 0 : i32
          %dma_start3A_84 = arith.constant 0 : i32
          %dma_start3A_85 = tpu.memref_slice %arg14[%dma_start3A_83, %dma_start3A_84] : memref<10112x128xf32, #tpu.memory_space<vmem_shared>> -> memref<10112x128xf32, #tpu.memory_space<vmem_shared>>
          tpu.enqueue_indirect_dma source(%arg12 : memref<64x128xf32, #tpu.memory_space<vmem>>) target(%dma_start3A_85 : memref<10112x128xf32, #tpu.memory_space<vmem_shared>>) offsets(%dma_start3A_82 : memref<64xi32, #tpu.memory_space<vmem>>) semaphore(%arg19 : memref<!tpu.dma_semaphore, #tpu.memory_space<semaphore_mem>>) {add = true}
          %dma_wait3A_86 = arith.constant 0 : i32
          %dma_wait3A_87 = arith.constant 0 : i32
          %dma_wait3A_88 = tpu.memref_slice %arg10[%dma_wait3A_86, %dma_wait3A_87] : memref<30x64xi32, #tpu.memory_space<vmem>> -> memref<1x64xi32, #tpu.memory_space<vmem>>
          %dma_wait3A_89 = tpu.memref_squeeze %dma_wait3A_88 : memref<1x64xi32, #tpu.memory_space<vmem>> -> memref<64xi32, #tpu.memory_space<vmem>>
          %dma_wait3A_90 = arith.constant 0 : i32
          %dma_wait3A_91 = arith.constant 0 : i32
          %dma_wait3A_92 = tpu.memref_slice %arg14[%dma_wait3A_90, %dma_wait3A_91] : memref<10112x128xf32, #tpu.memory_space<vmem_shared>> -> memref<10112x128xf32, #tpu.memory_space<vmem_shared>>
          tpu.wait_indirect_dma semaphore(%arg18 : memref<!tpu.dma_semaphore, #tpu.memory_space<semaphore_mem>>) src(%arg11 : memref<64x128xf32, #tpu.memory_space<vmem>>) dst(%dma_wait3A_92 : memref<10112x128xf32, #tpu.memory_space<vmem_shared>>)
          %lt3A = arith.constant 9 : i32
          %lt3A_93 = arith.cmpi slt, %scan3A_43, %lt3A : i32
          %convert_element_type3A_94 = arith.extui %lt3A_93 : i1 to i32
          %cond3A_95 = arith.constant 0 : i32
          %cond3A_96 = arith.cmpi ne, %convert_element_type3A_94, %cond3A_95 : i32
          scf.if %cond3A_96 {
            %add3A_124 = arith.constant 2 : i32
            %add3A_125 = arith.addi %add3A_74, %add3A_124 : i32
            %mul3A_126 = arith.constant 64 : i32
            %mul3A_127 = arith.muli %add3A_125, %mul3A_126 : i32
            %dma_start3A_128 = tpu.memref_slice %arg9[%mul3A_127] : memref<1920xi32, #tpu.memory_space<vmem>> -> memref<64xi32, #tpu.memory_space<vmem>>
            %dma_start3A_129 = arith.constant 0 : i32
            %dma_start3A_130 = arith.constant 0 : i32
            %dma_start3A_131 = tpu.memref_slice %arg3[%dma_start3A_129, %dma_start3A_130] : memref<10000x128xf32, #tpu.memory_space<hbm>> -> memref<10000x128xf32, #tpu.memory_space<hbm>>
            tpu.enqueue_indirect_dma source(%dma_start3A_131 : memref<10000x128xf32, #tpu.memory_space<hbm>>) target(%arg11 : memref<64x128xf32, #tpu.memory_space<vmem>>) offsets(%dma_start3A_128 : memref<64xi32, #tpu.memory_space<vmem>>) semaphore(%arg15 : memref<!tpu.dma_semaphore, #tpu.memory_space<semaphore_mem>>)
          } else {
          }
          %mul3A_97 = arith.constant 3 : i32
          %mul3A_98 = arith.muli %mul3A_97, %scan3A_43 : i32
          %add3A_99 = arith.constant 2 : i32
          %add3A_100 = arith.addi %mul3A_98, %add3A_99 : i32
          %dma_wait3A_101 = arith.constant 0 : i32
          %dma_wait3A_102 = tpu.memref_slice %arg9[%dma_wait3A_101] : memref<1920xi32, #tpu.memory_space<vmem>> -> memref<64xi32, #tpu.memory_space<vmem>>
          %dma_wait3A_103 = arith.constant 0 : i32
          %dma_wait3A_104 = arith.constant 0 : i32
          %dma_wait3A_105 = tpu.memref_slice %arg3[%dma_wait3A_103, %dma_wait3A_104] : memref<10000x128xf32, #tpu.memory_space<hbm>> -> memref<10000x128xf32, #tpu.memory_space<hbm>>
          tpu.wait_indirect_dma semaphore(%arg17 : memref<!tpu.dma_semaphore, #tpu.memory_space<semaphore_mem>>) src(%dma_wait3A_105 : memref<10000x128xf32, #tpu.memory_space<hbm>>) dst(%arg13 : memref<64x128xf32, #tpu.memory_space<vmem>>)
          %dma_start3A_106 = arith.constant 0 : i32
          %dma_start3A_107 = tpu.memref_slice %arg10[%add3A_100, %dma_start3A_106] : memref<30x64xi32, #tpu.memory_space<vmem>> -> memref<1x64xi32, #tpu.memory_space<vmem>>
          %dma_start3A_108 = tpu.memref_squeeze %dma_start3A_107 : memref<1x64xi32, #tpu.memory_space<vmem>> -> memref<64xi32, #tpu.memory_space<vmem>>
          %dma_start3A_109 = arith.constant 0 : i32
          %dma_start3A_110 = arith.constant 0 : i32
          %dma_start3A_111 = tpu.memref_slice %arg14[%dma_start3A_109, %dma_start3A_110] : memref<10112x128xf32, #tpu.memory_space<vmem_shared>> -> memref<10112x128xf32, #tpu.memory_space<vmem_shared>>
          tpu.enqueue_indirect_dma source(%arg13 : memref<64x128xf32, #tpu.memory_space<vmem>>) target(%dma_start3A_111 : memref<10112x128xf32, #tpu.memory_space<vmem_shared>>) offsets(%dma_start3A_108 : memref<64xi32, #tpu.memory_space<vmem>>) semaphore(%arg20 : memref<!tpu.dma_semaphore, #tpu.memory_space<semaphore_mem>>) {add = true}
          %dma_wait3A_112 = arith.constant 0 : i32
          %dma_wait3A_113 = arith.constant 0 : i32
          %dma_wait3A_114 = tpu.memref_slice %arg10[%dma_wait3A_112, %dma_wait3A_113] : memref<30x64xi32, #tpu.memory_space<vmem>> -> memref<1x64xi32, #tpu.memory_space<vmem>>
          %dma_wait3A_115 = tpu.memref_squeeze %dma_wait3A_114 : memref<1x64xi32, #tpu.memory_space<vmem>> -> memref<64xi32, #tpu.memory_space<vmem>>
          %dma_wait3A_116 = arith.constant 0 : i32
          %dma_wait3A_117 = arith.constant 0 : i32
          %dma_wait3A_118 = tpu.memref_slice %arg14[%dma_wait3A_116, %dma_wait3A_117] : memref<10112x128xf32, #tpu.memory_space<vmem_shared>> -> memref<10112x128xf32, #tpu.memory_space<vmem_shared>>
          tpu.wait_indirect_dma semaphore(%arg19 : memref<!tpu.dma_semaphore, #tpu.memory_space<semaphore_mem>>) src(%arg12 : memref<64x128xf32, #tpu.memory_space<vmem>>) dst(%dma_wait3A_118 : memref<10112x128xf32, #tpu.memory_space<vmem_shared>>)
          %lt3A_119 = arith.constant 9 : i32
          %lt3A_120 = arith.cmpi slt, %scan3A_43, %lt3A_119 : i32
          %convert_element_type3A_121 = arith.extui %lt3A_120 : i1 to i32
          %cond3A_122 = arith.constant 0 : i32
          %cond3A_123 = arith.cmpi ne, %convert_element_type3A_121, %cond3A_122 : i32
          scf.if %cond3A_123 {
            %add3A_124 = arith.constant 2 : i32
            %add3A_125 = arith.addi %add3A_100, %add3A_124 : i32
            %mul3A_126 = arith.constant 64 : i32
            %mul3A_127 = arith.muli %add3A_125, %mul3A_126 : i32
            %dma_start3A_128 = tpu.memref_slice %arg9[%mul3A_127] : memref<1920xi32, #tpu.memory_space<vmem>> -> memref<64xi32, #tpu.memory_space<vmem>>
            %dma_start3A_129 = arith.constant 0 : i32
            %dma_start3A_130 = arith.constant 0 : i32
            %dma_start3A_131 = tpu.memref_slice %arg3[%dma_start3A_129, %dma_start3A_130] : memref<10000x128xf32, #tpu.memory_space<hbm>> -> memref<10000x128xf32, #tpu.memory_space<hbm>>
            tpu.enqueue_indirect_dma source(%dma_start3A_131 : memref<10000x128xf32, #tpu.memory_space<hbm>>) target(%arg12 : memref<64x128xf32, #tpu.memory_space<vmem>>) offsets(%dma_start3A_128 : memref<64xi32, #tpu.memory_space<vmem>>) semaphore(%arg16 : memref<!tpu.dma_semaphore, #tpu.memory_space<semaphore_mem>>)
          } else {
          }
        }
        %scan3A_36 = arith.constant 10 : i32
        %dma_wait3A = arith.constant 0 : i32
        %dma_wait3A_37 = arith.constant 0 : i32
        %dma_wait3A_38 = tpu.memref_slice %arg10[%dma_wait3A, %dma_wait3A_37] : memref<30x64xi32, #tpu.memory_space<vmem>> -> memref<1x64xi32, #tpu.memory_space<vmem>>
        %dma_wait3A_39 = tpu.memref_squeeze %dma_wait3A_38 : memref<1x64xi32, #tpu.memory_space<vmem>> -> memref<64xi32, #tpu.memory_space<vmem>>
        %dma_wait3A_40 = arith.constant 0 : i32
        %dma_wait3A_41 = arith.constant 0 : i32
        %dma_wait3A_42 = tpu.memref_slice %arg14[%dma_wait3A_40, %dma_wait3A_41] : memref<10112x128xf32, #tpu.memory_space<vmem_shared>> -> memref<10112x128xf32, #tpu.memory_space<vmem_shared>>
        tpu.wait_indirect_dma semaphore(%arg20 : memref<!tpu.dma_semaphore, #tpu.memory_space<semaphore_mem>>) src(%arg13 : memref<64x128xf32, #tpu.memory_space<vmem>>) dst(%dma_wait3A_42 : memref<10112x128xf32, #tpu.memory_space<vmem_shared>>)
      }
      %scan3A_12 = arith.constant 11 : i32
      %barrier3A_13 = arith.constant 0 : index
      tpu.barrier barrier_id(%barrier3A_13)
      %mul3A_14 = arith.constant 632 : i32
      %mul3A_15 = arith.muli %arg1, %mul3A_14 : i32
      "tpu.region"() ({
        %run_scoped3A = tpu.sem_alloc : memref<!tpu.dma_semaphore, #tpu.memory_space<semaphore_mem>>
        %dma_start3A = arith.constant 0 : i32
        %dma_start3A_16 = tpu.memref_slice %arg8[%mul3A_15, %dma_start3A] : memref<10112x128xf32, #tpu.memory_space<hbm>> -> memref<632x128xf32, #tpu.memory_space<hbm>>
        %dma_start3A_17 = arith.constant 0 : i32
        %dma_start3A_18 = tpu.memref_slice %arg14[%mul3A_15, %dma_start3A_17] : memref<10112x128xf32, #tpu.memory_space<vmem_shared>> -> memref<632x128xf32, #tpu.memory_space<vmem_shared>>
        tpu.enqueue_dma source(%dma_start3A_18 : memref<632x128xf32, #tpu.memory_space<vmem_shared>>) target(%dma_start3A_16 : memref<632x128xf32, #tpu.memory_space<hbm>>) target_semaphore(%run_scoped3A : memref<!tpu.dma_semaphore, #tpu.memory_space<semaphore_mem>>)
        %dma_wait3A = arith.constant 0 : i32
        %dma_wait3A_19 = tpu.memref_slice %arg8[%mul3A_15, %dma_wait3A] : memref<10112x128xf32, #tpu.memory_space<hbm>> -> memref<632x128xf32, #tpu.memory_space<hbm>>
        %dma_wait3A_20 = arith.constant 0 : i32
        %dma_wait3A_21 = tpu.memref_slice %arg14[%mul3A_15, %dma_wait3A_20] : memref<10112x128xf32, #tpu.memory_space<vmem_shared>> -> memref<632x128xf32, #tpu.memory_space<vmem_shared>>
        tpu.wait_dma2 semaphore(%run_scoped3A : memref<!tpu.dma_semaphore, #tpu.memory_space<semaphore_mem>>) src(%dma_wait3A_21 : memref<632x128xf32, #tpu.memory_space<vmem_shared>>) dst(%dma_wait3A_19 : memref<632x128xf32, #tpu.memory_space<hbm>>)
        tpu.yield
      }) : () -> ()
    } else {
    }
    return
  }
}

#map = affine_map<(d0, d1) -> (0, 0)>
#map1 = affine_map<(d0, d1) -> (0, 0, 0)>
module attributes {stable_mosaic.version = 14 : i64} {
  func.func @_agg_body(%arg0: i32, %arg1: i32, %arg2: memref<10000x128xf32, #tpu.memory_space<hbm>>, %arg3: memref<10000x128xf32, #tpu.memory_space<hbm>>, %arg4: memref<176x1920xi32, #tpu.memory_space<hbm>>, %arg5: memref<176x30x64xi32, #tpu.memory_space<hbm>>, %arg6: memref<632x128xf32, #tpu.memory_space<hbm>>, %arg7: memref<10112x128xf32, #tpu.memory_space<hbm>>, %arg8: memref<10112x128xf32, #tpu.memory_space<hbm>>, %arg9: memref<1920xi32, #tpu.memory_space<vmem>>, %arg10: memref<30x64xi32, #tpu.memory_space<vmem>>, %arg11: memref<64x128xf32, #tpu.memory_space<vmem>>, %arg12: memref<64x128xf32, #tpu.memory_space<vmem>>, %arg13: memref<64x128xf32, #tpu.memory_space<vmem>>, %arg14: memref<10112x128xf32, #tpu.memory_space<vmem_shared>>, %arg15: memref<!tpu.dma_semaphore, #tpu.memory_space<semaphore_mem>>, %arg16: memref<!tpu.dma_semaphore, #tpu.memory_space<semaphore_mem>>, %arg17: memref<!tpu.dma_semaphore, #tpu.memory_space<semaphore_mem>>, %arg18: memref<!tpu.dma_semaphore, #tpu.memory_space<semaphore_mem>>, %arg19: memref<!tpu.dma_semaphore, #tpu.memory_space<semaphore_mem>>, %arg20: memref<!tpu.dma_semaphore, #tpu.memory_space<semaphore_mem>>) attributes {dimension_semantics = [#tpu.dimension_semantics<core_parallel>, #tpu.dimension_semantics<subcore_parallel>], iteration_bounds = array<i64: 2, 16>, scalar_prefetch = 0 : i64, scratch_operands = 12 : i64, tpu.core_type = #tpu.core_type<sc_vector_subcore>, window_params = [{transform_indices = #map}, {transform_indices = #map}, {transform_indices = #map}, {transform_indices = #map1}, {transform_indices = #map}, {transform_indices = #map}, {transform_indices = #map}]} {
    %mul3A = arith.constant 632 : i32
    %mul3A_0 = arith.muli %arg1, %mul3A : i32
    "tpu.region"() ({
      %run_scoped3A = tpu.sem_alloc : memref<!tpu.dma_semaphore, #tpu.memory_space<semaphore_mem>>
      %dma_start3A = arith.constant 0 : i32
      %dma_start3A_8 = tpu.memref_slice %arg14[%mul3A_0, %dma_start3A] : memref<10112x128xf32, #tpu.memory_space<vmem_shared>> -> memref<632x128xf32, #tpu.memory_space<vmem_shared>>
      tpu.enqueue_dma source(%arg6 : memref<632x128xf32, #tpu.memory_space<hbm>>) target(%dma_start3A_8 : memref<632x128xf32, #tpu.memory_space<vmem_shared>>) target_semaphore(%run_scoped3A : memref<!tpu.dma_semaphore, #tpu.memory_space<semaphore_mem>>)
      %dma_wait3A = arith.constant 0 : i32
      %dma_wait3A_9 = tpu.memref_slice %arg14[%mul3A_0, %dma_wait3A] : memref<10112x128xf32, #tpu.memory_space<vmem_shared>> -> memref<632x128xf32, #tpu.memory_space<vmem_shared>>
      tpu.wait_dma2 semaphore(%run_scoped3A : memref<!tpu.dma_semaphore, #tpu.memory_space<semaphore_mem>>) src(%arg6 : memref<632x128xf32, #tpu.memory_space<hbm>>) dst(%dma_wait3A_9 : memref<632x128xf32, #tpu.memory_space<vmem_shared>>)
      tpu.yield
    }) : () -> ()
    %barrier3A = arith.constant 0 : index
    tpu.barrier barrier_id(%barrier3A)
    %eq3A = arith.constant 0 : i32
    %eq3A_1 = arith.cmpi eq, %arg0, %eq3A : i32
    %convert_element_type3A = arith.extui %eq3A_1 : i1 to i32
    %cond3A = arith.constant 0 : i32
    %cond3A_2 = arith.cmpi ne, %convert_element_type3A, %cond3A : i32
    scf.if %cond3A_2 {
      %scan3A = arith.constant 0 : i32
      %scan3A_8 = arith.constant 0 : i32
      %scan3A_9 = arith.constant 11 : i32
      %scan3A_10 = arith.addi %scan3A_8, %scan3A_9 : i32
      %scan3A_11 = arith.constant 1 : i32
      scf.for %scan3A_16 = %scan3A_8 to %scan3A_10 step %scan3A_11  : i32 {
        %mul3A_17 = arith.constant 11 : i32
        %mul3A_18 = arith.muli %arg1, %mul3A_17 : i32
        %add3A = arith.addi %mul3A_18, %scan3A_16 : i32
        "tpu.region"() ({
          %run_scoped3A = tpu.sem_alloc : memref<!tpu.dma_semaphore, #tpu.memory_space<semaphore_mem>>
          %dma_start3A_43 = arith.constant 0 : i32
          %dma_start3A_44 = tpu.memref_slice %arg4[%add3A, %dma_start3A_43] : memref<176x1920xi32, #tpu.memory_space<hbm>> -> memref<1x1920xi32, #tpu.memory_space<hbm>>
          %dma_start3A_45 = tpu.memref_squeeze %dma_start3A_44 : memref<1x1920xi32, #tpu.memory_space<hbm>> -> memref<1920xi32, #tpu.memory_space<hbm>>
          %dma_start3A_46 = arith.constant 0 : i32
          %dma_start3A_47 = tpu.memref_slice %arg4[%add3A, %dma_start3A_46] : memref<176x1920xi32, #tpu.memory_space<hbm>> -> memref<1x1920xi32, #tpu.memory_space<hbm>>
          %dma_start3A_48 = tpu.memref_squeeze %dma_start3A_47 : memref<1x1920xi32, #tpu.memory_space<hbm>> -> memref<1920xi32, #tpu.memory_space<hbm>>
          tpu.enqueue_dma source(%dma_start3A_48 : memref<1920xi32, #tpu.memory_space<hbm>>) target(%arg9 : memref<1920xi32, #tpu.memory_space<vmem>>) target_semaphore(%run_scoped3A : memref<!tpu.dma_semaphore, #tpu.memory_space<semaphore_mem>>)
          %dma_wait3A_49 = arith.constant 0 : i32
          %dma_wait3A_50 = tpu.memref_slice %arg4[%add3A, %dma_wait3A_49] : memref<176x1920xi32, #tpu.memory_space<hbm>> -> memref<1x1920xi32, #tpu.memory_space<hbm>>
          %dma_wait3A_51 = tpu.memref_squeeze %dma_wait3A_50 : memref<1x1920xi32, #tpu.memory_space<hbm>> -> memref<1920xi32, #tpu.memory_space<hbm>>
          %dma_wait3A_52 = arith.constant 0 : i32
          %dma_wait3A_53 = tpu.memref_slice %arg4[%add3A, %dma_wait3A_52] : memref<176x1920xi32, #tpu.memory_space<hbm>> -> memref<1x1920xi32, #tpu.memory_space<hbm>>
          %dma_wait3A_54 = tpu.memref_squeeze %dma_wait3A_53 : memref<1x1920xi32, #tpu.memory_space<hbm>> -> memref<1920xi32, #tpu.memory_space<hbm>>
          tpu.wait_dma2 semaphore(%run_scoped3A : memref<!tpu.dma_semaphore, #tpu.memory_space<semaphore_mem>>) src(%dma_wait3A_54 : memref<1920xi32, #tpu.memory_space<hbm>>) dst(%arg9 : memref<1920xi32, #tpu.memory_space<vmem>>)
          tpu.yield
        }) : () -> ()
        %mul3A_19 = arith.constant 11 : i32
        %mul3A_20 = arith.muli %arg1, %mul3A_19 : i32
        %add3A_21 = arith.addi %mul3A_20, %scan3A_16 : i32
        "tpu.region"() ({
          %run_scoped3A = tpu.sem_alloc : memref<!tpu.dma_semaphore, #tpu.memory_space<semaphore_mem>>
          %dma_start3A_43 = arith.constant 0 : i32
          %dma_start3A_44 = arith.constant 0 : i32
          %dma_start3A_45 = tpu.memref_slice %arg5[%add3A_21, %dma_start3A_43, %dma_start3A_44] : memref<176x30x64xi32, #tpu.memory_space<hbm>> -> memref<1x30x64xi32, #tpu.memory_space<hbm>>
          %dma_start3A_46 = tpu.memref_squeeze %dma_start3A_45 : memref<1x30x64xi32, #tpu.memory_space<hbm>> -> memref<30x64xi32, #tpu.memory_space<hbm>>
          %dma_start3A_47 = arith.constant 0 : i32
          %dma_start3A_48 = arith.constant 0 : i32
          %dma_start3A_49 = tpu.memref_slice %arg5[%add3A_21, %dma_start3A_47, %dma_start3A_48] : memref<176x30x64xi32, #tpu.memory_space<hbm>> -> memref<1x30x64xi32, #tpu.memory_space<hbm>>
          %dma_start3A_50 = tpu.memref_squeeze %dma_start3A_49 : memref<1x30x64xi32, #tpu.memory_space<hbm>> -> memref<30x64xi32, #tpu.memory_space<hbm>>
          tpu.enqueue_dma source(%dma_start3A_50 : memref<30x64xi32, #tpu.memory_space<hbm>>) target(%arg10 : memref<30x64xi32, #tpu.memory_space<vmem>>) target_semaphore(%run_scoped3A : memref<!tpu.dma_semaphore, #tpu.memory_space<semaphore_mem>>)
          %dma_wait3A_51 = arith.constant 0 : i32
          %dma_wait3A_52 = arith.constant 0 : i32
          %dma_wait3A_53 = tpu.memref_slice %arg5[%add3A_21, %dma_wait3A_51, %dma_wait3A_52] : memref<176x30x64xi32, #tpu.memory_space<hbm>> -> memref<1x30x64xi32, #tpu.memory_space<hbm>>
          %dma_wait3A_54 = tpu.memref_squeeze %dma_wait3A_53 : memref<1x30x64xi32, #tpu.memory_space<hbm>> -> memref<30x64xi32, #tpu.memory_space<hbm>>
          %dma_wait3A_55 = arith.constant 0 : i32
          %dma_wait3A_56 = arith.constant 0 : i32
          %dma_wait3A_57 = tpu.memref_slice %arg5[%add3A_21, %dma_wait3A_55, %dma_wait3A_56] : memref<176x30x64xi32, #tpu.memory_space<hbm>> -> memref<1x30x64xi32, #tpu.memory_space<hbm>>
          %dma_wait3A_58 = tpu.memref_squeeze %dma_wait3A_57 : memref<1x30x64xi32, #tpu.memory_space<hbm>> -> memref<30x64xi32, #tpu.memory_space<hbm>>
          tpu.wait_dma2 semaphore(%run_scoped3A : memref<!tpu.dma_semaphore, #tpu.memory_space<semaphore_mem>>) src(%dma_wait3A_58 : memref<30x64xi32, #tpu.memory_space<hbm>>) dst(%arg10 : memref<30x64xi32, #tpu.memory_space<vmem>>)
          tpu.yield
        }) : () -> ()
        %dma_start3A = arith.constant 0 : i32
        %dma_start3A_22 = tpu.memref_slice %arg9[%dma_start3A] : memref<1920xi32, #tpu.memory_space<vmem>> -> memref<64xi32, #tpu.memory_space<vmem>>
        %dma_start3A_23 = arith.constant 0 : i32
        %dma_start3A_24 = arith.constant 0 : i32
        %dma_start3A_25 = tpu.memref_slice %arg2[%dma_start3A_23, %dma_start3A_24] : memref<10000x128xf32, #tpu.memory_space<hbm>> -> memref<10000x128xf32, #tpu.memory_space<hbm>>
        tpu.enqueue_indirect_dma source(%dma_start3A_25 : memref<10000x128xf32, #tpu.memory_space<hbm>>) target(%arg11 : memref<64x128xf32, #tpu.memory_space<vmem>>) offsets(%dma_start3A_22 : memref<64xi32, #tpu.memory_space<vmem>>) semaphore(%arg15 : memref<!tpu.dma_semaphore, #tpu.memory_space<semaphore_mem>>)
        %dma_start3A_26 = arith.constant 64 : i32
        %dma_start3A_27 = tpu.memref_slice %arg9[%dma_start3A_26] : memref<1920xi32, #tpu.memory_space<vmem>> -> memref<64xi32, #tpu.memory_space<vmem>>
        %dma_start3A_28 = arith.constant 0 : i32
        %dma_start3A_29 = arith.constant 0 : i32
        %dma_start3A_30 = tpu.memref_slice %arg2[%dma_start3A_28, %dma_start3A_29] : memref<10000x128xf32, #tpu.memory_space<hbm>> -> memref<10000x128xf32, #tpu.memory_space<hbm>>
        tpu.enqueue_indirect_dma source(%dma_start3A_30 : memref<10000x128xf32, #tpu.memory_space<hbm>>) target(%arg12 : memref<64x128xf32, #tpu.memory_space<vmem>>) offsets(%dma_start3A_27 : memref<64xi32, #tpu.memory_space<vmem>>) semaphore(%arg16 : memref<!tpu.dma_semaphore, #tpu.memory_space<semaphore_mem>>)
        %scan3A_31 = arith.constant 0 : i32
        %scan3A_32 = arith.constant 0 : i32
        %scan3A_33 = arith.constant 10 : i32
        %scan3A_34 = arith.addi %scan3A_32, %scan3A_33 : i32
        %scan3A_35 = arith.constant 1 : i32
        scf.for %scan3A_43 = %scan3A_32 to %scan3A_34 step %scan3A_35  : i32 {
          %mul3A_44 = arith.constant 3 : i32
          %mul3A_45 = arith.muli %mul3A_44, %scan3A_43 : i32
          %add3A_46 = arith.constant 0 : i32
          %add3A_47 = arith.addi %mul3A_45, %add3A_46 : i32
          %dma_wait3A_48 = arith.constant 0 : i32
          %dma_wait3A_49 = tpu.memref_slice %arg9[%dma_wait3A_48] : memref<1920xi32, #tpu.memory_space<vmem>> -> memref<64xi32, #tpu.memory_space<vmem>>
          %dma_wait3A_50 = arith.constant 0 : i32
          %dma_wait3A_51 = arith.constant 0 : i32
          %dma_wait3A_52 = tpu.memref_slice %arg2[%dma_wait3A_50, %dma_wait3A_51] : memref<10000x128xf32, #tpu.memory_space<hbm>> -> memref<10000x128xf32, #tpu.memory_space<hbm>>
          tpu.wait_indirect_dma semaphore(%arg15 : memref<!tpu.dma_semaphore, #tpu.memory_space<semaphore_mem>>) src(%dma_wait3A_52 : memref<10000x128xf32, #tpu.memory_space<hbm>>) dst(%arg11 : memref<64x128xf32, #tpu.memory_space<vmem>>)
          %dma_start3A_53 = arith.constant 0 : i32
          %dma_start3A_54 = tpu.memref_slice %arg10[%add3A_47, %dma_start3A_53] : memref<30x64xi32, #tpu.memory_space<vmem>> -> memref<1x64xi32, #tpu.memory_space<vmem>>
          %dma_start3A_55 = tpu.memref_squeeze %dma_start3A_54 : memref<1x64xi32, #tpu.memory_space<vmem>> -> memref<64xi32, #tpu.memory_space<vmem>>
          %dma_start3A_56 = arith.constant 0 : i32
          %dma_start3A_57 = arith.constant 0 : i32
          %dma_start3A_58 = tpu.memref_slice %arg14[%dma_start3A_56, %dma_start3A_57] : memref<10112x128xf32, #tpu.memory_space<vmem_shared>> -> memref<10112x128xf32, #tpu.memory_space<vmem_shared>>
          tpu.enqueue_indirect_dma source(%arg11 : memref<64x128xf32, #tpu.memory_space<vmem>>) target(%dma_start3A_58 : memref<10112x128xf32, #tpu.memory_space<vmem_shared>>) offsets(%dma_start3A_55 : memref<64xi32, #tpu.memory_space<vmem>>) semaphore(%arg18 : memref<!tpu.dma_semaphore, #tpu.memory_space<semaphore_mem>>) {add = true}
          %gt3A = arith.constant 0 : i32
          %gt3A_59 = arith.cmpi sgt, %scan3A_43, %gt3A : i32
          %convert_element_type3A_60 = arith.extui %gt3A_59 : i1 to i32
          %cond3A_61 = arith.constant 0 : i32
          %cond3A_62 = arith.cmpi ne, %convert_element_type3A_60, %cond3A_61 : i32
          scf.if %cond3A_62 {
            %dma_wait3A_124 = arith.constant 0 : i32
            %dma_wait3A_125 = arith.constant 0 : i32
            %dma_wait3A_126 = tpu.memref_slice %arg10[%dma_wait3A_124, %dma_wait3A_125] : memref<30x64xi32, #tpu.memory_space<vmem>> -> memref<1x64xi32, #tpu.memory_space<vmem>>
            %dma_wait3A_127 = tpu.memref_squeeze %dma_wait3A_126 : memref<1x64xi32, #tpu.memory_space<vmem>> -> memref<64xi32, #tpu.memory_space<vmem>>
            %dma_wait3A_128 = arith.constant 0 : i32
            %dma_wait3A_129 = arith.constant 0 : i32
            %dma_wait3A_130 = tpu.memref_slice %arg14[%dma_wait3A_128, %dma_wait3A_129] : memref<10112x128xf32, #tpu.memory_space<vmem_shared>> -> memref<10112x128xf32, #tpu.memory_space<vmem_shared>>
            tpu.wait_indirect_dma semaphore(%arg20 : memref<!tpu.dma_semaphore, #tpu.memory_space<semaphore_mem>>) src(%arg13 : memref<64x128xf32, #tpu.memory_space<vmem>>) dst(%dma_wait3A_130 : memref<10112x128xf32, #tpu.memory_space<vmem_shared>>)
          } else {
          }
          %add3A_63 = arith.constant 2 : i32
          %add3A_64 = arith.addi %add3A_47, %add3A_63 : i32
          %mul3A_65 = arith.constant 64 : i32
          %mul3A_66 = arith.muli %add3A_64, %mul3A_65 : i32
          %dma_start3A_67 = tpu.memref_slice %arg9[%mul3A_66] : memref<1920xi32, #tpu.memory_space<vmem>> -> memref<64xi32, #tpu.memory_space<vmem>>
          %dma_start3A_68 = arith.constant 0 : i32
          %dma_start3A_69 = arith.constant 0 : i32
          %dma_start3A_70 = tpu.memref_slice %arg2[%dma_start3A_68, %dma_start3A_69] : memref<10000x128xf32, #tpu.memory_space<hbm>> -> memref<10000x128xf32, #tpu.memory_space<hbm>>
          tpu.enqueue_indirect_dma source(%dma_start3A_70 : memref<10000x128xf32, #tpu.memory_space<hbm>>) target(%arg13 : memref<64x128xf32, #tpu.memory_space<vmem>>) offsets(%dma_start3A_67 : memref<64xi32, #tpu.memory_space<vmem>>) semaphore(%arg17 : memref<!tpu.dma_semaphore, #tpu.memory_space<semaphore_mem>>)
          %mul3A_71 = arith.constant 3 : i32
          %mul3A_72 = arith.muli %mul3A_71, %scan3A_43 : i32
          %add3A_73 = arith.constant 1 : i32
          %add3A_74 = arith.addi %mul3A_72, %add3A_73 : i32
          %dma_wait3A_75 = arith.constant 0 : i32
          %dma_wait3A_76 = tpu.memref_slice %arg9[%dma_wait3A_75] : memref<1920xi32, #tpu.memory_space<vmem>> -> memref<64xi32, #tpu.memory_space<vmem>>
          %dma_wait3A_77 = arith.constant 0 : i32
          %dma_wait3A_78 = arith.constant 0 : i32
          %dma_wait3A_79 = tpu.memref_slice %arg2[%dma_wait3A_77, %dma_wait3A_78] : memref<10000x128xf32, #tpu.memory_space<hbm>> -> memref<10000x128xf32, #tpu.memory_space<hbm>>
          tpu.wait_indirect_dma semaphore(%arg16 : memref<!tpu.dma_semaphore, #tpu.memory_space<semaphore_mem>>) src(%dma_wait3A_79 : memref<10000x128xf32, #tpu.memory_space<hbm>>) dst(%arg12 : memref<64x128xf32, #tpu.memory_space<vmem>>)
          %dma_start3A_80 = arith.constant 0 : i32
          %dma_start3A_81 = tpu.memref_slice %arg10[%add3A_74, %dma_start3A_80] : memref<30x64xi32, #tpu.memory_space<vmem>> -> memref<1x64xi32, #tpu.memory_space<vmem>>
          %dma_start3A_82 = tpu.memref_squeeze %dma_start3A_81 : memref<1x64xi32, #tpu.memory_space<vmem>> -> memref<64xi32, #tpu.memory_space<vmem>>
          %dma_start3A_83 = arith.constant 0 : i32
          %dma_start3A_84 = arith.constant 0 : i32
          %dma_start3A_85 = tpu.memref_slice %arg14[%dma_start3A_83, %dma_start3A_84] : memref<10112x128xf32, #tpu.memory_space<vmem_shared>> -> memref<10112x128xf32, #tpu.memory_space<vmem_shared>>
          tpu.enqueue_indirect_dma source(%arg12 : memref<64x128xf32, #tpu.memory_space<vmem>>) target(%dma_start3A_85 : memref<10112x128xf32, #tpu.memory_space<vmem_shared>>) offsets(%dma_start3A_82 : memref<64xi32, #tpu.memory_space<vmem>>) semaphore(%arg19 : memref<!tpu.dma_semaphore, #tpu.memory_space<semaphore_mem>>) {add = true}
          %dma_wait3A_86 = arith.constant 0 : i32
          %dma_wait3A_87 = arith.constant 0 : i32
          %dma_wait3A_88 = tpu.memref_slice %arg10[%dma_wait3A_86, %dma_wait3A_87] : memref<30x64xi32, #tpu.memory_space<vmem>> -> memref<1x64xi32, #tpu.memory_space<vmem>>
          %dma_wait3A_89 = tpu.memref_squeeze %dma_wait3A_88 : memref<1x64xi32, #tpu.memory_space<vmem>> -> memref<64xi32, #tpu.memory_space<vmem>>
          %dma_wait3A_90 = arith.constant 0 : i32
          %dma_wait3A_91 = arith.constant 0 : i32
          %dma_wait3A_92 = tpu.memref_slice %arg14[%dma_wait3A_90, %dma_wait3A_91] : memref<10112x128xf32, #tpu.memory_space<vmem_shared>> -> memref<10112x128xf32, #tpu.memory_space<vmem_shared>>
          tpu.wait_indirect_dma semaphore(%arg18 : memref<!tpu.dma_semaphore, #tpu.memory_space<semaphore_mem>>) src(%arg11 : memref<64x128xf32, #tpu.memory_space<vmem>>) dst(%dma_wait3A_92 : memref<10112x128xf32, #tpu.memory_space<vmem_shared>>)
          %lt3A = arith.constant 9 : i32
          %lt3A_93 = arith.cmpi slt, %scan3A_43, %lt3A : i32
          %convert_element_type3A_94 = arith.extui %lt3A_93 : i1 to i32
          %cond3A_95 = arith.constant 0 : i32
          %cond3A_96 = arith.cmpi ne, %convert_element_type3A_94, %cond3A_95 : i32
          scf.if %cond3A_96 {
            %add3A_124 = arith.constant 2 : i32
            %add3A_125 = arith.addi %add3A_74, %add3A_124 : i32
            %mul3A_126 = arith.constant 64 : i32
            %mul3A_127 = arith.muli %add3A_125, %mul3A_126 : i32
            %dma_start3A_128 = tpu.memref_slice %arg9[%mul3A_127] : memref<1920xi32, #tpu.memory_space<vmem>> -> memref<64xi32, #tpu.memory_space<vmem>>
            %dma_start3A_129 = arith.constant 0 : i32
            %dma_start3A_130 = arith.constant 0 : i32
            %dma_start3A_131 = tpu.memref_slice %arg2[%dma_start3A_129, %dma_start3A_130] : memref<10000x128xf32, #tpu.memory_space<hbm>> -> memref<10000x128xf32, #tpu.memory_space<hbm>>
            tpu.enqueue_indirect_dma source(%dma_start3A_131 : memref<10000x128xf32, #tpu.memory_space<hbm>>) target(%arg11 : memref<64x128xf32, #tpu.memory_space<vmem>>) offsets(%dma_start3A_128 : memref<64xi32, #tpu.memory_space<vmem>>) semaphore(%arg15 : memref<!tpu.dma_semaphore, #tpu.memory_space<semaphore_mem>>)
          } else {
          }
          %mul3A_97 = arith.constant 3 : i32
          %mul3A_98 = arith.muli %mul3A_97, %scan3A_43 : i32
          %add3A_99 = arith.constant 2 : i32
          %add3A_100 = arith.addi %mul3A_98, %add3A_99 : i32
          %dma_wait3A_101 = arith.constant 0 : i32
          %dma_wait3A_102 = tpu.memref_slice %arg9[%dma_wait3A_101] : memref<1920xi32, #tpu.memory_space<vmem>> -> memref<64xi32, #tpu.memory_space<vmem>>
          %dma_wait3A_103 = arith.constant 0 : i32
          %dma_wait3A_104 = arith.constant 0 : i32
          %dma_wait3A_105 = tpu.memref_slice %arg2[%dma_wait3A_103, %dma_wait3A_104] : memref<10000x128xf32, #tpu.memory_space<hbm>> -> memref<10000x128xf32, #tpu.memory_space<hbm>>
          tpu.wait_indirect_dma semaphore(%arg17 : memref<!tpu.dma_semaphore, #tpu.memory_space<semaphore_mem>>) src(%dma_wait3A_105 : memref<10000x128xf32, #tpu.memory_space<hbm>>) dst(%arg13 : memref<64x128xf32, #tpu.memory_space<vmem>>)
          %dma_start3A_106 = arith.constant 0 : i32
          %dma_start3A_107 = tpu.memref_slice %arg10[%add3A_100, %dma_start3A_106] : memref<30x64xi32, #tpu.memory_space<vmem>> -> memref<1x64xi32, #tpu.memory_space<vmem>>
          %dma_start3A_108 = tpu.memref_squeeze %dma_start3A_107 : memref<1x64xi32, #tpu.memory_space<vmem>> -> memref<64xi32, #tpu.memory_space<vmem>>
          %dma_start3A_109 = arith.constant 0 : i32
          %dma_start3A_110 = arith.constant 0 : i32
          %dma_start3A_111 = tpu.memref_slice %arg14[%dma_start3A_109, %dma_start3A_110] : memref<10112x128xf32, #tpu.memory_space<vmem_shared>> -> memref<10112x128xf32, #tpu.memory_space<vmem_shared>>
          tpu.enqueue_indirect_dma source(%arg13 : memref<64x128xf32, #tpu.memory_space<vmem>>) target(%dma_start3A_111 : memref<10112x128xf32, #tpu.memory_space<vmem_shared>>) offsets(%dma_start3A_108 : memref<64xi32, #tpu.memory_space<vmem>>) semaphore(%arg20 : memref<!tpu.dma_semaphore, #tpu.memory_space<semaphore_mem>>) {add = true}
          %dma_wait3A_112 = arith.constant 0 : i32
          %dma_wait3A_113 = arith.constant 0 : i32
          %dma_wait3A_114 = tpu.memref_slice %arg10[%dma_wait3A_112, %dma_wait3A_113] : memref<30x64xi32, #tpu.memory_space<vmem>> -> memref<1x64xi32, #tpu.memory_space<vmem>>
          %dma_wait3A_115 = tpu.memref_squeeze %dma_wait3A_114 : memref<1x64xi32, #tpu.memory_space<vmem>> -> memref<64xi32, #tpu.memory_space<vmem>>
          %dma_wait3A_116 = arith.constant 0 : i32
          %dma_wait3A_117 = arith.constant 0 : i32
          %dma_wait3A_118 = tpu.memref_slice %arg14[%dma_wait3A_116, %dma_wait3A_117] : memref<10112x128xf32, #tpu.memory_space<vmem_shared>> -> memref<10112x128xf32, #tpu.memory_space<vmem_shared>>
          tpu.wait_indirect_dma semaphore(%arg19 : memref<!tpu.dma_semaphore, #tpu.memory_space<semaphore_mem>>) src(%arg12 : memref<64x128xf32, #tpu.memory_space<vmem>>) dst(%dma_wait3A_118 : memref<10112x128xf32, #tpu.memory_space<vmem_shared>>)
          %lt3A_119 = arith.constant 9 : i32
          %lt3A_120 = arith.cmpi slt, %scan3A_43, %lt3A_119 : i32
          %convert_element_type3A_121 = arith.extui %lt3A_120 : i1 to i32
          %cond3A_122 = arith.constant 0 : i32
          %cond3A_123 = arith.cmpi ne, %convert_element_type3A_121, %cond3A_122 : i32
          scf.if %cond3A_123 {
            %add3A_124 = arith.constant 2 : i32
            %add3A_125 = arith.addi %add3A_100, %add3A_124 : i32
            %mul3A_126 = arith.constant 64 : i32
            %mul3A_127 = arith.muli %add3A_125, %mul3A_126 : i32
            %dma_start3A_128 = tpu.memref_slice %arg9[%mul3A_127] : memref<1920xi32, #tpu.memory_space<vmem>> -> memref<64xi32, #tpu.memory_space<vmem>>
            %dma_start3A_129 = arith.constant 0 : i32
            %dma_start3A_130 = arith.constant 0 : i32
            %dma_start3A_131 = tpu.memref_slice %arg2[%dma_start3A_129, %dma_start3A_130] : memref<10000x128xf32, #tpu.memory_space<hbm>> -> memref<10000x128xf32, #tpu.memory_space<hbm>>
            tpu.enqueue_indirect_dma source(%dma_start3A_131 : memref<10000x128xf32, #tpu.memory_space<hbm>>) target(%arg12 : memref<64x128xf32, #tpu.memory_space<vmem>>) offsets(%dma_start3A_128 : memref<64xi32, #tpu.memory_space<vmem>>) semaphore(%arg16 : memref<!tpu.dma_semaphore, #tpu.memory_space<semaphore_mem>>)
          } else {
          }
        }
        %scan3A_36 = arith.constant 10 : i32
        %dma_wait3A = arith.constant 0 : i32
        %dma_wait3A_37 = arith.constant 0 : i32
        %dma_wait3A_38 = tpu.memref_slice %arg10[%dma_wait3A, %dma_wait3A_37] : memref<30x64xi32, #tpu.memory_space<vmem>> -> memref<1x64xi32, #tpu.memory_space<vmem>>
        %dma_wait3A_39 = tpu.memref_squeeze %dma_wait3A_38 : memref<1x64xi32, #tpu.memory_space<vmem>> -> memref<64xi32, #tpu.memory_space<vmem>>
        %dma_wait3A_40 = arith.constant 0 : i32
        %dma_wait3A_41 = arith.constant 0 : i32
        %dma_wait3A_42 = tpu.memref_slice %arg14[%dma_wait3A_40, %dma_wait3A_41] : memref<10112x128xf32, #tpu.memory_space<vmem_shared>> -> memref<10112x128xf32, #tpu.memory_space<vmem_shared>>
        tpu.wait_indirect_dma semaphore(%arg20 : memref<!tpu.dma_semaphore, #tpu.memory_space<semaphore_mem>>) src(%arg13 : memref<64x128xf32, #tpu.memory_space<vmem>>) dst(%dma_wait3A_42 : memref<10112x128xf32, #tpu.memory_space<vmem_shared>>)
      }
      %scan3A_12 = arith.constant 11 : i32
      %barrier3A_13 = arith.constant 0 : index
      tpu.barrier barrier_id(%barrier3A_13)
      %mul3A_14 = arith.constant 632 : i32
      %mul3A_15 = arith.muli %arg1, %mul3A_14 : i32
      "tpu.region"() ({
        %run_scoped3A = tpu.sem_alloc : memref<!tpu.dma_semaphore, #tpu.memory_space<semaphore_mem>>
        %dma_start3A = arith.constant 0 : i32
        %dma_start3A_16 = tpu.memref_slice %arg7[%mul3A_15, %dma_start3A] : memref<10112x128xf32, #tpu.memory_space<hbm>> -> memref<632x128xf32, #tpu.memory_space<hbm>>
        %dma_start3A_17 = arith.constant 0 : i32
        %dma_start3A_18 = tpu.memref_slice %arg14[%mul3A_15, %dma_start3A_17] : memref<10112x128xf32, #tpu.memory_space<vmem_shared>> -> memref<632x128xf32, #tpu.memory_space<vmem_shared>>
        tpu.enqueue_dma source(%dma_start3A_18 : memref<632x128xf32, #tpu.memory_space<vmem_shared>>) target(%dma_start3A_16 : memref<632x128xf32, #tpu.memory_space<hbm>>) target_semaphore(%run_scoped3A : memref<!tpu.dma_semaphore, #tpu.memory_space<semaphore_mem>>)
        %dma_wait3A = arith.constant 0 : i32
        %dma_wait3A_19 = tpu.memref_slice %arg7[%mul3A_15, %dma_wait3A] : memref<10112x128xf32, #tpu.memory_space<hbm>> -> memref<632x128xf32, #tpu.memory_space<hbm>>
        %dma_wait3A_20 = arith.constant 0 : i32
        %dma_wait3A_21 = tpu.memref_slice %arg14[%mul3A_15, %dma_wait3A_20] : memref<10112x128xf32, #tpu.memory_space<vmem_shared>> -> memref<632x128xf32, #tpu.memory_space<vmem_shared>>
        tpu.wait_dma2 semaphore(%run_scoped3A : memref<!tpu.dma_semaphore, #tpu.memory_space<semaphore_mem>>) src(%dma_wait3A_21 : memref<632x128xf32, #tpu.memory_space<vmem_shared>>) dst(%dma_wait3A_19 : memref<632x128xf32, #tpu.memory_space<hbm>>)
        tpu.yield
      }) : () -> ()
    } else {
    }
    %eq3A_3 = arith.constant 1 : i32
    %eq3A_4 = arith.cmpi eq, %arg0, %eq3A_3 : i32
    %convert_element_type3A_5 = arith.extui %eq3A_4 : i1 to i32
    %cond3A_6 = arith.constant 0 : i32
    %cond3A_7 = arith.cmpi ne, %convert_element_type3A_5, %cond3A_6 : i32
    scf.if %cond3A_7 {
      %scan3A = arith.constant 0 : i32
      %scan3A_8 = arith.constant 0 : i32
      %scan3A_9 = arith.constant 11 : i32
      %scan3A_10 = arith.addi %scan3A_8, %scan3A_9 : i32
      %scan3A_11 = arith.constant 1 : i32
      scf.for %scan3A_16 = %scan3A_8 to %scan3A_10 step %scan3A_11  : i32 {
        %mul3A_17 = arith.constant 11 : i32
        %mul3A_18 = arith.muli %arg1, %mul3A_17 : i32
        %add3A = arith.addi %mul3A_18, %scan3A_16 : i32
        "tpu.region"() ({
          %run_scoped3A = tpu.sem_alloc : memref<!tpu.dma_semaphore, #tpu.memory_space<semaphore_mem>>
          %dma_start3A_43 = arith.constant 0 : i32
          %dma_start3A_44 = tpu.memref_slice %arg4[%add3A, %dma_start3A_43] : memref<176x1920xi32, #tpu.memory_space<hbm>> -> memref<1x1920xi32, #tpu.memory_space<hbm>>
          %dma_start3A_45 = tpu.memref_squeeze %dma_start3A_44 : memref<1x1920xi32, #tpu.memory_space<hbm>> -> memref<1920xi32, #tpu.memory_space<hbm>>
          %dma_start3A_46 = arith.constant 0 : i32
          %dma_start3A_47 = tpu.memref_slice %arg4[%add3A, %dma_start3A_46] : memref<176x1920xi32, #tpu.memory_space<hbm>> -> memref<1x1920xi32, #tpu.memory_space<hbm>>
          %dma_start3A_48 = tpu.memref_squeeze %dma_start3A_47 : memref<1x1920xi32, #tpu.memory_space<hbm>> -> memref<1920xi32, #tpu.memory_space<hbm>>
          tpu.enqueue_dma source(%dma_start3A_48 : memref<1920xi32, #tpu.memory_space<hbm>>) target(%arg9 : memref<1920xi32, #tpu.memory_space<vmem>>) target_semaphore(%run_scoped3A : memref<!tpu.dma_semaphore, #tpu.memory_space<semaphore_mem>>)
          %dma_wait3A_49 = arith.constant 0 : i32
          %dma_wait3A_50 = tpu.memref_slice %arg4[%add3A, %dma_wait3A_49] : memref<176x1920xi32, #tpu.memory_space<hbm>> -> memref<1x1920xi32, #tpu.memory_space<hbm>>
          %dma_wait3A_51 = tpu.memref_squeeze %dma_wait3A_50 : memref<1x1920xi32, #tpu.memory_space<hbm>> -> memref<1920xi32, #tpu.memory_space<hbm>>
          %dma_wait3A_52 = arith.constant 0 : i32
          %dma_wait3A_53 = tpu.memref_slice %arg4[%add3A, %dma_wait3A_52] : memref<176x1920xi32, #tpu.memory_space<hbm>> -> memref<1x1920xi32, #tpu.memory_space<hbm>>
          %dma_wait3A_54 = tpu.memref_squeeze %dma_wait3A_53 : memref<1x1920xi32, #tpu.memory_space<hbm>> -> memref<1920xi32, #tpu.memory_space<hbm>>
          tpu.wait_dma2 semaphore(%run_scoped3A : memref<!tpu.dma_semaphore, #tpu.memory_space<semaphore_mem>>) src(%dma_wait3A_54 : memref<1920xi32, #tpu.memory_space<hbm>>) dst(%arg9 : memref<1920xi32, #tpu.memory_space<vmem>>)
          tpu.yield
        }) : () -> ()
        %mul3A_19 = arith.constant 11 : i32
        %mul3A_20 = arith.muli %arg1, %mul3A_19 : i32
        %add3A_21 = arith.addi %mul3A_20, %scan3A_16 : i32
        "tpu.region"() ({
          %run_scoped3A = tpu.sem_alloc : memref<!tpu.dma_semaphore, #tpu.memory_space<semaphore_mem>>
          %dma_start3A_43 = arith.constant 0 : i32
          %dma_start3A_44 = arith.constant 0 : i32
          %dma_start3A_45 = tpu.memref_slice %arg5[%add3A_21, %dma_start3A_43, %dma_start3A_44] : memref<176x30x64xi32, #tpu.memory_space<hbm>> -> memref<1x30x64xi32, #tpu.memory_space<hbm>>
          %dma_start3A_46 = tpu.memref_squeeze %dma_start3A_45 : memref<1x30x64xi32, #tpu.memory_space<hbm>> -> memref<30x64xi32, #tpu.memory_space<hbm>>
          %dma_start3A_47 = arith.constant 0 : i32
          %dma_start3A_48 = arith.constant 0 : i32
          %dma_start3A_49 = tpu.memref_slice %arg5[%add3A_21, %dma_start3A_47, %dma_start3A_48] : memref<176x30x64xi32, #tpu.memory_space<hbm>> -> memref<1x30x64xi32, #tpu.memory_space<hbm>>
          %dma_start3A_50 = tpu.memref_squeeze %dma_start3A_49 : memref<1x30x64xi32, #tpu.memory_space<hbm>> -> memref<30x64xi32, #tpu.memory_space<hbm>>
          tpu.enqueue_dma source(%dma_start3A_50 : memref<30x64xi32, #tpu.memory_space<hbm>>) target(%arg10 : memref<30x64xi32, #tpu.memory_space<vmem>>) target_semaphore(%run_scoped3A : memref<!tpu.dma_semaphore, #tpu.memory_space<semaphore_mem>>)
          %dma_wait3A_51 = arith.constant 0 : i32
          %dma_wait3A_52 = arith.constant 0 : i32
          %dma_wait3A_53 = tpu.memref_slice %arg5[%add3A_21, %dma_wait3A_51, %dma_wait3A_52] : memref<176x30x64xi32, #tpu.memory_space<hbm>> -> memref<1x30x64xi32, #tpu.memory_space<hbm>>
          %dma_wait3A_54 = tpu.memref_squeeze %dma_wait3A_53 : memref<1x30x64xi32, #tpu.memory_space<hbm>> -> memref<30x64xi32, #tpu.memory_space<hbm>>
          %dma_wait3A_55 = arith.constant 0 : i32
          %dma_wait3A_56 = arith.constant 0 : i32
          %dma_wait3A_57 = tpu.memref_slice %arg5[%add3A_21, %dma_wait3A_55, %dma_wait3A_56] : memref<176x30x64xi32, #tpu.memory_space<hbm>> -> memref<1x30x64xi32, #tpu.memory_space<hbm>>
          %dma_wait3A_58 = tpu.memref_squeeze %dma_wait3A_57 : memref<1x30x64xi32, #tpu.memory_space<hbm>> -> memref<30x64xi32, #tpu.memory_space<hbm>>
          tpu.wait_dma2 semaphore(%run_scoped3A : memref<!tpu.dma_semaphore, #tpu.memory_space<semaphore_mem>>) src(%dma_wait3A_58 : memref<30x64xi32, #tpu.memory_space<hbm>>) dst(%arg10 : memref<30x64xi32, #tpu.memory_space<vmem>>)
          tpu.yield
        }) : () -> ()
        %dma_start3A = arith.constant 0 : i32
        %dma_start3A_22 = tpu.memref_slice %arg9[%dma_start3A] : memref<1920xi32, #tpu.memory_space<vmem>> -> memref<64xi32, #tpu.memory_space<vmem>>
        %dma_start3A_23 = arith.constant 0 : i32
        %dma_start3A_24 = arith.constant 0 : i32
        %dma_start3A_25 = tpu.memref_slice %arg3[%dma_start3A_23, %dma_start3A_24] : memref<10000x128xf32, #tpu.memory_space<hbm>> -> memref<10000x128xf32, #tpu.memory_space<hbm>>
        tpu.enqueue_indirect_dma source(%dma_start3A_25 : memref<10000x128xf32, #tpu.memory_space<hbm>>) target(%arg11 : memref<64x128xf32, #tpu.memory_space<vmem>>) offsets(%dma_start3A_22 : memref<64xi32, #tpu.memory_space<vmem>>) semaphore(%arg15 : memref<!tpu.dma_semaphore, #tpu.memory_space<semaphore_mem>>)
        %dma_start3A_26 = arith.constant 64 : i32
        %dma_start3A_27 = tpu.memref_slice %arg9[%dma_start3A_26] : memref<1920xi32, #tpu.memory_space<vmem>> -> memref<64xi32, #tpu.memory_space<vmem>>
        %dma_start3A_28 = arith.constant 0 : i32
        %dma_start3A_29 = arith.constant 0 : i32
        %dma_start3A_30 = tpu.memref_slice %arg3[%dma_start3A_28, %dma_start3A_29] : memref<10000x128xf32, #tpu.memory_space<hbm>> -> memref<10000x128xf32, #tpu.memory_space<hbm>>
        tpu.enqueue_indirect_dma source(%dma_start3A_30 : memref<10000x128xf32, #tpu.memory_space<hbm>>) target(%arg12 : memref<64x128xf32, #tpu.memory_space<vmem>>) offsets(%dma_start3A_27 : memref<64xi32, #tpu.memory_space<vmem>>) semaphore(%arg16 : memref<!tpu.dma_semaphore, #tpu.memory_space<semaphore_mem>>)
        %scan3A_31 = arith.constant 0 : i32
        %scan3A_32 = arith.constant 0 : i32
        %scan3A_33 = arith.constant 10 : i32
        %scan3A_34 = arith.addi %scan3A_32, %scan3A_33 : i32
        %scan3A_35 = arith.constant 1 : i32
        scf.for %scan3A_43 = %scan3A_32 to %scan3A_34 step %scan3A_35  : i32 {
          %mul3A_44 = arith.constant 3 : i32
          %mul3A_45 = arith.muli %mul3A_44, %scan3A_43 : i32
          %add3A_46 = arith.constant 0 : i32
          %add3A_47 = arith.addi %mul3A_45, %add3A_46 : i32
          %dma_wait3A_48 = arith.constant 0 : i32
          %dma_wait3A_49 = tpu.memref_slice %arg9[%dma_wait3A_48] : memref<1920xi32, #tpu.memory_space<vmem>> -> memref<64xi32, #tpu.memory_space<vmem>>
          %dma_wait3A_50 = arith.constant 0 : i32
          %dma_wait3A_51 = arith.constant 0 : i32
          %dma_wait3A_52 = tpu.memref_slice %arg3[%dma_wait3A_50, %dma_wait3A_51] : memref<10000x128xf32, #tpu.memory_space<hbm>> -> memref<10000x128xf32, #tpu.memory_space<hbm>>
          tpu.wait_indirect_dma semaphore(%arg15 : memref<!tpu.dma_semaphore, #tpu.memory_space<semaphore_mem>>) src(%dma_wait3A_52 : memref<10000x128xf32, #tpu.memory_space<hbm>>) dst(%arg11 : memref<64x128xf32, #tpu.memory_space<vmem>>)
          %dma_start3A_53 = arith.constant 0 : i32
          %dma_start3A_54 = tpu.memref_slice %arg10[%add3A_47, %dma_start3A_53] : memref<30x64xi32, #tpu.memory_space<vmem>> -> memref<1x64xi32, #tpu.memory_space<vmem>>
          %dma_start3A_55 = tpu.memref_squeeze %dma_start3A_54 : memref<1x64xi32, #tpu.memory_space<vmem>> -> memref<64xi32, #tpu.memory_space<vmem>>
          %dma_start3A_56 = arith.constant 0 : i32
          %dma_start3A_57 = arith.constant 0 : i32
          %dma_start3A_58 = tpu.memref_slice %arg14[%dma_start3A_56, %dma_start3A_57] : memref<10112x128xf32, #tpu.memory_space<vmem_shared>> -> memref<10112x128xf32, #tpu.memory_space<vmem_shared>>
          tpu.enqueue_indirect_dma source(%arg11 : memref<64x128xf32, #tpu.memory_space<vmem>>) target(%dma_start3A_58 : memref<10112x128xf32, #tpu.memory_space<vmem_shared>>) offsets(%dma_start3A_55 : memref<64xi32, #tpu.memory_space<vmem>>) semaphore(%arg18 : memref<!tpu.dma_semaphore, #tpu.memory_space<semaphore_mem>>) {add = true}
          %gt3A = arith.constant 0 : i32
          %gt3A_59 = arith.cmpi sgt, %scan3A_43, %gt3A : i32
          %convert_element_type3A_60 = arith.extui %gt3A_59 : i1 to i32
          %cond3A_61 = arith.constant 0 : i32
          %cond3A_62 = arith.cmpi ne, %convert_element_type3A_60, %cond3A_61 : i32
          scf.if %cond3A_62 {
            %dma_wait3A_124 = arith.constant 0 : i32
            %dma_wait3A_125 = arith.constant 0 : i32
            %dma_wait3A_126 = tpu.memref_slice %arg10[%dma_wait3A_124, %dma_wait3A_125] : memref<30x64xi32, #tpu.memory_space<vmem>> -> memref<1x64xi32, #tpu.memory_space<vmem>>
            %dma_wait3A_127 = tpu.memref_squeeze %dma_wait3A_126 : memref<1x64xi32, #tpu.memory_space<vmem>> -> memref<64xi32, #tpu.memory_space<vmem>>
            %dma_wait3A_128 = arith.constant 0 : i32
            %dma_wait3A_129 = arith.constant 0 : i32
            %dma_wait3A_130 = tpu.memref_slice %arg14[%dma_wait3A_128, %dma_wait3A_129] : memref<10112x128xf32, #tpu.memory_space<vmem_shared>> -> memref<10112x128xf32, #tpu.memory_space<vmem_shared>>
            tpu.wait_indirect_dma semaphore(%arg20 : memref<!tpu.dma_semaphore, #tpu.memory_space<semaphore_mem>>) src(%arg13 : memref<64x128xf32, #tpu.memory_space<vmem>>) dst(%dma_wait3A_130 : memref<10112x128xf32, #tpu.memory_space<vmem_shared>>)
          } else {
          }
          %add3A_63 = arith.constant 2 : i32
          %add3A_64 = arith.addi %add3A_47, %add3A_63 : i32
          %mul3A_65 = arith.constant 64 : i32
          %mul3A_66 = arith.muli %add3A_64, %mul3A_65 : i32
          %dma_start3A_67 = tpu.memref_slice %arg9[%mul3A_66] : memref<1920xi32, #tpu.memory_space<vmem>> -> memref<64xi32, #tpu.memory_space<vmem>>
          %dma_start3A_68 = arith.constant 0 : i32
          %dma_start3A_69 = arith.constant 0 : i32
          %dma_start3A_70 = tpu.memref_slice %arg3[%dma_start3A_68, %dma_start3A_69] : memref<10000x128xf32, #tpu.memory_space<hbm>> -> memref<10000x128xf32, #tpu.memory_space<hbm>>
          tpu.enqueue_indirect_dma source(%dma_start3A_70 : memref<10000x128xf32, #tpu.memory_space<hbm>>) target(%arg13 : memref<64x128xf32, #tpu.memory_space<vmem>>) offsets(%dma_start3A_67 : memref<64xi32, #tpu.memory_space<vmem>>) semaphore(%arg17 : memref<!tpu.dma_semaphore, #tpu.memory_space<semaphore_mem>>)
          %mul3A_71 = arith.constant 3 : i32
          %mul3A_72 = arith.muli %mul3A_71, %scan3A_43 : i32
          %add3A_73 = arith.constant 1 : i32
          %add3A_74 = arith.addi %mul3A_72, %add3A_73 : i32
          %dma_wait3A_75 = arith.constant 0 : i32
          %dma_wait3A_76 = tpu.memref_slice %arg9[%dma_wait3A_75] : memref<1920xi32, #tpu.memory_space<vmem>> -> memref<64xi32, #tpu.memory_space<vmem>>
          %dma_wait3A_77 = arith.constant 0 : i32
          %dma_wait3A_78 = arith.constant 0 : i32
          %dma_wait3A_79 = tpu.memref_slice %arg3[%dma_wait3A_77, %dma_wait3A_78] : memref<10000x128xf32, #tpu.memory_space<hbm>> -> memref<10000x128xf32, #tpu.memory_space<hbm>>
          tpu.wait_indirect_dma semaphore(%arg16 : memref<!tpu.dma_semaphore, #tpu.memory_space<semaphore_mem>>) src(%dma_wait3A_79 : memref<10000x128xf32, #tpu.memory_space<hbm>>) dst(%arg12 : memref<64x128xf32, #tpu.memory_space<vmem>>)
          %dma_start3A_80 = arith.constant 0 : i32
          %dma_start3A_81 = tpu.memref_slice %arg10[%add3A_74, %dma_start3A_80] : memref<30x64xi32, #tpu.memory_space<vmem>> -> memref<1x64xi32, #tpu.memory_space<vmem>>
          %dma_start3A_82 = tpu.memref_squeeze %dma_start3A_81 : memref<1x64xi32, #tpu.memory_space<vmem>> -> memref<64xi32, #tpu.memory_space<vmem>>
          %dma_start3A_83 = arith.constant 0 : i32
          %dma_start3A_84 = arith.constant 0 : i32
          %dma_start3A_85 = tpu.memref_slice %arg14[%dma_start3A_83, %dma_start3A_84] : memref<10112x128xf32, #tpu.memory_space<vmem_shared>> -> memref<10112x128xf32, #tpu.memory_space<vmem_shared>>
          tpu.enqueue_indirect_dma source(%arg12 : memref<64x128xf32, #tpu.memory_space<vmem>>) target(%dma_start3A_85 : memref<10112x128xf32, #tpu.memory_space<vmem_shared>>) offsets(%dma_start3A_82 : memref<64xi32, #tpu.memory_space<vmem>>) semaphore(%arg19 : memref<!tpu.dma_semaphore, #tpu.memory_space<semaphore_mem>>) {add = true}
          %dma_wait3A_86 = arith.constant 0 : i32
          %dma_wait3A_87 = arith.constant 0 : i32
          %dma_wait3A_88 = tpu.memref_slice %arg10[%dma_wait3A_86, %dma_wait3A_87] : memref<30x64xi32, #tpu.memory_space<vmem>> -> memref<1x64xi32, #tpu.memory_space<vmem>>
          %dma_wait3A_89 = tpu.memref_squeeze %dma_wait3A_88 : memref<1x64xi32, #tpu.memory_space<vmem>> -> memref<64xi32, #tpu.memory_space<vmem>>
          %dma_wait3A_90 = arith.constant 0 : i32
          %dma_wait3A_91 = arith.constant 0 : i32
          %dma_wait3A_92 = tpu.memref_slice %arg14[%dma_wait3A_90, %dma_wait3A_91] : memref<10112x128xf32, #tpu.memory_space<vmem_shared>> -> memref<10112x128xf32, #tpu.memory_space<vmem_shared>>
          tpu.wait_indirect_dma semaphore(%arg18 : memref<!tpu.dma_semaphore, #tpu.memory_space<semaphore_mem>>) src(%arg11 : memref<64x128xf32, #tpu.memory_space<vmem>>) dst(%dma_wait3A_92 : memref<10112x128xf32, #tpu.memory_space<vmem_shared>>)
          %lt3A = arith.constant 9 : i32
          %lt3A_93 = arith.cmpi slt, %scan3A_43, %lt3A : i32
          %convert_element_type3A_94 = arith.extui %lt3A_93 : i1 to i32
          %cond3A_95 = arith.constant 0 : i32
          %cond3A_96 = arith.cmpi ne, %convert_element_type3A_94, %cond3A_95 : i32
          scf.if %cond3A_96 {
            %add3A_124 = arith.constant 2 : i32
            %add3A_125 = arith.addi %add3A_74, %add3A_124 : i32
            %mul3A_126 = arith.constant 64 : i32
            %mul3A_127 = arith.muli %add3A_125, %mul3A_126 : i32
            %dma_start3A_128 = tpu.memref_slice %arg9[%mul3A_127] : memref<1920xi32, #tpu.memory_space<vmem>> -> memref<64xi32, #tpu.memory_space<vmem>>
            %dma_start3A_129 = arith.constant 0 : i32
            %dma_start3A_130 = arith.constant 0 : i32
            %dma_start3A_131 = tpu.memref_slice %arg3[%dma_start3A_129, %dma_start3A_130] : memref<10000x128xf32, #tpu.memory_space<hbm>> -> memref<10000x128xf32, #tpu.memory_space<hbm>>
            tpu.enqueue_indirect_dma source(%dma_start3A_131 : memref<10000x128xf32, #tpu.memory_space<hbm>>) target(%arg11 : memref<64x128xf32, #tpu.memory_space<vmem>>) offsets(%dma_start3A_128 : memref<64xi32, #tpu.memory_space<vmem>>) semaphore(%arg15 : memref<!tpu.dma_semaphore, #tpu.memory_space<semaphore_mem>>)
          } else {
          }
          %mul3A_97 = arith.constant 3 : i32
          %mul3A_98 = arith.muli %mul3A_97, %scan3A_43 : i32
          %add3A_99 = arith.constant 2 : i32
          %add3A_100 = arith.addi %mul3A_98, %add3A_99 : i32
          %dma_wait3A_101 = arith.constant 0 : i32
          %dma_wait3A_102 = tpu.memref_slice %arg9[%dma_wait3A_101] : memref<1920xi32, #tpu.memory_space<vmem>> -> memref<64xi32, #tpu.memory_space<vmem>>
          %dma_wait3A_103 = arith.constant 0 : i32
          %dma_wait3A_104 = arith.constant 0 : i32
          %dma_wait3A_105 = tpu.memref_slice %arg3[%dma_wait3A_103, %dma_wait3A_104] : memref<10000x128xf32, #tpu.memory_space<hbm>> -> memref<10000x128xf32, #tpu.memory_space<hbm>>
          tpu.wait_indirect_dma semaphore(%arg17 : memref<!tpu.dma_semaphore, #tpu.memory_space<semaphore_mem>>) src(%dma_wait3A_105 : memref<10000x128xf32, #tpu.memory_space<hbm>>) dst(%arg13 : memref<64x128xf32, #tpu.memory_space<vmem>>)
          %dma_start3A_106 = arith.constant 0 : i32
          %dma_start3A_107 = tpu.memref_slice %arg10[%add3A_100, %dma_start3A_106] : memref<30x64xi32, #tpu.memory_space<vmem>> -> memref<1x64xi32, #tpu.memory_space<vmem>>
          %dma_start3A_108 = tpu.memref_squeeze %dma_start3A_107 : memref<1x64xi32, #tpu.memory_space<vmem>> -> memref<64xi32, #tpu.memory_space<vmem>>
          %dma_start3A_109 = arith.constant 0 : i32
          %dma_start3A_110 = arith.constant 0 : i32
          %dma_start3A_111 = tpu.memref_slice %arg14[%dma_start3A_109, %dma_start3A_110] : memref<10112x128xf32, #tpu.memory_space<vmem_shared>> -> memref<10112x128xf32, #tpu.memory_space<vmem_shared>>
          tpu.enqueue_indirect_dma source(%arg13 : memref<64x128xf32, #tpu.memory_space<vmem>>) target(%dma_start3A_111 : memref<10112x128xf32, #tpu.memory_space<vmem_shared>>) offsets(%dma_start3A_108 : memref<64xi32, #tpu.memory_space<vmem>>) semaphore(%arg20 : memref<!tpu.dma_semaphore, #tpu.memory_space<semaphore_mem>>) {add = true}
          %dma_wait3A_112 = arith.constant 0 : i32
          %dma_wait3A_113 = arith.constant 0 : i32
          %dma_wait3A_114 = tpu.memref_slice %arg10[%dma_wait3A_112, %dma_wait3A_113] : memref<30x64xi32, #tpu.memory_space<vmem>> -> memref<1x64xi32, #tpu.memory_space<vmem>>
          %dma_wait3A_115 = tpu.memref_squeeze %dma_wait3A_114 : memref<1x64xi32, #tpu.memory_space<vmem>> -> memref<64xi32, #tpu.memory_space<vmem>>
          %dma_wait3A_116 = arith.constant 0 : i32
          %dma_wait3A_117 = arith.constant 0 : i32
          %dma_wait3A_118 = tpu.memref_slice %arg14[%dma_wait3A_116, %dma_wait3A_117] : memref<10112x128xf32, #tpu.memory_space<vmem_shared>> -> memref<10112x128xf32, #tpu.memory_space<vmem_shared>>
          tpu.wait_indirect_dma semaphore(%arg19 : memref<!tpu.dma_semaphore, #tpu.memory_space<semaphore_mem>>) src(%arg12 : memref<64x128xf32, #tpu.memory_space<vmem>>) dst(%dma_wait3A_118 : memref<10112x128xf32, #tpu.memory_space<vmem_shared>>)
          %lt3A_119 = arith.constant 9 : i32
          %lt3A_120 = arith.cmpi slt, %scan3A_43, %lt3A_119 : i32
          %convert_element_type3A_121 = arith.extui %lt3A_120 : i1 to i32
          %cond3A_122 = arith.constant 0 : i32
          %cond3A_123 = arith.cmpi ne, %convert_element_type3A_121, %cond3A_122 : i32
          scf.if %cond3A_123 {
            %add3A_124 = arith.constant 2 : i32
            %add3A_125 = arith.addi %add3A_100, %add3A_124 : i32
            %mul3A_126 = arith.constant 64 : i32
            %mul3A_127 = arith.muli %add3A_125, %mul3A_126 : i32
            %dma_start3A_128 = tpu.memref_slice %arg9[%mul3A_127] : memref<1920xi32, #tpu.memory_space<vmem>> -> memref<64xi32, #tpu.memory_space<vmem>>
            %dma_start3A_129 = arith.constant 0 : i32
            %dma_start3A_130 = arith.constant 0 : i32
            %dma_start3A_131 = tpu.memref_slice %arg3[%dma_start3A_129, %dma_start3A_130] : memref<10000x128xf32, #tpu.memory_space<hbm>> -> memref<10000x128xf32, #tpu.memory_space<hbm>>
            tpu.enqueue_indirect_dma source(%dma_start3A_131 : memref<10000x128xf32, #tpu.memory_space<hbm>>) target(%arg12 : memref<64x128xf32, #tpu.memory_space<vmem>>) offsets(%dma_start3A_128 : memref<64xi32, #tpu.memory_space<vmem>>) semaphore(%arg16 : memref<!tpu.dma_semaphore, #tpu.memory_space<semaphore_mem>>)
          } else {
          }
        }
        %scan3A_36 = arith.constant 10 : i32
        %dma_wait3A = arith.constant 0 : i32
        %dma_wait3A_37 = arith.constant 0 : i32
        %dma_wait3A_38 = tpu.memref_slice %arg10[%dma_wait3A, %dma_wait3A_37] : memref<30x64xi32, #tpu.memory_space<vmem>> -> memref<1x64xi32, #tpu.memory_space<vmem>>
        %dma_wait3A_39 = tpu.memref_squeeze %dma_wait3A_38 : memref<1x64xi32, #tpu.memory_space<vmem>> -> memref<64xi32, #tpu.memory_space<vmem>>
        %dma_wait3A_40 = arith.constant 0 : i32
        %dma_wait3A_41 = arith.constant 0 : i32
        %dma_wait3A_42 = tpu.memref_slice %arg14[%dma_wait3A_40, %dma_wait3A_41] : memref<10112x128xf32, #tpu.memory_space<vmem_shared>> -> memref<10112x128xf32, #tpu.memory_space<vmem_shared>>
        tpu.wait_indirect_dma semaphore(%arg20 : memref<!tpu.dma_semaphore, #tpu.memory_space<semaphore_mem>>) src(%arg13 : memref<64x128xf32, #tpu.memory_space<vmem>>) dst(%dma_wait3A_42 : memref<10112x128xf32, #tpu.memory_space<vmem_shared>>)
      }
      %scan3A_12 = arith.constant 11 : i32
      %barrier3A_13 = arith.constant 0 : index
      tpu.barrier barrier_id(%barrier3A_13)
      %mul3A_14 = arith.constant 632 : i32
      %mul3A_15 = arith.muli %arg1, %mul3A_14 : i32
      "tpu.region"() ({
        %run_scoped3A = tpu.sem_alloc : memref<!tpu.dma_semaphore, #tpu.memory_space<semaphore_mem>>
        %dma_start3A = arith.constant 0 : i32
        %dma_start3A_16 = tpu.memref_slice %arg8[%mul3A_15, %dma_start3A] : memref<10112x128xf32, #tpu.memory_space<hbm>> -> memref<632x128xf32, #tpu.memory_space<hbm>>
        %dma_start3A_17 = arith.constant 0 : i32
        %dma_start3A_18 = tpu.memref_slice %arg14[%mul3A_15, %dma_start3A_17] : memref<10112x128xf32, #tpu.memory_space<vmem_shared>> -> memref<632x128xf32, #tpu.memory_space<vmem_shared>>
        tpu.enqueue_dma source(%dma_start3A_18 : memref<632x128xf32, #tpu.memory_space<vmem_shared>>) target(%dma_start3A_16 : memref<632x128xf32, #tpu.memory_space<hbm>>) target_semaphore(%run_scoped3A : memref<!tpu.dma_semaphore, #tpu.memory_space<semaphore_mem>>)
        %dma_wait3A = arith.constant 0 : i32
        %dma_wait3A_19 = tpu.memref_slice %arg8[%mul3A_15, %dma_wait3A] : memref<10112x128xf32, #tpu.memory_space<hbm>> -> memref<632x128xf32, #tpu.memory_space<hbm>>
        %dma_wait3A_20 = arith.constant 0 : i32
        %dma_wait3A_21 = tpu.memref_slice %arg14[%mul3A_15, %dma_wait3A_20] : memref<10112x128xf32, #tpu.memory_space<vmem_shared>> -> memref<632x128xf32, #tpu.memory_space<vmem_shared>>
        tpu.wait_dma2 semaphore(%run_scoped3A : memref<!tpu.dma_semaphore, #tpu.memory_space<semaphore_mem>>) src(%dma_wait3A_21 : memref<632x128xf32, #tpu.memory_space<vmem_shared>>) dst(%dma_wait3A_19 : memref<632x128xf32, #tpu.memory_space<hbm>>)
        tpu.yield
      }) : () -> ()
    } else {
    }
    return
  }
}

module attributes {stable_mosaic.version = 14 : i64} {
  func.func @_tc_a_body(%arg0: i32, %arg1: memref<1000x128xf32, #tpu.memory_space<vmem>>, %arg2: memref<128x256xf32, #tpu.memory_space<vmem>>, %arg3: memref<1000x128xf32, #tpu.memory_space<vmem>>, %arg4: memref<1000x128xf32, #tpu.memory_space<vmem>>, %arg5: memref<1000x128xf32, #tpu.memory_space<vmem>>) attributes {dimension_semantics = [#tpu.dimension_semantics<arbitrary>], iteration_bounds = array<i64: 10>, scalar_prefetch = 0 : i64, scratch_operands = 0 : i64, tpu.core_type = #tpu.core_type<tc>, window_params = [{transform_indices = @transform_0, window_bounds = array<i64: 1000, 128>}, {pipeline_mode = #tpu.pipeline_mode<synchronous>, transform_indices = @transform_1, window_bounds = array<i64: 128, 256>}, {transform_indices = @transform_2, window_bounds = array<i64: 1000, 128>}, {transform_indices = @transform_3, window_bounds = array<i64: 1000, 128>}, {transform_indices = @transform_4, window_bounds = array<i64: 1000, 128>}]} {
    %get3A = arith.constant 0 : index
    %get3A_0 = arith.constant 0 : index
    %get3A_1 = vector.load %arg1[%get3A, %get3A_0] : memref<1000x128xf32, #tpu.memory_space<vmem>>, vector<1000x128xf32>
    %get3A_2 = arith.constant 0 : index
    %get3A_3 = arith.constant 0 : index
    %get3A_4 = vector.load %arg2[%get3A_2, %get3A_3] : memref<128x256xf32, #tpu.memory_space<vmem>>, vector<128x256xf32>
    %dot_general3A = arith.constant dense<0.000000e+00> : vector<1000x256xf32>
    %dot_general3A_5 = tpu.matmul %get3A_1, %get3A_4, %dot_general3A {dimension_numbers = #tpu.dot_dimension_numbers<[1], [0], [0], [1], [0, 0, 1, 1], [], []>, transpose_lhs_hint = false} : vector<1000x128xf32>, vector<128x256xf32>, vector<1000x256xf32> -> vector<1000x256xf32>
    %get3A_6 = arith.constant 0 : index
    %get3A_7 = arith.constant 0 : index
    %get3A_8 = vector.load %arg3[%get3A_6, %get3A_7] : memref<1000x128xf32, #tpu.memory_space<vmem>>, vector<1000x128xf32>
    %slice3A = vector.extract_strided_slice %get3A_8 {offsets = [0, 0], sizes = [1000, 1], strides = [1, 1]} : vector<1000x128xf32> to vector<1000x1xf32>
    %add3A = arith.constant 1.000000e+00 : f32
    %add3A_9 = vector.broadcast %add3A : f32 to vector<1000x1xf32>
    %add3A_10 = arith.addf %slice3A, %add3A_9 : vector<1000x1xf32>
    %rsqrt3A = math.rsqrt %add3A_10 : vector<1000x1xf32>
    %mul3A = vector.broadcast %rsqrt3A : vector<1000x1xf32> to vector<1000x256xf32>
    %mul3A_11 = arith.mulf %dot_general3A_5, %mul3A : vector<1000x256xf32>
    %slice3A_12 = vector.extract_strided_slice %mul3A_11 {offsets = [0, 0], sizes = [1000, 128], strides = [1, 1]} : vector<1000x256xf32> to vector<1000x128xf32>
    %swap3A = arith.constant 0 : index
    %swap3A_13 = arith.constant 0 : index
    %swap3A_14 = vector.load %arg4[%swap3A, %swap3A_13] : memref<1000x128xf32, #tpu.memory_space<vmem>>, vector<1000x128xf32>
    tpu.vector_store %arg4[%swap3A, %swap3A_13], %slice3A_12 {strides = array<i32>} : memref<1000x128xf32, #tpu.memory_space<vmem>>, vector<1000x128xf32>,
    %slice3A_15 = vector.extract_strided_slice %mul3A_11 {offsets = [0, 128], sizes = [1000, 128], strides = [1, 1]} : vector<1000x256xf32> to vector<1000x128xf32>
    %swap3A_16 = arith.constant 0 : index
    %swap3A_17 = arith.constant 0 : index
    %swap3A_18 = vector.load %arg5[%swap3A_16, %swap3A_17] : memref<1000x128xf32, #tpu.memory_space<vmem>>, vector<1000x128xf32>
    tpu.vector_store %arg5[%swap3A_16, %swap3A_17], %slice3A_15 {strides = array<i32>} : memref<1000x128xf32, #tpu.memory_space<vmem>>, vector<1000x128xf32>,
    return
  }
  func.func @transform_0(%arg0: i32) -> (i32, i32) {
    %c0_i32 = arith.constant 0 : i32
    %c0_i32_0 = arith.constant 0 : i32
    return %arg0, %c0_i32 : i32, i32
  }
  func.func @transform_1(%arg0: i32) -> (i32, i32) {
    %c0_i32 = arith.constant 0 : i32
    %c0_i32_0 = arith.constant 0 : i32
    %c0_i32_1 = arith.constant 0 : i32
    return %c0_i32, %c0_i32_0 : i32, i32
  }
  func.func @transform_2(%arg0: i32) -> (i32, i32) {
    %c0_i32 = arith.constant 0 : i32
    %c0_i32_0 = arith.constant 0 : i32
    return %arg0, %c0_i32 : i32, i32
  }
  func.func @transform_3(%arg0: i32) -> (i32, i32) {
    %c0_i32 = arith.constant 0 : i32
    %c0_i32_0 = arith.constant 0 : i32
    return %arg0, %c0_i32 : i32, i32
  }
  func.func @transform_4(%arg0: i32) -> (i32, i32) {
    %c0_i32 = arith.constant 0 : i32
    %c0_i32_0 = arith.constant 0 : i32
    return %arg0, %c0_i32 : i32, i32
  }
}

module attributes {stable_mosaic.version = 14 : i64} {
  func.func @_tc_b_body(%arg0: i32, %arg1: memref<1000x128xf32, #tpu.memory_space<vmem>>, %arg2: memref<1000x128xf32, #tpu.memory_space<vmem>>, %arg3: memref<1000x128xf32, #tpu.memory_space<vmem>>, %arg4: memref<1000x128xf32, #tpu.memory_space<vmem>>, %arg5: memref<1000x128xf32, #tpu.memory_space<vmem>>, %arg6: memref<1x256xf32, #tpu.memory_space<vmem>>, %arg7: memref<1x256xf32, #tpu.memory_space<vmem>>, %arg8: memref<1x256xf32, #tpu.memory_space<vmem>>, %arg9: memref<256x256xf32, #tpu.memory_space<vmem>>, %arg10: memref<1000x128xf32, #tpu.memory_space<vmem>>, %arg11: memref<1000x128xf32, #tpu.memory_space<vmem>>) attributes {dimension_semantics = [#tpu.dimension_semantics<arbitrary>], iteration_bounds = array<i64: 10>, scalar_prefetch = 0 : i64, scratch_operands = 0 : i64, tpu.core_type = #tpu.core_type<tc>, window_params = [{transform_indices = @transform_0, window_bounds = array<i64: 1000, 128>}, {transform_indices = @transform_1, window_bounds = array<i64: 1000, 128>}, {transform_indices = @transform_2, window_bounds = array<i64: 1000, 128>}, {transform_indices = @transform_3, window_bounds = array<i64: 1000, 128>}, {transform_indices = @transform_4, window_bounds = array<i64: 1000, 128>}, {pipeline_mode = #tpu.pipeline_mode<synchronous>, transform_indices = @transform_5, window_bounds = array<i64: 1, 256>}, {pipeline_mode = #tpu.pipeline_mode<synchronous>, transform_indices = @transform_6, window_bounds = array<i64: 1, 256>}, {pipeline_mode = #tpu.pipeline_mode<synchronous>, transform_indices = @transform_7, window_bounds = array<i64: 1, 256>}, {pipeline_mode = #tpu.pipeline_mode<synchronous>, transform_indices = @transform_8, window_bounds = array<i64: 256, 256>}, {transform_indices = @transform_9, window_bounds = array<i64: 1000, 128>}, {transform_indices = @transform_10, window_bounds = array<i64: 1000, 128>}]} {
    %get3A = arith.constant 0 : index
    %get3A_0 = arith.constant 0 : index
    %get3A_1 = vector.load %arg5[%get3A, %get3A_0] : memref<1000x128xf32, #tpu.memory_space<vmem>>, vector<1000x128xf32>
    %slice3A = vector.extract_strided_slice %get3A_1 {offsets = [0, 0], sizes = [1000, 1], strides = [1, 1]} : vector<1000x128xf32> to vector<1000x1xf32>
    %add3A = arith.constant 1.000000e+00 : f32
    %add3A_2 = vector.broadcast %add3A : f32 to vector<1000x1xf32>
    %add3A_3 = arith.addf %slice3A, %add3A_2 : vector<1000x1xf32>
    %rsqrt3A = math.rsqrt %add3A_3 : vector<1000x1xf32>
    %get3A_4 = arith.constant 0 : index
    %get3A_5 = arith.constant 0 : index
    %get3A_6 = vector.load %arg1[%get3A_4, %get3A_5] : memref<1000x128xf32, #tpu.memory_space<vmem>>, vector<1000x128xf32>
    %get3A_7 = arith.constant 0 : index
    %get3A_8 = arith.constant 0 : index
    %get3A_9 = vector.load %arg2[%get3A_7, %get3A_8] : memref<1000x128xf32, #tpu.memory_space<vmem>>, vector<1000x128xf32>
    %get3A_10 = arith.constant 0 : index
    %get3A_11 = arith.constant 0 : index
    %get3A_12 = vector.load %arg3[%get3A_10, %get3A_11] : memref<1000x128xf32, #tpu.memory_space<vmem>>, vector<1000x128xf32>
    %get3A_13 = arith.constant 0 : index
    %get3A_14 = arith.constant 0 : index
    %get3A_15 = vector.load %arg4[%get3A_13, %get3A_14] : memref<1000x128xf32, #tpu.memory_space<vmem>>, vector<1000x128xf32>
    %get3A_16 = arith.constant 0 : index
    %get3A_17 = arith.constant 0 : index
    %get3A_18 = vector.load %arg6[%get3A_16, %get3A_17] : memref<1x256xf32, #tpu.memory_space<vmem>>, vector<1x256xf32>
    %get3A_19 = arith.constant 0 : index
    %get3A_20 = arith.constant 0 : index
    %get3A_21 = vector.load %arg7[%get3A_19, %get3A_20] : memref<1x256xf32, #tpu.memory_space<vmem>>, vector<1x256xf32>
    %get3A_22 = arith.constant 0 : index
    %get3A_23 = arith.constant 0 : index
    %get3A_24 = vector.load %arg8[%get3A_22, %get3A_23] : memref<1x256xf32, #tpu.memory_space<vmem>>, vector<1x256xf32>
    %concatenate3A = tpu.concatenate %get3A_6, %get3A_9 in 1 : vector<1000x128xf32>, vector<1000x128xf32> -> vector<1000x256xf32>
    %concatenate3A_25 = tpu.concatenate %get3A_12, %get3A_15 in 1 : vector<1000x128xf32>, vector<1000x128xf32> -> vector<1000x256xf32>
    %add3A_26 = arith.addf %concatenate3A, %concatenate3A_25 : vector<1000x256xf32>
    %mul3A = vector.broadcast %rsqrt3A : vector<1000x1xf32> to vector<1000x256xf32>
    %mul3A_27 = arith.mulf %mul3A, %add3A_26 : vector<1000x256xf32>
    %add3A_28 = vector.broadcast %get3A_18 : vector<1x256xf32> to vector<1000x256xf32>
    %add3A_29 = arith.addf %mul3A_27, %add3A_28 : vector<1000x256xf32>
    %max3A = arith.constant 0.000000e+00 : f32
    %max3A_30 = vector.broadcast %max3A : f32 to vector<1000x256xf32>
    %max3A_31 = arith.maximumf %add3A_29, %max3A_30 : vector<1000x256xf32>
    %reduce_sum3A = arith.constant dense<0.000000e+00> : vector<1000xf32>
    %reduce_sum3A_32 = vector.multi_reduction <add>, %max3A_31, %reduce_sum3A [1] : vector<1000x256xf32> to vector<1000xf32>
    %broadcast_in_dim3A = vector.shape_cast %reduce_sum3A_32 : vector<1000xf32> to vector<1000x1xf32>
    %div3A = arith.constant 2.560000e+02 : f32
    %div3A_33 = vector.broadcast %div3A : f32 to vector<1000x1xf32>
    %div3A_34 = arith.divf %broadcast_in_dim3A, %div3A_33 : vector<1000x1xf32>
    %sub3A = vector.broadcast %div3A_34 : vector<1000x1xf32> to vector<1000x256xf32>
    %sub3A_35 = arith.subf %max3A_31, %sub3A : vector<1000x256xf32>
    %sub3A_36 = vector.broadcast %div3A_34 : vector<1000x1xf32> to vector<1000x256xf32>
    %sub3A_37 = arith.subf %max3A_31, %sub3A_36 : vector<1000x256xf32>
    %mul3A_38 = arith.mulf %sub3A_35, %sub3A_37 : vector<1000x256xf32>
    %reduce_sum3A_39 = arith.constant dense<0.000000e+00> : vector<1000xf32>
    %reduce_sum3A_40 = vector.multi_reduction <add>, %mul3A_38, %reduce_sum3A_39 [1] : vector<1000x256xf32> to vector<1000xf32>
    %broadcast_in_dim3A_41 = vector.shape_cast %reduce_sum3A_40 : vector<1000xf32> to vector<1000x1xf32>
    %div3A_42 = arith.constant 2.560000e+02 : f32
    %div3A_43 = vector.broadcast %div3A_42 : f32 to vector<1000x1xf32>
    %div3A_44 = arith.divf %broadcast_in_dim3A_41, %div3A_43 : vector<1000x1xf32>
    %sub3A_45 = vector.broadcast %div3A_34 : vector<1000x1xf32> to vector<1000x256xf32>
    %sub3A_46 = arith.subf %max3A_31, %sub3A_45 : vector<1000x256xf32>
    %add3A_47 = arith.constant 9.99999974E-6 : f32
    %add3A_48 = vector.broadcast %add3A_47 : f32 to vector<1000x1xf32>
    %add3A_49 = arith.addf %div3A_44, %add3A_48 : vector<1000x1xf32>
    %rsqrt3A_50 = math.rsqrt %add3A_49 : vector<1000x1xf32>
    %mul3A_51 = vector.broadcast %rsqrt3A_50 : vector<1000x1xf32> to vector<1000x256xf32>
    %mul3A_52 = arith.mulf %sub3A_46, %mul3A_51 : vector<1000x256xf32>
    %mul3A_53 = vector.broadcast %get3A_21 : vector<1x256xf32> to vector<1000x256xf32>
    %mul3A_54 = arith.mulf %mul3A_52, %mul3A_53 : vector<1000x256xf32>
    %add3A_55 = vector.broadcast %get3A_24 : vector<1x256xf32> to vector<1000x256xf32>
    %add3A_56 = arith.addf %mul3A_54, %add3A_55 : vector<1000x256xf32>
    %get3A_57 = arith.constant 0 : index
    %get3A_58 = arith.constant 0 : index
    %get3A_59 = vector.load %arg9[%get3A_57, %get3A_58] : memref<256x256xf32, #tpu.memory_space<vmem>>, vector<256x256xf32>
    %dot_general3A = arith.constant dense<0.000000e+00> : vector<1000x256xf32>
    %dot_general3A_60 = tpu.matmul %add3A_56, %get3A_59, %dot_general3A {dimension_numbers = #tpu.dot_dimension_numbers<[1], [0], [0], [1], [0, 0, 1, 1], [], []>, transpose_lhs_hint = false} : vector<1000x256xf32>, vector<256x256xf32>, vector<1000x256xf32> -> vector<1000x256xf32>
    %mul3A_61 = vector.broadcast %rsqrt3A : vector<1000x1xf32> to vector<1000x256xf32>
    %mul3A_62 = arith.mulf %dot_general3A_60, %mul3A_61 : vector<1000x256xf32>
    %slice3A_63 = vector.extract_strided_slice %mul3A_62 {offsets = [0, 0], sizes = [1000, 128], strides = [1, 1]} : vector<1000x256xf32> to vector<1000x128xf32>
    %swap3A = arith.constant 0 : index
    %swap3A_64 = arith.constant 0 : index
    %swap3A_65 = vector.load %arg10[%swap3A, %swap3A_64] : memref<1000x128xf32, #tpu.memory_space<vmem>>, vector<1000x128xf32>
    tpu.vector_store %arg10[%swap3A, %swap3A_64], %slice3A_63 {strides = array<i32>} : memref<1000x128xf32, #tpu.memory_space<vmem>>, vector<1000x128xf32>,
    %slice3A_66 = vector.extract_strided_slice %mul3A_62 {offsets = [0, 128], sizes = [1000, 128], strides = [1, 1]} : vector<1000x256xf32> to vector<1000x128xf32>
    %swap3A_67 = arith.constant 0 : index
    %swap3A_68 = arith.constant 0 : index
    %swap3A_69 = vector.load %arg11[%swap3A_67, %swap3A_68] : memref<1000x128xf32, #tpu.memory_space<vmem>>, vector<1000x128xf32>
    tpu.vector_store %arg11[%swap3A_67, %swap3A_68], %slice3A_66 {strides = array<i32>} : memref<1000x128xf32, #tpu.memory_space<vmem>>, vector<1000x128xf32>,
    return
  }
  func.func @transform_0(%arg0: i32) -> (i32, i32) {
    %c0_i32 = arith.constant 0 : i32
    %c0_i32_0 = arith.constant 0 : i32
    return %arg0, %c0_i32 : i32, i32
  }
  func.func @transform_1(%arg0: i32) -> (i32, i32) {
    %c0_i32 = arith.constant 0 : i32
    %c0_i32_0 = arith.constant 0 : i32
    return %arg0, %c0_i32 : i32, i32
  }
  func.func @transform_2(%arg0: i32) -> (i32, i32) {
    %c0_i32 = arith.constant 0 : i32
    %c0_i32_0 = arith.constant 0 : i32
    return %arg0, %c0_i32 : i32, i32
  }
  func.func @transform_3(%arg0: i32) -> (i32, i32) {
    %c0_i32 = arith.constant 0 : i32
    %c0_i32_0 = arith.constant 0 : i32
    return %arg0, %c0_i32 : i32, i32
  }
  func.func @transform_4(%arg0: i32) -> (i32, i32) {
    %c0_i32 = arith.constant 0 : i32
    %c0_i32_0 = arith.constant 0 : i32
    return %arg0, %c0_i32 : i32, i32
  }
  func.func @transform_5(%arg0: i32) -> (i32, i32) {
    %c0_i32 = arith.constant 0 : i32
    %c0_i32_0 = arith.constant 0 : i32
    %c0_i32_1 = arith.constant 0 : i32
    return %c0_i32, %c0_i32_0 : i32, i32
  }
  func.func @transform_6(%arg0: i32) -> (i32, i32) {
    %c0_i32 = arith.constant 0 : i32
    %c0_i32_0 = arith.constant 0 : i32
    %c0_i32_1 = arith.constant 0 : i32
    return %c0_i32, %c0_i32_0 : i32, i32
  }
  func.func @transform_7(%arg0: i32) -> (i32, i32) {
    %c0_i32 = arith.constant 0 : i32
    %c0_i32_0 = arith.constant 0 : i32
    %c0_i32_1 = arith.constant 0 : i32
    return %c0_i32, %c0_i32_0 : i32, i32
  }
  func.func @transform_8(%arg0: i32) -> (i32, i32) {
    %c0_i32 = arith.constant 0 : i32
    %c0_i32_0 = arith.constant 0 : i32
    %c0_i32_1 = arith.constant 0 : i32
    return %c0_i32, %c0_i32_0 : i32, i32
  }
  func.func @transform_9(%arg0: i32) -> (i32, i32) {
    %c0_i32 = arith.constant 0 : i32
    %c0_i32_0 = arith.constant 0 : i32
    return %arg0, %c0_i32 : i32, i32
  }
  func.func @transform_10(%arg0: i32) -> (i32, i32) {
    %c0_i32 = arith.constant 0 : i32
    %c0_i32_0 = arith.constant 0 : i32
    return %arg0, %c0_i32 : i32, i32
  }
}

module attributes {stable_mosaic.version = 14 : i64} {
  func.func @_tc_c_body(%arg0: i32, %arg1: memref<1000x128xf32, #tpu.memory_space<vmem>>, %arg2: memref<1000x128xf32, #tpu.memory_space<vmem>>, %arg3: memref<1000x128xf32, #tpu.memory_space<vmem>>, %arg4: memref<1000x128xf32, #tpu.memory_space<vmem>>, %arg5: memref<1000x128xf32, #tpu.memory_space<vmem>>, %arg6: memref<1x256xf32, #tpu.memory_space<vmem>>, %arg7: memref<1x256xf32, #tpu.memory_space<vmem>>, %arg8: memref<1x256xf32, #tpu.memory_space<vmem>>, %arg9: memref<1000x1xi32, #tpu.memory_space<vmem>>, %arg10: memref<768x256xf32, #tpu.memory_space<vmem>>, %arg11: memref<1x256xf32, #tpu.memory_space<vmem>>, %arg12: memref<256x128xf32, #tpu.memory_space<vmem>>, %arg13: memref<1x128xf32, #tpu.memory_space<vmem>>, %arg14: memref<16x128xf32, #tpu.memory_space<vmem>>, %arg15: memref<16x256xf32, #tpu.memory_space<vmem>>, %arg16: memref<16x256xf32, #tpu.memory_space<vmem>>, %arg17: memref<16x256xf32, #tpu.memory_space<vmem>>) attributes {dimension_semantics = [#tpu.dimension_semantics<arbitrary>], iteration_bounds = array<i64: 10>, scalar_prefetch = 0 : i64, scratch_operands = 3 : i64, tpu.core_type = #tpu.core_type<tc>, window_params = [{transform_indices = @transform_0, window_bounds = array<i64: 1000, 128>}, {transform_indices = @transform_1, window_bounds = array<i64: 1000, 128>}, {transform_indices = @transform_2, window_bounds = array<i64: 1000, 128>}, {transform_indices = @transform_3, window_bounds = array<i64: 1000, 128>}, {transform_indices = @transform_4, window_bounds = array<i64: 1000, 128>}, {pipeline_mode = #tpu.pipeline_mode<synchronous>, transform_indices = @transform_5, window_bounds = array<i64: 1, 256>}, {pipeline_mode = #tpu.pipeline_mode<synchronous>, transform_indices = @transform_6, window_bounds = array<i64: 1, 256>}, {pipeline_mode = #tpu.pipeline_mode<synchronous>, transform_indices = @transform_7, window_bounds = array<i64: 1, 256>}, {transform_indices = @transform_8, window_bounds = array<i64: 1000, 1>}, {pipeline_mode = #tpu.pipeline_mode<synchronous>, transform_indices = @transform_9, window_bounds = array<i64: 768, 256>}, {pipeline_mode = #tpu.pipeline_mode<synchronous>, transform_indices = @transform_10, window_bounds = array<i64: 1, 256>}, {pipeline_mode = #tpu.pipeline_mode<synchronous>, transform_indices = @transform_11, window_bounds = array<i64: 256, 128>}, {pipeline_mode = #tpu.pipeline_mode<synchronous>, transform_indices = @transform_12, window_bounds = array<i64: 1, 128>}, {pipeline_mode = #tpu.pipeline_mode<synchronous>, transform_indices = @transform_13, window_bounds = array<i64: 16, 128>}]} {
    %get3A = arith.constant 0 : index
    %get3A_0 = arith.constant 0 : index
    %get3A_1 = vector.load %arg5[%get3A, %get3A_0] : memref<1000x128xf32, #tpu.memory_space<vmem>>, vector<1000x128xf32>
    %slice3A = vector.extract_strided_slice %get3A_1 {offsets = [0, 0], sizes = [1000, 1], strides = [1, 1]} : vector<1000x128xf32> to vector<1000x1xf32>
    %add3A = arith.constant 1.000000e+00 : f32
    %add3A_2 = vector.broadcast %add3A : f32 to vector<1000x1xf32>
    %add3A_3 = arith.addf %slice3A, %add3A_2 : vector<1000x1xf32>
    %rsqrt3A = math.rsqrt %add3A_3 : vector<1000x1xf32>
    %get3A_4 = arith.constant 0 : index
    %get3A_5 = arith.constant 0 : index
    %get3A_6 = vector.load %arg1[%get3A_4, %get3A_5] : memref<1000x128xf32, #tpu.memory_space<vmem>>, vector<1000x128xf32>
    %get3A_7 = arith.constant 0 : index
    %get3A_8 = arith.constant 0 : index
    %get3A_9 = vector.load %arg2[%get3A_7, %get3A_8] : memref<1000x128xf32, #tpu.memory_space<vmem>>, vector<1000x128xf32>
    %get3A_10 = arith.constant 0 : index
    %get3A_11 = arith.constant 0 : index
    %get3A_12 = vector.load %arg3[%get3A_10, %get3A_11] : memref<1000x128xf32, #tpu.memory_space<vmem>>, vector<1000x128xf32>
    %get3A_13 = arith.constant 0 : index
    %get3A_14 = arith.constant 0 : index
    %get3A_15 = vector.load %arg4[%get3A_13, %get3A_14] : memref<1000x128xf32, #tpu.memory_space<vmem>>, vector<1000x128xf32>
    %get3A_16 = arith.constant 0 : index
    %get3A_17 = arith.constant 0 : index
    %get3A_18 = vector.load %arg6[%get3A_16, %get3A_17] : memref<1x256xf32, #tpu.memory_space<vmem>>, vector<1x256xf32>
    %get3A_19 = arith.constant 0 : index
    %get3A_20 = arith.constant 0 : index
    %get3A_21 = vector.load %arg7[%get3A_19, %get3A_20] : memref<1x256xf32, #tpu.memory_space<vmem>>, vector<1x256xf32>
    %get3A_22 = arith.constant 0 : index
    %get3A_23 = arith.constant 0 : index
    %get3A_24 = vector.load %arg8[%get3A_22, %get3A_23] : memref<1x256xf32, #tpu.memory_space<vmem>>, vector<1x256xf32>
    %concatenate3A = tpu.concatenate %get3A_6, %get3A_9 in 1 : vector<1000x128xf32>, vector<1000x128xf32> -> vector<1000x256xf32>
    %concatenate3A_25 = tpu.concatenate %get3A_12, %get3A_15 in 1 : vector<1000x128xf32>, vector<1000x128xf32> -> vector<1000x256xf32>
    %add3A_26 = arith.addf %concatenate3A, %concatenate3A_25 : vector<1000x256xf32>
    %mul3A = vector.broadcast %rsqrt3A : vector<1000x1xf32> to vector<1000x256xf32>
    %mul3A_27 = arith.mulf %mul3A, %add3A_26 : vector<1000x256xf32>
    %add3A_28 = vector.broadcast %get3A_18 : vector<1x256xf32> to vector<1000x256xf32>
    %add3A_29 = arith.addf %mul3A_27, %add3A_28 : vector<1000x256xf32>
    %max3A = arith.constant 0.000000e+00 : f32
    %max3A_30 = vector.broadcast %max3A : f32 to vector<1000x256xf32>
    %max3A_31 = arith.maximumf %add3A_29, %max3A_30 : vector<1000x256xf32>
    %reduce_sum3A = arith.constant dense<0.000000e+00> : vector<1000xf32>
    %reduce_sum3A_32 = vector.multi_reduction <add>, %max3A_31, %reduce_sum3A [1] : vector<1000x256xf32> to vector<1000xf32>
    %broadcast_in_dim3A = vector.shape_cast %reduce_sum3A_32 : vector<1000xf32> to vector<1000x1xf32>
    %div3A = arith.constant 2.560000e+02 : f32
    %div3A_33 = vector.broadcast %div3A : f32 to vector<1000x1xf32>
    %div3A_34 = arith.divf %broadcast_in_dim3A, %div3A_33 : vector<1000x1xf32>
    %sub3A = vector.broadcast %div3A_34 : vector<1000x1xf32> to vector<1000x256xf32>
    %sub3A_35 = arith.subf %max3A_31, %sub3A : vector<1000x256xf32>
    %sub3A_36 = vector.broadcast %div3A_34 : vector<1000x1xf32> to vector<1000x256xf32>
    %sub3A_37 = arith.subf %max3A_31, %sub3A_36 : vector<1000x256xf32>
    %mul3A_38 = arith.mulf %sub3A_35, %sub3A_37 : vector<1000x256xf32>
    %reduce_sum3A_39 = arith.constant dense<0.000000e+00> : vector<1000xf32>
    %reduce_sum3A_40 = vector.multi_reduction <add>, %mul3A_38, %reduce_sum3A_39 [1] : vector<1000x256xf32> to vector<1000xf32>
    %broadcast_in_dim3A_41 = vector.shape_cast %reduce_sum3A_40 : vector<1000xf32> to vector<1000x1xf32>
    %div3A_42 = arith.constant 2.560000e+02 : f32
    %div3A_43 = vector.broadcast %div3A_42 : f32 to vector<1000x1xf32>
    %div3A_44 = arith.divf %broadcast_in_dim3A_41, %div3A_43 : vector<1000x1xf32>
    %sub3A_45 = vector.broadcast %div3A_34 : vector<1000x1xf32> to vector<1000x256xf32>
    %sub3A_46 = arith.subf %max3A_31, %sub3A_45 : vector<1000x256xf32>
    %add3A_47 = arith.constant 9.99999974E-6 : f32
    %add3A_48 = vector.broadcast %add3A_47 : f32 to vector<1000x1xf32>
    %add3A_49 = arith.addf %div3A_44, %add3A_48 : vector<1000x1xf32>
    %rsqrt3A_50 = math.rsqrt %add3A_49 : vector<1000x1xf32>
    %mul3A_51 = vector.broadcast %rsqrt3A_50 : vector<1000x1xf32> to vector<1000x256xf32>
    %mul3A_52 = arith.mulf %sub3A_46, %mul3A_51 : vector<1000x256xf32>
    %mul3A_53 = vector.broadcast %get3A_21 : vector<1x256xf32> to vector<1000x256xf32>
    %mul3A_54 = arith.mulf %mul3A_52, %mul3A_53 : vector<1000x256xf32>
    %add3A_55 = vector.broadcast %get3A_24 : vector<1x256xf32> to vector<1000x256xf32>
    %add3A_56 = arith.addf %mul3A_54, %add3A_55 : vector<1000x256xf32>
    %eq3A = arith.constant 0 : i32
    %eq3A_57 = arith.cmpi eq, %arg0, %eq3A : i32
    %convert_element_type3A = arith.extui %eq3A_57 : i1 to i32
    %cond3A = arith.constant 0 : i32
    %cond3A_58 = arith.cmpi ne, %convert_element_type3A, %cond3A : i32
    scf.if %cond3A_58 {
      %broadcast_in_dim3A_271 = arith.constant 0.000000e+00 : f32
      %broadcast_in_dim3A_272 = vector.broadcast %broadcast_in_dim3A_271 : f32 to vector<16x256xf32>
      %swap3A_273 = arith.constant 0 : index
      %swap3A_274 = arith.constant 0 : index
      %swap3A_275 = vector.load %arg15[%swap3A_273, %swap3A_274] : memref<16x256xf32, #tpu.memory_space<vmem>>, vector<16x256xf32>
      tpu.vector_store %arg15[%swap3A_273, %swap3A_274], %broadcast_in_dim3A_272 {strides = array<i32>} : memref<16x256xf32, #tpu.memory_space<vmem>>, vector<16x256xf32>,
      %broadcast_in_dim3A_276 = arith.constant 0.000000e+00 : f32
      %broadcast_in_dim3A_277 = vector.broadcast %broadcast_in_dim3A_276 : f32 to vector<16x256xf32>
      %swap3A_278 = arith.constant 0 : index
      %swap3A_279 = arith.constant 0 : index
      %swap3A_280 = vector.load %arg16[%swap3A_278, %swap3A_279] : memref<16x256xf32, #tpu.memory_space<vmem>>, vector<16x256xf32>
      tpu.vector_store %arg16[%swap3A_278, %swap3A_279], %broadcast_in_dim3A_277 {strides = array<i32>} : memref<16x256xf32, #tpu.memory_space<vmem>>, vector<16x256xf32>,
      %broadcast_in_dim3A_281 = arith.constant 0xFF800000 : f32
      %broadcast_in_dim3A_282 = vector.broadcast %broadcast_in_dim3A_281 : f32 to vector<16x256xf32>
      %swap3A_283 = arith.constant 0 : index
      %swap3A_284 = arith.constant 0 : index
      %swap3A_285 = vector.load %arg17[%swap3A_283, %swap3A_284] : memref<16x256xf32, #tpu.memory_space<vmem>>, vector<16x256xf32>
      tpu.vector_store %arg17[%swap3A_283, %swap3A_284], %broadcast_in_dim3A_282 {strides = array<i32>} : memref<16x256xf32, #tpu.memory_space<vmem>>, vector<16x256xf32>,
    } else {
    }
    %get3A_59 = arith.constant 0 : index
    %get3A_60 = arith.constant 0 : index
    %get3A_61 = vector.load %arg9[%get3A_59, %get3A_60] : memref<1000x1xi32, #tpu.memory_space<vmem>>, vector<1000x1xi32>
    %iota3A = tpu.iota {dimensions = array<i32: 1>} : vector<1x16xi32>
    %eq3A_62 = vector.broadcast %get3A_61 : vector<1000x1xi32> to vector<1000x16xi32>
    %eq3A_63 = vector.broadcast %iota3A : vector<1x16xi32> to vector<1000x16xi32>
    %eq3A_64 = arith.cmpi eq, %eq3A_62, %eq3A_63 : vector<1000x16xi32>
    %convert_element_type3A_65 = arith.extui %eq3A_64 : vector<1000x16xi1> to vector<1000x16xi32>
    %convert_element_type3A_66 = arith.sitofp %convert_element_type3A_65 : vector<1000x16xi32> to vector<1000x16xf32>
    %get3A_67 = arith.constant 0 : index
    %get3A_68 = arith.constant 0 : index
    %get3A_69 = vector.load %arg15[%get3A_67, %get3A_68] : memref<16x256xf32, #tpu.memory_space<vmem>>, vector<16x256xf32>
    %dot_general3A = arith.constant dense<0.000000e+00> : vector<16x256xf32>
    %dot_general3A_70 = tpu.matmul %convert_element_type3A_66, %add3A_56, %dot_general3A {dimension_numbers = #tpu.dot_dimension_numbers<[0], [0], [1], [1], [0, 1, 1, 1], [], []>, transpose_lhs_hint = false} : vector<1000x16xf32>, vector<1000x256xf32>, vector<16x256xf32> -> vector<16x256xf32>
    %add3A_71 = arith.addf %get3A_69, %dot_general3A_70 : vector<16x256xf32>
    %swap3A = arith.constant 0 : index
    %swap3A_72 = arith.constant 0 : index
    %swap3A_73 = vector.load %arg15[%swap3A, %swap3A_72] : memref<16x256xf32, #tpu.memory_space<vmem>>, vector<16x256xf32>
    tpu.vector_store %arg15[%swap3A, %swap3A_72], %add3A_71 {strides = array<i32>} : memref<16x256xf32, #tpu.memory_space<vmem>>, vector<16x256xf32>,
    %get3A_74 = arith.constant 0 : index
    %get3A_75 = arith.constant 0 : index
    %get3A_76 = vector.load %arg16[%get3A_74, %get3A_75] : memref<16x256xf32, #tpu.memory_space<vmem>>, vector<16x256xf32>
    %broadcast_in_dim3A_77 = arith.constant 1.000000e+00 : f32
    %broadcast_in_dim3A_78 = vector.broadcast %broadcast_in_dim3A_77 : f32 to vector<1000x256xf32>
    %dot_general3A_79 = arith.constant dense<0.000000e+00> : vector<16x256xf32>
    %dot_general3A_80 = tpu.matmul %convert_element_type3A_66, %broadcast_in_dim3A_78, %dot_general3A_79 {dimension_numbers = #tpu.dot_dimension_numbers<[0], [0], [1], [1], [0, 1, 1, 1], [], []>, transpose_lhs_hint = false} : vector<1000x16xf32>, vector<1000x256xf32>, vector<16x256xf32> -> vector<16x256xf32>
    %add3A_81 = arith.addf %get3A_76, %dot_general3A_80 : vector<16x256xf32>
    %swap3A_82 = arith.constant 0 : index
    %swap3A_83 = arith.constant 0 : index
    %swap3A_84 = vector.load %arg16[%swap3A_82, %swap3A_83] : memref<16x256xf32, #tpu.memory_space<vmem>>, vector<16x256xf32>
    tpu.vector_store %arg16[%swap3A_82, %swap3A_83], %add3A_81 {strides = array<i32>} : memref<16x256xf32, #tpu.memory_space<vmem>>, vector<16x256xf32>,
    %eq3A_85 = arith.constant 0 : i32
    %eq3A_86 = vector.broadcast %eq3A_85 : i32 to vector<1000x1xi32>
    %eq3A_87 = arith.cmpi eq, %get3A_61, %eq3A_86 : vector<1000x1xi32>
    %jit3A = arith.constant 0xFF800000 : f32
    %broadcast_in_dim3A_88 = vector.shape_cast %eq3A_87 : vector<1000x1xi1> to vector<1000x1xi1>
    %broadcast_in_dim3A_89 = vector.broadcast %broadcast_in_dim3A_88 : vector<1000x1xi1> to vector<1000x256xi1>
    %broadcast_in_dim3A_90 = vector.broadcast %jit3A : f32 to vector<1000x256xf32>
    %select_n3A = arith.select %broadcast_in_dim3A_89, %add3A_56, %broadcast_in_dim3A_90 : vector<1000x256xi1>, vector<1000x256xf32>
    %reduce_max3A = arith.constant dense<0xFF800000> : vector<256xf32>
    %reduce_max3A_91 = vector.multi_reduction <maximumf>, %select_n3A, %reduce_max3A [0] : vector<1000x256xf32> to vector<256xf32>
    %broadcast_in_dim3A_92 = vector.shape_cast %reduce_max3A_91 : vector<256xf32> to vector<1x256xf32>
    %eq3A_93 = arith.constant 1 : i32
    %eq3A_94 = vector.broadcast %eq3A_93 : i32 to vector<1000x1xi32>
    %eq3A_95 = arith.cmpi eq, %get3A_61, %eq3A_94 : vector<1000x1xi32>
    %jit3A_96 = arith.constant 0xFF800000 : f32
    %broadcast_in_dim3A_97 = vector.shape_cast %eq3A_95 : vector<1000x1xi1> to vector<1000x1xi1>
    %broadcast_in_dim3A_98 = vector.broadcast %broadcast_in_dim3A_97 : vector<1000x1xi1> to vector<1000x256xi1>
    %broadcast_in_dim3A_99 = vector.broadcast %jit3A_96 : f32 to vector<1000x256xf32>
    %select_n3A_100 = arith.select %broadcast_in_dim3A_98, %add3A_56, %broadcast_in_dim3A_99 : vector<1000x256xi1>, vector<1000x256xf32>
    %reduce_max3A_101 = arith.constant dense<0xFF800000> : vector<256xf32>
    %reduce_max3A_102 = vector.multi_reduction <maximumf>, %select_n3A_100, %reduce_max3A_101 [0] : vector<1000x256xf32> to vector<256xf32>
    %broadcast_in_dim3A_103 = vector.shape_cast %reduce_max3A_102 : vector<256xf32> to vector<1x256xf32>
    %eq3A_104 = arith.constant 2 : i32
    %eq3A_105 = vector.broadcast %eq3A_104 : i32 to vector<1000x1xi32>
    %eq3A_106 = arith.cmpi eq, %get3A_61, %eq3A_105 : vector<1000x1xi32>
    %jit3A_107 = arith.constant 0xFF800000 : f32
    %broadcast_in_dim3A_108 = vector.shape_cast %eq3A_106 : vector<1000x1xi1> to vector<1000x1xi1>
    %broadcast_in_dim3A_109 = vector.broadcast %broadcast_in_dim3A_108 : vector<1000x1xi1> to vector<1000x256xi1>
    %broadcast_in_dim3A_110 = vector.broadcast %jit3A_107 : f32 to vector<1000x256xf32>
    %select_n3A_111 = arith.select %broadcast_in_dim3A_109, %add3A_56, %broadcast_in_dim3A_110 : vector<1000x256xi1>, vector<1000x256xf32>
    %reduce_max3A_112 = arith.constant dense<0xFF800000> : vector<256xf32>
    %reduce_max3A_113 = vector.multi_reduction <maximumf>, %select_n3A_111, %reduce_max3A_112 [0] : vector<1000x256xf32> to vector<256xf32>
    %broadcast_in_dim3A_114 = vector.shape_cast %reduce_max3A_113 : vector<256xf32> to vector<1x256xf32>
    %eq3A_115 = arith.constant 3 : i32
    %eq3A_116 = vector.broadcast %eq3A_115 : i32 to vector<1000x1xi32>
    %eq3A_117 = arith.cmpi eq, %get3A_61, %eq3A_116 : vector<1000x1xi32>
    %jit3A_118 = arith.constant 0xFF800000 : f32
    %broadcast_in_dim3A_119 = vector.shape_cast %eq3A_117 : vector<1000x1xi1> to vector<1000x1xi1>
    %broadcast_in_dim3A_120 = vector.broadcast %broadcast_in_dim3A_119 : vector<1000x1xi1> to vector<1000x256xi1>
    %broadcast_in_dim3A_121 = vector.broadcast %jit3A_118 : f32 to vector<1000x256xf32>
    %select_n3A_122 = arith.select %broadcast_in_dim3A_120, %add3A_56, %broadcast_in_dim3A_121 : vector<1000x256xi1>, vector<1000x256xf32>
    %reduce_max3A_123 = arith.constant dense<0xFF800000> : vector<256xf32>
    %reduce_max3A_124 = vector.multi_reduction <maximumf>, %select_n3A_122, %reduce_max3A_123 [0] : vector<1000x256xf32> to vector<256xf32>
    %broadcast_in_dim3A_125 = vector.shape_cast %reduce_max3A_124 : vector<256xf32> to vector<1x256xf32>
    %eq3A_126 = arith.constant 4 : i32
    %eq3A_127 = vector.broadcast %eq3A_126 : i32 to vector<1000x1xi32>
    %eq3A_128 = arith.cmpi eq, %get3A_61, %eq3A_127 : vector<1000x1xi32>
    %jit3A_129 = arith.constant 0xFF800000 : f32
    %broadcast_in_dim3A_130 = vector.shape_cast %eq3A_128 : vector<1000x1xi1> to vector<1000x1xi1>
    %broadcast_in_dim3A_131 = vector.broadcast %broadcast_in_dim3A_130 : vector<1000x1xi1> to vector<1000x256xi1>
    %broadcast_in_dim3A_132 = vector.broadcast %jit3A_129 : f32 to vector<1000x256xf32>
    %select_n3A_133 = arith.select %broadcast_in_dim3A_131, %add3A_56, %broadcast_in_dim3A_132 : vector<1000x256xi1>, vector<1000x256xf32>
    %reduce_max3A_134 = arith.constant dense<0xFF800000> : vector<256xf32>
    %reduce_max3A_135 = vector.multi_reduction <maximumf>, %select_n3A_133, %reduce_max3A_134 [0] : vector<1000x256xf32> to vector<256xf32>
    %broadcast_in_dim3A_136 = vector.shape_cast %reduce_max3A_135 : vector<256xf32> to vector<1x256xf32>
    %eq3A_137 = arith.constant 5 : i32
    %eq3A_138 = vector.broadcast %eq3A_137 : i32 to vector<1000x1xi32>
    %eq3A_139 = arith.cmpi eq, %get3A_61, %eq3A_138 : vector<1000x1xi32>
    %jit3A_140 = arith.constant 0xFF800000 : f32
    %broadcast_in_dim3A_141 = vector.shape_cast %eq3A_139 : vector<1000x1xi1> to vector<1000x1xi1>
    %broadcast_in_dim3A_142 = vector.broadcast %broadcast_in_dim3A_141 : vector<1000x1xi1> to vector<1000x256xi1>
    %broadcast_in_dim3A_143 = vector.broadcast %jit3A_140 : f32 to vector<1000x256xf32>
    %select_n3A_144 = arith.select %broadcast_in_dim3A_142, %add3A_56, %broadcast_in_dim3A_143 : vector<1000x256xi1>, vector<1000x256xf32>
    %reduce_max3A_145 = arith.constant dense<0xFF800000> : vector<256xf32>
    %reduce_max3A_146 = vector.multi_reduction <maximumf>, %select_n3A_144, %reduce_max3A_145 [0] : vector<1000x256xf32> to vector<256xf32>
    %broadcast_in_dim3A_147 = vector.shape_cast %reduce_max3A_146 : vector<256xf32> to vector<1x256xf32>
    %eq3A_148 = arith.constant 6 : i32
    %eq3A_149 = vector.broadcast %eq3A_148 : i32 to vector<1000x1xi32>
    %eq3A_150 = arith.cmpi eq, %get3A_61, %eq3A_149 : vector<1000x1xi32>
    %jit3A_151 = arith.constant 0xFF800000 : f32
    %broadcast_in_dim3A_152 = vector.shape_cast %eq3A_150 : vector<1000x1xi1> to vector<1000x1xi1>
    %broadcast_in_dim3A_153 = vector.broadcast %broadcast_in_dim3A_152 : vector<1000x1xi1> to vector<1000x256xi1>
    %broadcast_in_dim3A_154 = vector.broadcast %jit3A_151 : f32 to vector<1000x256xf32>
    %select_n3A_155 = arith.select %broadcast_in_dim3A_153, %add3A_56, %broadcast_in_dim3A_154 : vector<1000x256xi1>, vector<1000x256xf32>
    %reduce_max3A_156 = arith.constant dense<0xFF800000> : vector<256xf32>
    %reduce_max3A_157 = vector.multi_reduction <maximumf>, %select_n3A_155, %reduce_max3A_156 [0] : vector<1000x256xf32> to vector<256xf32>
    %broadcast_in_dim3A_158 = vector.shape_cast %reduce_max3A_157 : vector<256xf32> to vector<1x256xf32>
    %eq3A_159 = arith.constant 7 : i32
    %eq3A_160 = vector.broadcast %eq3A_159 : i32 to vector<1000x1xi32>
    %eq3A_161 = arith.cmpi eq, %get3A_61, %eq3A_160 : vector<1000x1xi32>
    %jit3A_162 = arith.constant 0xFF800000 : f32
    %broadcast_in_dim3A_163 = vector.shape_cast %eq3A_161 : vector<1000x1xi1> to vector<1000x1xi1>
    %broadcast_in_dim3A_164 = vector.broadcast %broadcast_in_dim3A_163 : vector<1000x1xi1> to vector<1000x256xi1>
    %broadcast_in_dim3A_165 = vector.broadcast %jit3A_162 : f32 to vector<1000x256xf32>
    %select_n3A_166 = arith.select %broadcast_in_dim3A_164, %add3A_56, %broadcast_in_dim3A_165 : vector<1000x256xi1>, vector<1000x256xf32>
    %reduce_max3A_167 = arith.constant dense<0xFF800000> : vector<256xf32>
    %reduce_max3A_168 = vector.multi_reduction <maximumf>, %select_n3A_166, %reduce_max3A_167 [0] : vector<1000x256xf32> to vector<256xf32>
    %broadcast_in_dim3A_169 = vector.shape_cast %reduce_max3A_168 : vector<256xf32> to vector<1x256xf32>
    %eq3A_170 = arith.constant 8 : i32
    %eq3A_171 = vector.broadcast %eq3A_170 : i32 to vector<1000x1xi32>
    %eq3A_172 = arith.cmpi eq, %get3A_61, %eq3A_171 : vector<1000x1xi32>
    %jit3A_173 = arith.constant 0xFF800000 : f32
    %broadcast_in_dim3A_174 = vector.shape_cast %eq3A_172 : vector<1000x1xi1> to vector<1000x1xi1>
    %broadcast_in_dim3A_175 = vector.broadcast %broadcast_in_dim3A_174 : vector<1000x1xi1> to vector<1000x256xi1>
    %broadcast_in_dim3A_176 = vector.broadcast %jit3A_173 : f32 to vector<1000x256xf32>
    %select_n3A_177 = arith.select %broadcast_in_dim3A_175, %add3A_56, %broadcast_in_dim3A_176 : vector<1000x256xi1>, vector<1000x256xf32>
    %reduce_max3A_178 = arith.constant dense<0xFF800000> : vector<256xf32>
    %reduce_max3A_179 = vector.multi_reduction <maximumf>, %select_n3A_177, %reduce_max3A_178 [0] : vector<1000x256xf32> to vector<256xf32>
    %broadcast_in_dim3A_180 = vector.shape_cast %reduce_max3A_179 : vector<256xf32> to vector<1x256xf32>
    %eq3A_181 = arith.constant 9 : i32
    %eq3A_182 = vector.broadcast %eq3A_181 : i32 to vector<1000x1xi32>
    %eq3A_183 = arith.cmpi eq, %get3A_61, %eq3A_182 : vector<1000x1xi32>
    %jit3A_184 = arith.constant 0xFF800000 : f32
    %broadcast_in_dim3A_185 = vector.shape_cast %eq3A_183 : vector<1000x1xi1> to vector<1000x1xi1>
    %broadcast_in_dim3A_186 = vector.broadcast %broadcast_in_dim3A_185 : vector<1000x1xi1> to vector<1000x256xi1>
    %broadcast_in_dim3A_187 = vector.broadcast %jit3A_184 : f32 to vector<1000x256xf32>
    %select_n3A_188 = arith.select %broadcast_in_dim3A_186, %add3A_56, %broadcast_in_dim3A_187 : vector<1000x256xi1>, vector<1000x256xf32>
    %reduce_max3A_189 = arith.constant dense<0xFF800000> : vector<256xf32>
    %reduce_max3A_190 = vector.multi_reduction <maximumf>, %select_n3A_188, %reduce_max3A_189 [0] : vector<1000x256xf32> to vector<256xf32>
    %broadcast_in_dim3A_191 = vector.shape_cast %reduce_max3A_190 : vector<256xf32> to vector<1x256xf32>
    %eq3A_192 = arith.constant 10 : i32
    %eq3A_193 = vector.broadcast %eq3A_192 : i32 to vector<1000x1xi32>
    %eq3A_194 = arith.cmpi eq, %get3A_61, %eq3A_193 : vector<1000x1xi32>
    %jit3A_195 = arith.constant 0xFF800000 : f32
    %broadcast_in_dim3A_196 = vector.shape_cast %eq3A_194 : vector<1000x1xi1> to vector<1000x1xi1>
    %broadcast_in_dim3A_197 = vector.broadcast %broadcast_in_dim3A_196 : vector<1000x1xi1> to vector<1000x256xi1>
    %broadcast_in_dim3A_198 = vector.broadcast %jit3A_195 : f32 to vector<1000x256xf32>
    %select_n3A_199 = arith.select %broadcast_in_dim3A_197, %add3A_56, %broadcast_in_dim3A_198 : vector<1000x256xi1>, vector<1000x256xf32>
    %reduce_max3A_200 = arith.constant dense<0xFF800000> : vector<256xf32>
    %reduce_max3A_201 = vector.multi_reduction <maximumf>, %select_n3A_199, %reduce_max3A_200 [0] : vector<1000x256xf32> to vector<256xf32>
    %broadcast_in_dim3A_202 = vector.shape_cast %reduce_max3A_201 : vector<256xf32> to vector<1x256xf32>
    %eq3A_203 = arith.constant 11 : i32
    %eq3A_204 = vector.broadcast %eq3A_203 : i32 to vector<1000x1xi32>
    %eq3A_205 = arith.cmpi eq, %get3A_61, %eq3A_204 : vector<1000x1xi32>
    %jit3A_206 = arith.constant 0xFF800000 : f32
    %broadcast_in_dim3A_207 = vector.shape_cast %eq3A_205 : vector<1000x1xi1> to vector<1000x1xi1>
    %broadcast_in_dim3A_208 = vector.broadcast %broadcast_in_dim3A_207 : vector<1000x1xi1> to vector<1000x256xi1>
    %broadcast_in_dim3A_209 = vector.broadcast %jit3A_206 : f32 to vector<1000x256xf32>
    %select_n3A_210 = arith.select %broadcast_in_dim3A_208, %add3A_56, %broadcast_in_dim3A_209 : vector<1000x256xi1>, vector<1000x256xf32>
    %reduce_max3A_211 = arith.constant dense<0xFF800000> : vector<256xf32>
    %reduce_max3A_212 = vector.multi_reduction <maximumf>, %select_n3A_210, %reduce_max3A_211 [0] : vector<1000x256xf32> to vector<256xf32>
    %broadcast_in_dim3A_213 = vector.shape_cast %reduce_max3A_212 : vector<256xf32> to vector<1x256xf32>
    %eq3A_214 = arith.constant 12 : i32
    %eq3A_215 = vector.broadcast %eq3A_214 : i32 to vector<1000x1xi32>
    %eq3A_216 = arith.cmpi eq, %get3A_61, %eq3A_215 : vector<1000x1xi32>
    %jit3A_217 = arith.constant 0xFF800000 : f32
    %broadcast_in_dim3A_218 = vector.shape_cast %eq3A_216 : vector<1000x1xi1> to vector<1000x1xi1>
    %broadcast_in_dim3A_219 = vector.broadcast %broadcast_in_dim3A_218 : vector<1000x1xi1> to vector<1000x256xi1>
    %broadcast_in_dim3A_220 = vector.broadcast %jit3A_217 : f32 to vector<1000x256xf32>
    %select_n3A_221 = arith.select %broadcast_in_dim3A_219, %add3A_56, %broadcast_in_dim3A_220 : vector<1000x256xi1>, vector<1000x256xf32>
    %reduce_max3A_222 = arith.constant dense<0xFF800000> : vector<256xf32>
    %reduce_max3A_223 = vector.multi_reduction <maximumf>, %select_n3A_221, %reduce_max3A_222 [0] : vector<1000x256xf32> to vector<256xf32>
    %broadcast_in_dim3A_224 = vector.shape_cast %reduce_max3A_223 : vector<256xf32> to vector<1x256xf32>
    %eq3A_225 = arith.constant 13 : i32
    %eq3A_226 = vector.broadcast %eq3A_225 : i32 to vector<1000x1xi32>
    %eq3A_227 = arith.cmpi eq, %get3A_61, %eq3A_226 : vector<1000x1xi32>
    %jit3A_228 = arith.constant 0xFF800000 : f32
    %broadcast_in_dim3A_229 = vector.shape_cast %eq3A_227 : vector<1000x1xi1> to vector<1000x1xi1>
    %broadcast_in_dim3A_230 = vector.broadcast %broadcast_in_dim3A_229 : vector<1000x1xi1> to vector<1000x256xi1>
    %broadcast_in_dim3A_231 = vector.broadcast %jit3A_228 : f32 to vector<1000x256xf32>
    %select_n3A_232 = arith.select %broadcast_in_dim3A_230, %add3A_56, %broadcast_in_dim3A_231 : vector<1000x256xi1>, vector<1000x256xf32>
    %reduce_max3A_233 = arith.constant dense<0xFF800000> : vector<256xf32>
    %reduce_max3A_234 = vector.multi_reduction <maximumf>, %select_n3A_232, %reduce_max3A_233 [0] : vector<1000x256xf32> to vector<256xf32>
    %broadcast_in_dim3A_235 = vector.shape_cast %reduce_max3A_234 : vector<256xf32> to vector<1x256xf32>
    %eq3A_236 = arith.constant 14 : i32
    %eq3A_237 = vector.broadcast %eq3A_236 : i32 to vector<1000x1xi32>
    %eq3A_238 = arith.cmpi eq, %get3A_61, %eq3A_237 : vector<1000x1xi32>
    %jit3A_239 = arith.constant 0xFF800000 : f32
    %broadcast_in_dim3A_240 = vector.shape_cast %eq3A_238 : vector<1000x1xi1> to vector<1000x1xi1>
    %broadcast_in_dim3A_241 = vector.broadcast %broadcast_in_dim3A_240 : vector<1000x1xi1> to vector<1000x256xi1>
    %broadcast_in_dim3A_242 = vector.broadcast %jit3A_239 : f32 to vector<1000x256xf32>
    %select_n3A_243 = arith.select %broadcast_in_dim3A_241, %add3A_56, %broadcast_in_dim3A_242 : vector<1000x256xi1>, vector<1000x256xf32>
    %reduce_max3A_244 = arith.constant dense<0xFF800000> : vector<256xf32>
    %reduce_max3A_245 = vector.multi_reduction <maximumf>, %select_n3A_243, %reduce_max3A_244 [0] : vector<1000x256xf32> to vector<256xf32>
    %broadcast_in_dim3A_246 = vector.shape_cast %reduce_max3A_245 : vector<256xf32> to vector<1x256xf32>
    %eq3A_247 = arith.constant 15 : i32
    %eq3A_248 = vector.broadcast %eq3A_247 : i32 to vector<1000x1xi32>
    %eq3A_249 = arith.cmpi eq, %get3A_61, %eq3A_248 : vector<1000x1xi32>
    %jit3A_250 = arith.constant 0xFF800000 : f32
    %broadcast_in_dim3A_251 = vector.shape_cast %eq3A_249 : vector<1000x1xi1> to vector<1000x1xi1>
    %broadcast_in_dim3A_252 = vector.broadcast %broadcast_in_dim3A_251 : vector<1000x1xi1> to vector<1000x256xi1>
    %broadcast_in_dim3A_253 = vector.broadcast %jit3A_250 : f32 to vector<1000x256xf32>
    %select_n3A_254 = arith.select %broadcast_in_dim3A_252, %add3A_56, %broadcast_in_dim3A_253 : vector<1000x256xi1>, vector<1000x256xf32>
    %reduce_max3A_255 = arith.constant dense<0xFF800000> : vector<256xf32>
    %reduce_max3A_256 = vector.multi_reduction <maximumf>, %select_n3A_254, %reduce_max3A_255 [0] : vector<1000x256xf32> to vector<256xf32>
    %broadcast_in_dim3A_257 = vector.shape_cast %reduce_max3A_256 : vector<256xf32> to vector<1x256xf32>
    %get3A_258 = arith.constant 0 : index
    %get3A_259 = arith.constant 0 : index
    %get3A_260 = vector.load %arg17[%get3A_258, %get3A_259] : memref<16x256xf32, #tpu.memory_space<vmem>>, vector<16x256xf32>
    %concatenate3A_261 = tpu.concatenate %broadcast_in_dim3A_92, %broadcast_in_dim3A_103, %broadcast_in_dim3A_114, %broadcast_in_dim3A_125, %broadcast_in_dim3A_136, %broadcast_in_dim3A_147, %broadcast_in_dim3A_158, %broadcast_in_dim3A_169, %broadcast_in_dim3A_180, %broadcast_in_dim3A_191, %broadcast_in_dim3A_202, %broadcast_in_dim3A_213, %broadcast_in_dim3A_224, %broadcast_in_dim3A_235, %broadcast_in_dim3A_246, %broadcast_in_dim3A_257 in 0 : vector<1x256xf32>, vector<1x256xf32>, vector<1x256xf32>, vector<1x256xf32>, vector<1x256xf32>, vector<1x256xf32>, vector<1x256xf32>, vector<1x256xf32>, vector<1x256xf32>, vector<1x256xf32>, vector<1x256xf32>, vector<1x256xf32>, vector<1x256xf32>, vector<1x256xf32>, vector<1x256xf32>, vector<1x256xf32> -> vector<16x256xf32>
    %max3A_262 = arith.maximumf %get3A_260, %concatenate3A_261 : vector<16x256xf32>
    %swap3A_263 = arith.constant 0 : index
    %swap3A_264 = arith.constant 0 : index
    %swap3A_265 = vector.load %arg17[%swap3A_263, %swap3A_264] : memref<16x256xf32, #tpu.memory_space<vmem>>, vector<16x256xf32>
    tpu.vector_store %arg17[%swap3A_263, %swap3A_264], %max3A_262 {strides = array<i32>} : memref<16x256xf32, #tpu.memory_space<vmem>>, vector<16x256xf32>,
    %eq3A_266 = arith.constant 9 : i32
    %eq3A_267 = arith.cmpi eq, %arg0, %eq3A_266 : i32
    %convert_element_type3A_268 = arith.extui %eq3A_267 : i1 to i32
    %cond3A_269 = arith.constant 0 : i32
    %cond3A_270 = arith.cmpi ne, %convert_element_type3A_268, %cond3A_269 : i32
    scf.if %cond3A_270 {
      %get3A_271 = arith.constant 0 : index
      %get3A_272 = arith.constant 0 : index
      %get3A_273 = vector.load %arg15[%get3A_271, %get3A_272] : memref<16x256xf32, #tpu.memory_space<vmem>>, vector<16x256xf32>
      %get3A_274 = arith.constant 0 : index
      %get3A_275 = arith.constant 0 : index
      %get3A_276 = vector.load %arg16[%get3A_274, %get3A_275] : memref<16x256xf32, #tpu.memory_space<vmem>>, vector<16x256xf32>
      %max3A_277 = arith.constant 1.000000e+00 : f32
      %max3A_278 = vector.broadcast %max3A_277 : f32 to vector<16x256xf32>
      %max3A_279 = arith.maximumf %get3A_276, %max3A_278 : vector<16x256xf32>
      %div3A_280 = arith.divf %get3A_273, %max3A_279 : vector<16x256xf32>
      %get3A_281 = arith.constant 0 : index
      %get3A_282 = arith.constant 0 : index
      %get3A_283 = vector.load %arg17[%get3A_281, %get3A_282] : memref<16x256xf32, #tpu.memory_space<vmem>>, vector<16x256xf32>
      %concatenate3A_284 = tpu.concatenate %div3A_280, %get3A_273, %get3A_283 in 1 : vector<16x256xf32>, vector<16x256xf32>, vector<16x256xf32> -> vector<16x768xf32>
      %get3A_285 = arith.constant 0 : index
      %get3A_286 = arith.constant 0 : index
      %get3A_287 = vector.load %arg10[%get3A_285, %get3A_286] : memref<768x256xf32, #tpu.memory_space<vmem>>, vector<768x256xf32>
      %dot_general3A_288 = arith.constant dense<0.000000e+00> : vector<16x256xf32>
      %dot_general3A_289 = tpu.matmul %concatenate3A_284, %get3A_287, %dot_general3A_288 {dimension_numbers = #tpu.dot_dimension_numbers<[1], [0], [0], [1], [0, 0, 1, 1], [], []>, transpose_lhs_hint = false} : vector<16x768xf32>, vector<768x256xf32>, vector<16x256xf32> -> vector<16x256xf32>
      %get3A_290 = arith.constant 0 : index
      %get3A_291 = arith.constant 0 : index
      %get3A_292 = vector.load %arg11[%get3A_290, %get3A_291] : memref<1x256xf32, #tpu.memory_space<vmem>>, vector<1x256xf32>
      %add3A_293 = vector.broadcast %get3A_292 : vector<1x256xf32> to vector<16x256xf32>
      %add3A_294 = arith.addf %dot_general3A_289, %add3A_293 : vector<16x256xf32>
      %max3A_295 = arith.constant 0.000000e+00 : f32
      %max3A_296 = vector.broadcast %max3A_295 : f32 to vector<16x256xf32>
      %max3A_297 = arith.maximumf %add3A_294, %max3A_296 : vector<16x256xf32>
      %get3A_298 = arith.constant 0 : index
      %get3A_299 = arith.constant 0 : index
      %get3A_300 = vector.load %arg12[%get3A_298, %get3A_299] : memref<256x128xf32, #tpu.memory_space<vmem>>, vector<256x128xf32>
      %dot_general3A_301 = arith.constant dense<0.000000e+00> : vector<16x128xf32>
      %dot_general3A_302 = tpu.matmul %max3A_297, %get3A_300, %dot_general3A_301 {dimension_numbers = #tpu.dot_dimension_numbers<[1], [0], [0], [1], [0, 0, 1, 1], [], []>, transpose_lhs_hint = false} : vector<16x256xf32>, vector<256x128xf32>, vector<16x128xf32> -> vector<16x128xf32>
      %get3A_303 = arith.constant 0 : index
      %get3A_304 = arith.constant 0 : index
      %get3A_305 = vector.load %arg13[%get3A_303, %get3A_304] : memref<1x128xf32, #tpu.memory_space<vmem>>, vector<1x128xf32>
      %add3A_306 = vector.broadcast %get3A_305 : vector<1x128xf32> to vector<16x128xf32>
      %add3A_307 = arith.addf %dot_general3A_302, %add3A_306 : vector<16x128xf32>
      %swap3A_308 = arith.constant 0 : index
      %swap3A_309 = arith.constant 0 : index
      %swap3A_310 = vector.load %arg14[%swap3A_308, %swap3A_309] : memref<16x128xf32, #tpu.memory_space<vmem>>, vector<16x128xf32>
      tpu.vector_store %arg14[%swap3A_308, %swap3A_309], %add3A_307 {strides = array<i32>} : memref<16x128xf32, #tpu.memory_space<vmem>>, vector<16x128xf32>,
    } else {
    }
    return
  }
  func.func @transform_0(%arg0: i32) -> (i32, i32) {
    %c0_i32 = arith.constant 0 : i32
    %c0_i32_0 = arith.constant 0 : i32
    return %arg0, %c0_i32 : i32, i32
  }
  func.func @transform_1(%arg0: i32) -> (i32, i32) {
    %c0_i32 = arith.constant 0 : i32
    %c0_i32_0 = arith.constant 0 : i32
    return %arg0, %c0_i32 : i32, i32
  }
  func.func @transform_2(%arg0: i32) -> (i32, i32) {
    %c0_i32 = arith.constant 0 : i32
    %c0_i32_0 = arith.constant 0 : i32
    return %arg0, %c0_i32 : i32, i32
  }
  func.func @transform_3(%arg0: i32) -> (i32, i32) {
    %c0_i32 = arith.constant 0 : i32
    %c0_i32_0 = arith.constant 0 : i32
    return %arg0, %c0_i32 : i32, i32
  }
  func.func @transform_4(%arg0: i32) -> (i32, i32) {
    %c0_i32 = arith.constant 0 : i32
    %c0_i32_0 = arith.constant 0 : i32
    return %arg0, %c0_i32 : i32, i32
  }
  func.func @transform_5(%arg0: i32) -> (i32, i32) {
    %c0_i32 = arith.constant 0 : i32
    %c0_i32_0 = arith.constant 0 : i32
    %c0_i32_1 = arith.constant 0 : i32
    return %c0_i32, %c0_i32_0 : i32, i32
  }
  func.func @transform_6(%arg0: i32) -> (i32, i32) {
    %c0_i32 = arith.constant 0 : i32
    %c0_i32_0 = arith.constant 0 : i32
    %c0_i32_1 = arith.constant 0 : i32
    return %c0_i32, %c0_i32_0 : i32, i32
  }
  func.func @transform_7(%arg0: i32) -> (i32, i32) {
    %c0_i32 = arith.constant 0 : i32
    %c0_i32_0 = arith.constant 0 : i32
    %c0_i32_1 = arith.constant 0 : i32
    return %c0_i32, %c0_i32_0 : i32, i32
  }
  func.func @transform_8(%arg0: i32) -> (i32, i32) {
    %c0_i32 = arith.constant 0 : i32
    %c0_i32_0 = arith.constant 0 : i32
    return %arg0, %c0_i32 : i32, i32
  }
  func.func @transform_9(%arg0: i32) -> (i32, i32) {
    %c0_i32 = arith.constant 0 : i32
    %c0_i32_0 = arith.constant 0 : i32
    %c0_i32_1 = arith.constant 0 : i32
    return %c0_i32, %c0_i32_0 : i32, i32
  }
  func.func @transform_10(%arg0: i32) -> (i32, i32) {
    %c0_i32 = arith.constant 0 : i32
    %c0_i32_0 = arith.constant 0 : i32
    %c0_i32_1 = arith.constant 0 : i32
    return %c0_i32, %c0_i32_0 : i32, i32
  }
  func.func @transform_11(%arg0: i32) -> (i32, i32) {
    %c0_i32 = arith.constant 0 : i32
    %c0_i32_0 = arith.constant 0 : i32
    %c0_i32_1 = arith.constant 0 : i32
    return %c0_i32, %c0_i32_0 : i32, i32
  }
  func.func @transform_12(%arg0: i32) -> (i32, i32) {
    %c0_i32 = arith.constant 0 : i32
    %c0_i32_0 = arith.constant 0 : i32
    %c0_i32_1 = arith.constant 0 : i32
    return %c0_i32, %c0_i32_0 : i32, i32
  }
  func.func @transform_13(%arg0: i32) -> (i32, i32) {
    %c0_i32 = arith.constant 0 : i32
    %c0_i32_0 = arith.constant 0 : i32
    %c0_i32_1 = arith.constant 0 : i32
    return %c0_i32, %c0_i32_0 : i32, i32
  }
}

</mosaic_0001>

<sc_bundles>
// kernel: kernel.11.cloned.1.call-start
scs
__scs_entry_jumppad:
0x0: {  	(pc) =	sbr.rel $0x88, $3  }
0x1: {  	(tag) =	ssettag $0x0;
	lr =	simm.s32 $0x1  }
0x2: {  	[smem:$0x3F92] =	sst lr;
	_ =	strace $0xD0000000  }
0x3: {  	_ = 	snop  }
0x4: {  	_ = 	snop  }
0x5: {  	_ = 	snop  }
0x6: {  	_ = 	snop  }
0x7: {  	_ = 	snop  }
__scs_overlays_trampoline_lowered:
0x8: {  	[smem:$0x3FA1] =	sst s0  }
0x9: {  	[smem:$0x3FA2] =	sst s1  }
0xa: {  	[smem:$0x3FA3] =	sst s2  }
0xb: {  	[smem:$0x3FA4] =	sst s3  }
0xc: {  	[smem:$0x3FA5] =	sst s4  }
0xd: {  	[smem:$0x3FA6] =	sst s5  }
0xe: {  	[smem:$0x3FA7] =	sst s6  }
0xf: {  	[smem:$0x3FA8] =	sst s7  }
0x10: {  	[smem:$0x3FA9] =	sst s8  }
0x11: {  	[smem:$0x3FAA] =	sst s9;
	s0 =	simm.s32 @!p0 $0x0  }
0x12: {  	s1 =	sld [smem:$0x3F90];
	s0 =	simm.s32 @p0 $0x1  }
0x13: {  	[smem:$0x3FAB] =	sst s0;
	s0 =	simm.s32 @!p1 $0x0  }
0x14: {  	s2 =	sld [smem:$0x3F8F];
	s0 =	simm.s32 @p1 $0x1  }
0x15: {  	[smem:$0x3FAC] =	sst s0;
	s0 =	simm.s32 @!p2 $0x0  }
0x16: {  	s3 =	sld [smem:$0x3FDB];
	s0 =	simm.s32 @p2 $0x1  }
0x17: {  	s4 =	simm.s32 $0x1BF5;
	[smem:$0x3FAE] =	sst s0  }
0x18: {  	s0 =	sld [smem:$0x3F91];
	_ =	swait.ge [sflag:s4], $0x0  }
0x19: {  	s7 =	sld [smem:$0x3F92]  }
0x1a: {  	s8 =	sadd.s32 $0xFFFFE003, lr  }
0x1b: {  	s9 =	sadd.s32 $0xFFFFFEF7, lr;
	s5 =	simm.s32 $0xFFFFFFFF;
	p2 =	slt.u32 s8, $0xFFFFF086  }
0x1c: {  	p1 =	slt.u32 s9, $0xF7A;
	s5 =	simm.s32 @!p2 $0x0  }
0x1d: {  	s5 =	simm.s32 @p1 $0x1;
	p0 =	seq.s32 s7, s2  }
0x1e: {  	s7 =	smul.u32 @!p0 $0xF7A, s2;
	p2 =	seq.s32 @!p0 s5, $0x0  }
0x1f: {  	s9 =	smul.u32 $0xF7A, s1;
	s8 =	simm.s32 @!p0 $0x1BF5;
	p2 =	por !p2, p0  }
0x20: {  	[sflag:s8] =	ssyncset.s32 @!p0 $0xFFFFF086;
	s6 =	sadd.s32 @!p0 s3, s7;
	s7 =	simm.s32 @!p0 $0x108  }
0x21: {  	s3 =	sadd.s32 s3, s9;
	s6 =	sadd.s32 @!p0 $0x88, s6;
	s7 =	simm.s32 @p2 $0x1082  }
0x22: {  	[simem:s7], [sflag:s8] =	dma.local @!p0 [hbm:s6], $0xF7A  }
0x23: {  	s9 =	sor.u32 $0xD0000000, s2;
	s6 =	simm.s32 $0x108;
	_ =	swait.ge @!p0 [sflag:s8], $0x0  }
0x24: {  	s3 =	sadd.s32 $0x88, s3;
	s6 =	simm.s32 @!p1 $0x1082;
	[sflag:s4] =	ssyncset.s32 $0xFFFFF086  }
0x25: {  	[simem:s6], [sflag:s4] =	dma.local [hbm:s3], $0xF7A  }
0x26: {  	[smem:$0x3F92] =	sst s1;
	(tag) =	ssettag s2;
	_ =	strace s9  }
0x27: {  	s1 =	sld [smem:$0x3FA2]  }
0x28: {  	s2 =	sld [smem:$0x3FA3]  }
0x29: {  	s4 =	sld [smem:$0x3FA5]  }
0x2a: {  	p0 =	seq.s32 s5, $0x0;
	s5 =	sld [smem:$0x3FA6]  }
0x2b: {  	s6 =	sld [smem:$0x3FA7]  }
0x2c: {  	s7 =	sld [smem:$0x3FA8]  }
0x2d: {  	s3 =	simm.s32 $0x108;
	s8 =	sld [smem:$0x3FA9]  }
0x2e: {  	s3 =	simm.s32 @!p0 $0x1082;
	s9 =	sld [smem:$0x3FAA]  }
0x2f: {  	lr =	sadd.s32 s0, s3;
	s0 =	sld [smem:$0x3FA1]  }
0x30: {  	s3 =	sld [smem:$0x3FA4]  }
0x31: {  	[smem:$0x3FAD] =	sst s10  }
0x32: {  	s10 =	sld [smem:$0x3FAB];
	_ =	sdelay $0x3  }
0x33: {  	p0 =	seq.s32 s10, $0x1;
	s10 =	sld [smem:$0x3FAD];
	_ =	sdelay $0x3  }
0x34: {  	[smem:$0x3FAD] =	sst s10  }
0x35: {  	s10 =	sld [smem:$0x3FAC];
	_ =	sdelay $0x3  }
0x36: {  	p1 =	seq.s32 s10, $0x1;
	s10 =	sld [smem:$0x3FAD];
	_ =	sdelay $0x3  }
0x37: {  	[smem:$0x3FAD] =	sst s10  }
0x38: {  	s10 =	sld [smem:$0x3FAE]  }
0x39: {  	_ = 	snop;
	(pc) =	sbr.ind lr, $3  }
0x3a: {  	_ = 	snop  }
0x3b: {  	_ = 	snop  }
0x3c: {  	p2 =	seq.s32 s10, $0x1;
	s10 =	sld [smem:$0x3FAD]  }
0x3d: {  	_ =	shalt  }
0x3e: {  	_ =	shalt  }
0x3f: {  	_ =	shalt  }
0x40: {  	_ =	shalt  }
0x41: {  	_ =	shalt  }
0x42: {  	_ =	shalt  }
0x43: {  	_ =	shalt  }
0x44: {  	_ =	shalt  }
0x45: {  	_ =	shalt  }
0x46: {  	_ =	shalt  }
0x47: {  	_ =	shalt  }
0x48: {  	_ =	shalt  }
0x49: {  	_ =	shalt  }
0x4a: {  	_ =	shalt  }
0x4b: {  	_ =	shalt  }
0x4c: {  	_ =	shalt  }
0x4d: {  	_ =	shalt  }
0x4e: {  	_ =	shalt  }
0x4f: {  	_ =	shalt  }
0x50: {  	_ =	shalt  }
0x51: {  	_ =	shalt  }
0x52: {  	_ =	shalt  }
0x53: {  	_ =	shalt  }
0x54: {  	_ =	shalt  }
0x55: {  	_ =	shalt  }
0x56: {  	_ =	shalt  }
0x57: {  	_ =	shalt  }
0x58: {  	_ =	shalt  }
0x59: {  	_ =	shalt  }
0x5a: {  	_ =	shalt  }
0x5b: {  	_ =	shalt  }
0x5c: {  	_ =	shalt  }
0x5d: {  	_ =	shalt  }
0x5e: {  	_ =	shalt  }
0x5f: {  	_ =	shalt  }
0x60: {  	_ =	shalt  }
0x61: {  	_ =	shalt  }
0x62: {  	_ =	shalt  }
0x63: {  	_ =	shalt  }
0x64: {  	_ =	shalt  }
0x65: {  	_ =	shalt  }
0x66: {  	_ =	shalt  }
0x67: {  	_ =	shalt  }
0x68: {  	_ =	shalt  }
0x69: {  	_ =	shalt  }
0x6a: {  	_ =	shalt  }
0x6b: {  	_ =	shalt  }
0x6c: {  	_ =	shalt  }
0x6d: {  	_ =	shalt  }
0x6e: {  	_ =	shalt  }
0x6f: {  	_ =	shalt  }
0x70: {  	_ =	shalt  }
0x71: {  	_ =	shalt  }
0x72: {  	_ =	shalt  }
0x73: {  	_ =	shalt  }
0x74: {  	_ =	shalt  }
0x75: {  	_ =	shalt  }
0x76: {  	_ =	shalt  }
0x77: {  	_ =	shalt  }
0x78: {  	_ =	shalt  }
0x79: {  	_ =	shalt  }
0x7a: {  	_ =	shalt  }
0x7b: {  	_ =	shalt  }
0x7c: {  	_ =	shalt  }
0x7d: {  	_ =	shalt  }
0x7e: {  	_ =	shalt  }
0x7f: {  	_ =	shalt  }
0x80: {  	_ =	shalt  }
0x81: {  	_ =	shalt  }
0x82: {  	_ =	shalt  }
0x83: {  	_ =	shalt  }
0x84: {  	_ =	shalt  }
0x85: {  	_ =	shalt  }
0x86: {  	_ =	shalt  }
0x87: {  	_ =	shalt  }
.Lfunc_end0:
.L_simem_size_0:
called_computation.1_lowered:
.L_overlay_start_0:
0x88: {  	s2 =	sld [smem:$0x3FD9]  }
0x89: {  	s3 =	sld [smem:$0x3FFE];
	_ =	sdelay $0x1  }
0x8a: {  	s1 =	srdreg.scid  }
0x8b: {  	s0 =	sand.u32 $0x1, s1  }
0x8c: {  	s16 =	sshll.u32 s0, $0xA;
	s2 =	sadd.s32 s3, s2  }
0x8d: {  	s2 =	sadd.s32 s2, s16  }
0x8e: {  	[smem:$0x3FB9] =	sst s2  }
0x8f: {  	_ = 	snop  }
0x90: {  	(tm) =	ssettm $0x1  }
0x91: {  	s17 =	sld [smem:$0x3FFB];
	_ =	sdelay $0x3  }
0x92: {  	_ =	strace s17  }
0x93: {  	s2 =	sld [smem:$0x3FFC];
	_ =	sdelay $0x3  }
0x94: {  	_ =	strace s2  }
0x95: {  	s2 =	sld [smem:$0x3FFD];
	_ =	sdelay $0x3  }
0x96: {  	_ =	strace s2  }
0x97: {  	_ =	strace $0x8FFFFFFF  }
0x98: {  	s18 =	sld [smem:$0x3FDB];
	_ =	sdelay $0x1  }
0x99: {  	s19 =	simm.s32 $_scs_section_size  }
0x9a: {  	s4 =	simm.s32 $_size__tile_overlayer_lowered;
	s5 =	simm.s32 $_tile_overlayer_lowered  }
0x9b: {  	s22 =	simm.s32 $0x1BFF;
	s21 =	sshll.u32 s5, $0x1;
	s2 =	sadd.s32 s19, s18  }
0x9c: {  	s6 =	simm.s32 $0x0;
	s20 =	sshll.u32 s4, $0x1;
	s4 =	sadd.s32 s21, s2  }
0x9d: {  	[timem:s6], [sflag:s22] =	dma.local [hbm:s4], s20  }
0x9e: {  	_ =	swait.ge [sflag:s22], s20  }
0x9f: {  	s3 =	ssub.s32 $0x0, s20;
	[sflag:s22] =	ssyncset.done $0x0  }
0xa0: {  	[sflag:s22] =	ssyncadd.s32 s3;
	_ =	sdelay $0x1  }
0xa1: {  	s23 =	simm.s32 $0x1B8B  }
0xa2: {  	_ =	swait.ge [sflag:s23], $0x1  }
0xa3: {  	[sflag:s23] =	ssyncset.done $0x0  }
0xa4: {  	s25 =	simm.s32 $0x1B8E;
	s24 =	sld [smem:$0x3FFE];
	[sflag:s23] =	ssyncadd.s32 $0xFFFFFFFF  }
0xa5: {  	s26 =	simm.s32 $execute0_lowered;
	[smem:$0x3FD2] =	sst s25  }
0xa6: {  	s4 =	sshll.u32 s26, $0x1;
	_ =	strace $0x80000049;
	[dreg:$0x1] =	wrdreg $0xFFFFFFFF  }
0xa7: {  	s28 =	simm.s32 $_size_execute0_lowered;
	s2 =	sadd.s32 s2, s4;
	[dreg:$0x0] =	wrdreg $0x0  }
0xa8: {  	s4 =	sshll.u32 s28, $0x1;
	[dreg:$0x2] =	wrdreg s2  }
0xa9: {  	[dreg:$0x3] =	wrdreg s4  }
0xaa: {  	[dreg:$0x4] =	wrdreg $0xC0  }
0xab: {  	_ =	task [dreg:s6], $0x5FFFF  }
0xac: {  	[dreg:$0x1] =	wrdreg $0xFFFFFFFF  }
0xad: {  	[dreg:$0x0] =	wrdreg $0x60  }
0xae: {  	[dreg:$0x2] =	wrdreg s24  }
0xaf: {  	[dreg:$0x3] =	wrdreg $0x77800  }
0xb0: {  	[dreg:$0x4] =	wrdreg $0x9  }
0xb1: {  	_ =	task.clear_ibuf [dreg:s6], $0x5FFFF;
	_ =	strace $0x90000049  }
0xb2: {  	s29 =	simm.s32 $0x9;
	_ =	strace $0x8000004B  }
0xb3: {  	_ =	swait.ge [sflag:s29], $0x1  }
0xb4: {  	[sflag:s29] =	ssyncadd.s32 $0xFFFFFFFF  }
0xb5: {  	_ =	strace $0x9000004B  }
0xb6: {  	_ =	sfence  }
0xb7: {  	s30 =	sld [smem:$0x0];
	_ =	sdelay $0x2  }
0xb8: {  	s31 =	sshll.u32 s1, $0xD;
	s1 =	sshrl.u32 s1, $0x2  }
0xb9: {  	s3 =	sand.u32 $0x4000, s31;
	s1 =	sadd.s32 s1, s30  }
0xba: {  	s0 =	sor.u32 s3, s0;
	s1 =	sshll.u32 s1, $0x11  }
0xbb: {  	s0 =	sor.u32 s1, s0  }
0xbc: {  	s0 =	sadd.s32 $0x8F2B, s0  }
0xbd: {  	[sflag:s0] =	ssyncadd.remote.s32 $0x1  }
0xbe: {  	_ =	sfence.sel $0xFFFF  }
0xbf: {  	[dreg:$0x0] =	wrdreg $0xFFFFFFFF;
	(pc) =	sbr.abs _section_cstart, $3  }
0xc0: {  	[dreg:$0x1] =	wrdreg $0xFFFFFFFF  }
0xc1: {  	_ =	task.clear_ibuf [dreg:s6], $0x2FFFF;
	_ =	strace $0x9FFFFFFF  }
0xc2: {  	(tm) =	ssettm $0x7FFFFFFF  }
0xc3: {  	_ =	shalt  }
tec
execute0_lowered:
.L_overlay_start_1:
0x0: {  	(tag) =	ssettag $0x1  }
0x1: {  	s0 =	rddreg [dreg:$0x0]  }
0x2: {  	s1 =	rddreg [dreg:$0x1];
	s2 =	simm.s32 $0x0;
	s3 =	srdreg.scid  }
0x3: {  	s12 =	stileid.u32;
	s16 =	simm.s32 $0x7;
	s17 =	simm.s32 $0x80  }
0x4: {  	s18 =	simm.s32 $0x400;
	s19 =	simm.s32 $0x780;
	s20 =	simm.s32 $0x40  }
0x5: {  	s28 =	simm.s32 $0x4;
	s29 =	simm.s32 $0xC0;
	s30 =	simm.s32 $0x3  }
0x6: {  	s31 =	simm.s32 $0x880;
	[smem:$0x7FF] =	sst s2;
	s4 =	sadd.s32 $0x27800, s0  }
0x7: {  	s5 =	sadd.s32 $0x4EA00, s0;
	s6 =	sadd.s32 $0x1AA00, s0;
	s3 =	sand.u32 $0x1, s3  }
0x8: {  	s7 =	sadd.s32 $0x4A00, s0;
	s9 =	smul.u32 $0x4F000, s12;
	s10 =	sadd.s32 $0x25000, s0  }
0x9: {  	s21 =	sadd.s32 $0x9DA00, s0;
	s0 =	sadd.s32 $0xC5200, s0;
	s25 =	sshll.u32 s12, $0x6  }
0xa: {  	s11 =	smul.u32 $0xB, s12;
	_ =	strace $0x8000004A;
	[dreg:$0x3] =	wrdreg s10  }
0xb: {  	s26 =	smul.u32 $0x2780, s12;
	s8 =	ssub.s32 $0x2, s3;
	[dreg:$0x4] =	wrdreg s21  }
0xc: {  	[dreg:$0x5] =	wrdreg s0;
	s13 =	sor.u32 $0x1C07, s25;
	p0 =	seq.s32 s3, $0x1  }
0xd: {  	s21 =	simm.s32 $0x1780;
	s25 =	simm.s32 $0x2;
	s3 =	simm.s32 $0x100  }
0xe: {  	s10 =	simm.s32 $0x1600;
	s22 =	sshrl.u32 s8, $0x1;
	s24 =	sshrl.u32 s9, $0x2  }
.Ltmp0:
0xf: {  	[dreg:$0x7] =	wrdreg s26;
	s26 =	simm.s32 $0x800;
	(pc) =	sbr.rel .LBB2_1-.Ltmp0, $4  }
0x10: {  	s9 =	simm.s32 $0x6;
	[dreg:$0x6] =	wrdreg s13;
	s23 =	ssub.s32 s8, s22  }
0x11: {  	s8 =	sadd.s32 s24, s1;
	s22 =	simm.s32 $0x3780;
	s0 =	smax.u32 s23, $0x1  }
0x12: {  	s24 =	simm.s32 $0x5780;
	s12 =	sshrl.u32 s8, $0x3;
	[dreg:$0x8] =	wrdreg s0  }
0x13: {  	s23 =	simm.s32 $0x1;
	s0 =	simm.s32 $0x5;
	[dreg:$0x9] =	wrdreg s12  }
.LBB2_11:
0x14: {  	s8 =	rddreg [dreg:$0x5]  }
.LBB2_12:
0x15: {  	s12 =	rddreg [dreg:$0x7];
	[bflag:$0x0] =	sbarrier.arrive $0xFFFF  }
0x16: {  	s13 =	rddreg [dreg:$0x6]  }
0x17: {  	s8 =	sadd.s32 s8, s12;
	s12 =	rddreg [dreg:$0x9]  }
0x18: {  	[hbm:s8], [sflag:s13] =	dma.local [spmem:s12], $0x2780  }
0x19: {  	_ =	swait.ge [sflag:s16], $0x2780  }
0x1a: {  	s2 =	sadd.s32 $0x1, s2;
	s15 =	rddreg [dreg:$0x8]  }
0x1b: {  	p1 =	sne.s32 s2, s15  }
.Ltmp1:
0x1c: {  	_ = 	snop;
	(pc) =	sbr.rel @!p1 .LBB2_13-.Ltmp1, $3  }
0x1d: {  	_ =	sdelay $0x1  }
0x1e: {  	[sflag:s16] =	ssyncset.done $0x0  }
0x1f: {  	[sflag:s16] =	ssyncadd.s32 $0xFFFFD880  }
.LBB2_1:
0x20: {  	s8 =	rddreg [dreg:$0x3]  }
0x21: {  	[spmem:s12], [sflag:s13] =	dma.local [hbm:s8], $0x2780  }
.Ltmp2:
0x22: {  	_ =	swait.ge [sflag:s16], $0x2780;
	(pc) =	sbr.rel @p0 .LBB2_7-.Ltmp2, $4  }
.Ltmp3:
0x23: {  	[sflag:s16] =	ssyncset.done $0x0;
	(pc) =	sbr.rel @!p0 .LBB2_2-.Ltmp3, $4  }
0x24: {  	[sflag:s16] =	ssyncadd.s32 $0xFFFFD880  }
0x25: {  	[bflag:$0x0] =	sbarrier.arrive $0xFFFF  }
0x26: {  	s8 =	simm.s32 $0x0;
	s13 =	simm.s32 $0x0  }
0x27: {  	_ = 	snop  }
.LBB2_10:
0x28: {  	_ =	swait.ge [sflag:s30], $0x2000  }
0x29: {  	[sflag:s30] =	ssyncset.done $0x0  }
0x2a: {  	s13 =	sadd.s32 $0x1, s13;
	[sflag:s30] =	ssyncadd.s32 $0xFFFFE000  }
0x2b: {  	[spmem:s1] =	stream.indirect.scatter.add.f32 [tilespmem:s24], [sflag:$0x6], $0x80, s10, s20, $0xb8;
	[tilespmem:$0x1B380] =	vst v63  }
0x2c: {  	p1 =	sne.s32 s13, $0xB;
	_ =	swait.ge [sflag:s0], $0x2000  }
.Ltmp4:
0x2d: {  	[sflag:s0] =	ssyncset.done $0x0;
	(pc) =	sbr.rel @!p1 .LBB2_11-.Ltmp4, $4  }
0x2e: {  	[sflag:s0] =	ssyncadd.s32 $0xFFFFE000  }
0x2f: {  	_ =	swait.ge [sflag:s9], $0x2000  }
0x30: {  	[sflag:s9] =	ssyncset.done $0x0  }
0x31: {  	[sflag:s9] =	ssyncadd.s32 $0xFFFFE000  }
.LBB2_7:
0x32: {  	s12 =	sadd.s32 s11, s13  }
0x33: {  	s8 =	sshrl.u32 s12, $0x3  }
0x34: {  	s14 =	sshll.u32 s12, $0x7;
	s8 =	smul.u32 $0x3C00, s8  }
0x35: {  	s14 =	sand.u32 $0x380, s14  }
0x36: {  	s8 =	sor.u32 s14, s8  }
0x37: {  	s8 =	sshrl.u32 s8, $0x3  }
0x38: {  	s15 =	sadd.s32 s6, s8;
	s8 =	simm.s32 $0x0  }
0x39: {  	[tilespmem:s8], [sflag:$0x7] =	stream.strided.gather [hbm4b:s15+s17], $0x780, s18, s17, $0x38;
	[tilespmem:$0x1B380] =	vst v63  }
0x3a: {  	_ =	swait.ge [sflag:s16], $0x780  }
0x3b: {  	s12 =	sshll.u32 s12, $0x9;
	[sflag:s16] =	ssyncset.done $0x0  }
0x3c: {  	s12 =	sadd.s32 s7, s12;
	[sflag:s16] =	ssyncadd.s32 $0xFFFFF880  }
0x3d: {  	[tilespmem:s19], [sflag:$0x7] =	stream.linear.gather [hbm4b:s12+s8], $0xF00, $0x38;
	[tilespmem:$0x1B380] =	vst v63  }
0x3e: {  	_ =	swait.ge [sflag:s16], $0xF00  }
0x3f: {  	[sflag:s16] =	ssyncset.done $0x0  }
0x40: {  	[sflag:s16] =	ssyncadd.s32 $0xFFFFF100  }
0x41: {  	[tilespmem:s21], [sflag:$0x1] =	stream.indirect.gather [hbm4b:s5+s20], $0x80, s8, s20, $0xb8;
	[tilespmem:$0x1B380] =	vst v63  }
0x42: {  	_ = 	snop  }
0x43: {  	[tilespmem:s22], [sflag:$0x2] =	stream.indirect.gather [hbm4b:s5+s20], $0x80, s20, s20, $0xb8;
	[tilespmem:$0x1B380] =	vst v63  }
0x44: {  	_ =	swait.ge [sflag:s23], $0x2000  }
0x45: {  	[sflag:s23] =	ssyncset.done $0x0  }
0x46: {  	[sflag:s23] =	ssyncadd.s32 $0xFFFFE000  }
0x47: {  	[spmem:s1] =	stream.indirect.scatter.add.f32 [tilespmem:s21], [sflag:$0x4], $0x80, s19, s20, $0xb8;
	[tilespmem:$0x1B380] =	vst v63  }
0x48: {  	_ = 	snop  }
0x49: {  	[tilespmem:s24], [sflag:$0x3] =	stream.indirect.gather [hbm4b:s5+s20], $0x80, s17, s20, $0xb8;
	[tilespmem:$0x1B380] =	vst v63  }
0x4a: {  	_ =	swait.ge [sflag:s25], $0x2000  }
0x4b: {  	[sflag:s25] =	ssyncset.done $0x0  }
0x4c: {  	[sflag:s25] =	ssyncadd.s32 $0xFFFFE000  }
0x4d: {  	[spmem:s1] =	stream.indirect.scatter.add.f32 [tilespmem:s22], [sflag:$0x5], $0x80, s26, s20, $0xb8;
	[tilespmem:$0x1B380] =	vst v63  }
0x4e: {  	_ =	swait.ge [sflag:s28], $0x2000  }
0x4f: {  	[sflag:s28] =	ssyncset.done $0x0  }
0x50: {  	[sflag:s28] =	ssyncadd.s32 $0xFFFFE000  }
0x51: {  	[tilespmem:s21], [sflag:$0x1] =	stream.indirect.gather [hbm4b:s5+s20], $0x80, s29, s20, $0xb8;
	[tilespmem:$0x1B380] =	vst v63  }
0x52: {  	_ =	swait.ge [sflag:s30], $0x2000  }
0x53: {  	[sflag:s30] =	ssyncset.done $0x0  }
0x54: {  	[sflag:s30] =	ssyncadd.s32 $0xFFFFE000  }
0x55: {  	[spmem:s1] =	stream.indirect.scatter.add.f32 [tilespmem:s24], [sflag:$0x6], $0x80, s31, s20, $0xb8;
	[tilespmem:$0x1B380] =	vst v63  }
0x56: {  	_ =	swait.ge [sflag:s0], $0x2000  }
0x57: {  	[sflag:s0] =	ssyncset.done $0x0  }
0x58: {  	s14 =	simm.s32 $0xA00;
	[sflag:s0] =	ssyncadd.s32 $0xFFFFE000  }
0x59: {  	[tilespmem:s22], [sflag:$0x2] =	stream.indirect.gather [hbm4b:s5+s20], $0x80, s3, s20, $0xb8;
	[tilespmem:$0x1B380] =	vst v63  }
.LBB2_8:
0x5a: {  	_ =	swait.ge [sflag:s23], $0x2000  }
0x5b: {  	[sflag:s23] =	ssyncset.done $0x0  }
0x5c: {  	s12 =	sadd.s32 $0xFFFFFF00, s14;
	[sflag:s23] =	ssyncadd.s32 $0xFFFFE000  }
0x5d: {  	[spmem:s1] =	stream.indirect.scatter.add.f32 [tilespmem:s21], [sflag:$0x4], $0x80, s12, s20, $0xb8;
	[tilespmem:$0x1B380] =	vst v63  }
0x5e: {  	_ =	swait.ge [sflag:s9], $0x2000  }
0x5f: {  	s12 =	sshra.s32 s8, $0x2;
	[sflag:s9] =	ssyncset.done $0x0  }
0x60: {  	s15 =	sadd.s32 $0x140, s12;
	[sflag:s9] =	ssyncadd.s32 $0xFFFFE000  }
0x61: {  	[tilespmem:s24], [sflag:$0x3] =	stream.indirect.gather [hbm4b:s5+s20], $0x80, s15, s20, $0xb8;
	[tilespmem:$0x1B380] =	vst v63  }
0x62: {  	_ =	swait.ge [sflag:s25], $0x2000  }
0x63: {  	p1 =	seq.s32 s8, $0x1800;
	[sflag:s25] =	ssyncset.done $0x0  }
.Ltmp5:
0x64: {  	s15 =	sadd.s32 $0xFFFFFF80, s14;
	[sflag:s25] =	ssyncadd.s32 $0xFFFFE000;
	(pc) =	sbr.rel @p1 .LBB2_10-.Ltmp5, $4  }
0x65: {  	[spmem:s1] =	stream.indirect.scatter.add.f32 [tilespmem:s22], [sflag:$0x5], $0x80, s15, s20, $0xb8;
	[tilespmem:$0x1B380] =	vst v63  }
0x66: {  	_ =	swait.ge [sflag:s28], $0x2000  }
0x67: {  	[sflag:s28] =	ssyncset.done $0x0  }
0x68: {  	[sflag:s28] =	ssyncadd.s32 $0xFFFFE000  }
0x69: {  	s15 =	sadd.s32 $0x180, s12  }
0x6a: {  	[tilespmem:s21], [sflag:$0x1] =	stream.indirect.gather [hbm4b:s5+s20], $0x80, s15, s20, $0xb8;
	[tilespmem:$0x1B380] =	vst v63  }
0x6b: {  	_ =	swait.ge [sflag:s30], $0x2000  }
0x6c: {  	[sflag:s30] =	ssyncset.done $0x0  }
0x6d: {  	[sflag:s30] =	ssyncadd.s32 $0xFFFFE000  }
0x6e: {  	[spmem:s1] =	stream.indirect.scatter.add.f32 [tilespmem:s24], [sflag:$0x6], $0x80, s14, s20, $0xb8;
	[tilespmem:$0x1B380] =	vst v63  }
.Ltmp6:
0x6f: {  	_ = 	snop;
	(pc) =	sbr.rel .LBB2_8-.Ltmp6, $4  }
0x70: {  	_ =	swait.ge [sflag:s0], $0x2000  }
0x71: {  	s8 =	sadd.s32 $0x300, s8;
	[sflag:s0] =	ssyncset.done $0x0  }
0x72: {  	s15 =	sadd.s32 $0x1C0, s12;
	s14 =	sadd.s32 $0x180, s14;
	[sflag:s0] =	ssyncadd.s32 $0xFFFFE000  }
0x73: {  	[tilespmem:s22], [sflag:$0x2] =	stream.indirect.gather [hbm4b:s5+s20], $0x80, s15, s20, $0xb8;
	[tilespmem:$0x1B380] =	vst v63  }
.LBB2_5:
0x74: {  	_ =	swait.ge [sflag:s30], $0x2000  }
0x75: {  	[sflag:s30] =	ssyncset.done $0x0  }
0x76: {  	s8 =	sadd.s32 $0x1, s8;
	[sflag:s30] =	ssyncadd.s32 $0xFFFFE000  }
0x77: {  	[spmem:s1] =	stream.indirect.scatter.add.f32 [tilespmem:s24], [sflag:$0x6], $0x80, s10, s20, $0xb8;
	[tilespmem:$0x1B380] =	vst v63  }
0x78: {  	p1 =	seq.s32 s8, $0xB;
	_ =	swait.ge [sflag:s0], $0x2000  }
.Ltmp7:
0x79: {  	[sflag:s0] =	ssyncset.done $0x0;
	(pc) =	sbr.rel @p1 .LBB2_6-.Ltmp7, $4  }
0x7a: {  	[sflag:s0] =	ssyncadd.s32 $0xFFFFE000  }
0x7b: {  	_ =	swait.ge [sflag:s9], $0x2000  }
0x7c: {  	[sflag:s9] =	ssyncset.done $0x0  }
0x7d: {  	[sflag:s9] =	ssyncadd.s32 $0xFFFFE000  }
.LBB2_2:
0x7e: {  	s12 =	sadd.s32 s11, s8  }
0x7f: {  	s13 =	sshrl.u32 s12, $0x3  }
0x80: {  	s14 =	sshll.u32 s12, $0x7;
	s13 =	smul.u32 $0x3C00, s13  }
0x81: {  	s14 =	sand.u32 $0x380, s14  }
0x82: {  	s13 =	sor.u32 s14, s13  }
0x83: {  	s13 =	sshrl.u32 s13, $0x3  }
0x84: {  	s15 =	sadd.s32 s6, s13;
	s13 =	simm.s32 $0x0  }
0x85: {  	[tilespmem:s13], [sflag:$0x7] =	stream.strided.gather [hbm4b:s15+s17], $0x780, s18, s17, $0x38;
	[tilespmem:$0x1B380] =	vst v63  }
0x86: {  	_ =	swait.ge [sflag:s16], $0x780  }
0x87: {  	s12 =	sshll.u32 s12, $0x9;
	[sflag:s16] =	ssyncset.done $0x0  }
0x88: {  	s12 =	sadd.s32 s7, s12;
	[sflag:s16] =	ssyncadd.s32 $0xFFFFF880  }
0x89: {  	[tilespmem:s19], [sflag:$0x7] =	stream.linear.gather [hbm4b:s12+s13], $0xF00, $0x38;
	[tilespmem:$0x1B380] =	vst v63  }
0x8a: {  	_ =	swait.ge [sflag:s16], $0xF00  }
0x8b: {  	[sflag:s16] =	ssyncset.done $0x0  }
0x8c: {  	[sflag:s16] =	ssyncadd.s32 $0xFFFFF100  }
0x8d: {  	[tilespmem:s21], [sflag:$0x1] =	stream.indirect.gather [hbm4b:s4+s20], $0x80, s13, s20, $0xb8;
	[tilespmem:$0x1B380] =	vst v63  }
0x8e: {  	_ = 	snop  }
0x8f: {  	[tilespmem:s22], [sflag:$0x2] =	stream.indirect.gather [hbm4b:s4+s20], $0x80, s20, s20, $0xb8;
	[tilespmem:$0x1B380] =	vst v63  }
0x90: {  	_ =	swait.ge [sflag:s23], $0x2000  }
0x91: {  	[sflag:s23] =	ssyncset.done $0x0  }
0x92: {  	[sflag:s23] =	ssyncadd.s32 $0xFFFFE000  }
0x93: {  	[spmem:s1] =	stream.indirect.scatter.add.f32 [tilespmem:s21], [sflag:$0x4], $0x80, s19, s20, $0xb8;
	[tilespmem:$0x1B380] =	vst v63  }
0x94: {  	_ = 	snop  }
0x95: {  	[tilespmem:s24], [sflag:$0x3] =	stream.indirect.gather [hbm4b:s4+s20], $0x80, s17, s20, $0xb8;
	[tilespmem:$0x1B380] =	vst v63  }
0x96: {  	_ =	swait.ge [sflag:s25], $0x2000  }
0x97: {  	[sflag:s25] =	ssyncset.done $0x0  }
0x98: {  	[sflag:s25] =	ssyncadd.s32 $0xFFFFE000  }
0x99: {  	[spmem:s1] =	stream.indirect.scatter.add.f32 [tilespmem:s22], [sflag:$0x5], $0x80, s26, s20, $0xb8;
	[tilespmem:$0x1B380] =	vst v63  }
0x9a: {  	_ =	swait.ge [sflag:s28], $0x2000  }
0x9b: {  	[sflag:s28] =	ssyncset.done $0x0  }
0x9c: {  	[sflag:s28] =	ssyncadd.s32 $0xFFFFE000  }
0x9d: {  	[tilespmem:s21], [sflag:$0x1] =	stream.indirect.gather [hbm4b:s4+s20], $0x80, s29, s20, $0xb8;
	[tilespmem:$0x1B380] =	vst v63  }
0x9e: {  	_ =	swait.ge [sflag:s30], $0x2000  }
0x9f: {  	[sflag:s30] =	ssyncset.done $0x0  }
0xa0: {  	[sflag:s30] =	ssyncadd.s32 $0xFFFFE000  }
0xa1: {  	[spmem:s1] =	stream.indirect.scatter.add.f32 [tilespmem:s24], [sflag:$0x6], $0x80, s31, s20, $0xb8;
	[tilespmem:$0x1B380] =	vst v63  }
0xa2: {  	_ =	swait.ge [sflag:s0], $0x2000  }
0xa3: {  	[sflag:s0] =	ssyncset.done $0x0  }
0xa4: {  	s14 =	simm.s32 $0xA00;
	[sflag:s0] =	ssyncadd.s32 $0xFFFFE000  }
0xa5: {  	[tilespmem:s22], [sflag:$0x2] =	stream.indirect.gather [hbm4b:s4+s20], $0x80, s3, s20, $0xb8;
	[tilespmem:$0x1B380] =	vst v63  }
.LBB2_3:
0xa6: {  	_ =	swait.ge [sflag:s23], $0x2000  }
0xa7: {  	[sflag:s23] =	ssyncset.done $0x0  }
0xa8: {  	s12 =	sadd.s32 $0xFFFFFF00, s14;
	[sflag:s23] =	ssyncadd.s32 $0xFFFFE000  }
0xa9: {  	[spmem:s1] =	stream.indirect.scatter.add.f32 [tilespmem:s21], [sflag:$0x4], $0x80, s12, s20, $0xb8;
	[tilespmem:$0x1B380] =	vst v63  }
0xaa: {  	_ =	swait.ge [sflag:s9], $0x2000  }
0xab: {  	s12 =	sshra.s32 s13, $0x2;
	[sflag:s9] =	ssyncset.done $0x0  }
0xac: {  	s15 =	sadd.s32 $0x140, s12;
	[sflag:s9] =	ssyncadd.s32 $0xFFFFE000  }
0xad: {  	[tilespmem:s24], [sflag:$0x3] =	stream.indirect.gather [hbm4b:s4+s20], $0x80, s15, s20, $0xb8;
	[tilespmem:$0x1B380] =	vst v63  }
0xae: {  	_ =	swait.ge [sflag:s25], $0x2000  }
0xaf: {  	p1 =	seq.s32 s13, $0x1800;
	[sflag:s25] =	ssyncset.done $0x0  }
.Ltmp8:
0xb0: {  	s15 =	sadd.s32 $0xFFFFFF80, s14;
	[sflag:s25] =	ssyncadd.s32 $0xFFFFE000;
	(pc) =	sbr.rel @p1 .LBB2_5-.Ltmp8, $4  }
0xb1: {  	[spmem:s1] =	stream.indirect.scatter.add.f32 [tilespmem:s22], [sflag:$0x5], $0x80, s15, s20, $0xb8;
	[tilespmem:$0x1B380] =	vst v63  }
0xb2: {  	_ =	swait.ge [sflag:s28], $0x2000  }
0xb3: {  	[sflag:s28] =	ssyncset.done $0x0  }
0xb4: {  	[sflag:s28] =	ssyncadd.s32 $0xFFFFE000  }
0xb5: {  	s15 =	sadd.s32 $0x180, s12  }
0xb6: {  	[tilespmem:s21], [sflag:$0x1] =	stream.indirect.gather [hbm4b:s4+s20], $0x80, s15, s20, $0xb8;
	[tilespmem:$0x1B380] =	vst v63  }
0xb7: {  	_ =	swait.ge [sflag:s30], $0x2000  }
0xb8: {  	[sflag:s30] =	ssyncset.done $0x0  }
0xb9: {  	[sflag:s30] =	ssyncadd.s32 $0xFFFFE000  }
0xba: {  	[spmem:s1] =	stream.indirect.scatter.add.f32 [tilespmem:s24], [sflag:$0x6], $0x80, s14, s20, $0xb8;
	[tilespmem:$0x1B380] =	vst v63  }
.Ltmp9:
0xbb: {  	_ = 	snop;
	(pc) =	sbr.rel .LBB2_3-.Ltmp9, $4  }
0xbc: {  	_ =	swait.ge [sflag:s0], $0x2000  }
0xbd: {  	s13 =	sadd.s32 $0x300, s13;
	[sflag:s0] =	ssyncset.done $0x0  }
0xbe: {  	s15 =	sadd.s32 $0x1C0, s12;
	s14 =	sadd.s32 $0x180, s14;
	[sflag:s0] =	ssyncadd.s32 $0xFFFFE000  }
0xbf: {  	[tilespmem:s22], [sflag:$0x2] =	stream.indirect.gather [hbm4b:s4+s20], $0x80, s15, s20, $0xb8;
	[tilespmem:$0x1B380] =	vst v63  }
.LBB2_6:
.Ltmp10:
0xc0: {  	(pc) =	sbr.rel .LBB2_12-.Ltmp10, $2  }
0xc1: {  	_ =	sdelay $0x2  }
0xc2: {  	s8 =	rddreg [dreg:$0x4]  }
.LBB2_13:
0xc3: {  	_ =	sfence.sel $0x180000  }
0xc4: {  	[bflag:$0x0] =	sbarrier.arrive $0xFFFF  }
0xc5: {  	_ =	strace $0x9000004A  }
0xc6: {  	s0 =	stileid.u32;
	[bflag:$0x2] =	sbarrier.arrive $0xFFFF  }
0xc7: {  	p0 =	sne.s32 s0, $0x0;
	s0 =	rddreg [dreg:$0x2]  }
0xc8: {  	s0 =	sadd.s32 @!p0 $0x100000, s0  }
0xc9: {  	[sflag:s0] =	ssyncadd.tile.s32 @!p0 $0x1;
	_ =	shalt  }
.Lfunc_end2:
_tile_overlayer_lowered:
.L_overlay_start_2:
0xca: {  	(tag) =	ssettag $0x2  }
0xcb: {  	s0 =	rddreg [dreg:$0x0];
	s2 =	stileid.u32  }
0xcc: {  	s1 =	rddreg [dreg:$0x1];
	p0 =	sne.s32 s2, $0x0  }
0xcd: {  	s3 =	rddreg [dreg:$0x2];
	[bflag:$0x3] =	sbarrier.arrive $0xFFFF;
	s2 =	simm.s32 @!p0 $0x1C07  }
0xce: {  	[timem:s3], [sflag:s2] =	dma.local @!p0 [hbm:s0], s1  }
0xcf: {  	s0 =	simm.s32 @!p0 $0x7  }
0xd0: {  	_ =	swait.ge @!p0 [sflag:s0], s1  }
0xd1: {  	s1 =	ssub.s32 @!p0 $0x0, s1;
	[sflag:s0] =	ssyncset.done @!p0 $0x0  }
0xd2: {  	[sflag:s0] =	ssyncadd.s32 @!p0 s1  }
0xd3: {  	[bflag:$0x3] =	sbarrier.arrive $0xFFFF  }
0xd4: {  	_ =	shalt  }

// kernel: kernel.14.cloned.1.call-start
scs
__scs_entry_jumppad:
0x0: {  	(pc) =	sbr.rel $0x88, $3  }
0x1: {  	(tag) =	ssettag $0x0;
	lr =	simm.s32 $0x1  }
0x2: {  	[smem:$0x3F92] =	sst lr;
	_ =	strace $0xD0000000  }
0x3: {  	_ = 	snop  }
0x4: {  	_ = 	snop  }
0x5: {  	_ = 	snop  }
0x6: {  	_ = 	snop  }
0x7: {  	_ = 	snop  }
__scs_overlays_trampoline_lowered:
0x8: {  	[smem:$0x3FA1] =	sst s0  }
0x9: {  	[smem:$0x3FA2] =	sst s1  }
0xa: {  	[smem:$0x3FA3] =	sst s2  }
0xb: {  	[smem:$0x3FA4] =	sst s3  }
0xc: {  	[smem:$0x3FA5] =	sst s4  }
0xd: {  	[smem:$0x3FA6] =	sst s5  }
0xe: {  	[smem:$0x3FA7] =	sst s6  }
0xf: {  	[smem:$0x3FA8] =	sst s7  }
0x10: {  	[smem:$0x3FA9] =	sst s8  }
0x11: {  	[smem:$0x3FAA] =	sst s9;
	s0 =	simm.s32 @!p0 $0x0  }
0x12: {  	s1 =	sld [smem:$0x3F90];
	s0 =	simm.s32 @p0 $0x1  }
0x13: {  	[smem:$0x3FAB] =	sst s0;
	s0 =	simm.s32 @!p1 $0x0  }
0x14: {  	s2 =	sld [smem:$0x3F8F];
	s0 =	simm.s32 @p1 $0x1  }
0x15: {  	[smem:$0x3FAC] =	sst s0;
	s0 =	simm.s32 @!p2 $0x0  }
0x16: {  	s3 =	sld [smem:$0x3FDB];
	s0 =	simm.s32 @p2 $0x1  }
0x17: {  	s4 =	simm.s32 $0x1BF5;
	[smem:$0x3FAE] =	sst s0  }
0x18: {  	s0 =	sld [smem:$0x3F91];
	_ =	swait.ge [sflag:s4], $0x0  }
0x19: {  	s7 =	sld [smem:$0x3F92]  }
0x1a: {  	s8 =	sadd.s32 $0xFFFFE003, lr  }
0x1b: {  	s9 =	sadd.s32 $0xFFFFFEF7, lr;
	s5 =	simm.s32 $0xFFFFFFFF;
	p2 =	slt.u32 s8, $0xFFFFF086  }
0x1c: {  	p1 =	slt.u32 s9, $0xF7A;
	s5 =	simm.s32 @!p2 $0x0  }
0x1d: {  	s5 =	simm.s32 @p1 $0x1;
	p0 =	seq.s32 s7, s2  }
0x1e: {  	s7 =	smul.u32 @!p0 $0xF7A, s2;
	p2 =	seq.s32 @!p0 s5, $0x0  }
0x1f: {  	s9 =	smul.u32 $0xF7A, s1;
	s8 =	simm.s32 @!p0 $0x1BF5;
	p2 =	por !p2, p0  }
0x20: {  	[sflag:s8] =	ssyncset.s32 @!p0 $0xFFFFF086;
	s6 =	sadd.s32 @!p0 s3, s7;
	s7 =	simm.s32 @!p0 $0x108  }
0x21: {  	s3 =	sadd.s32 s3, s9;
	s6 =	sadd.s32 @!p0 $0x88, s6;
	s7 =	simm.s32 @p2 $0x1082  }
0x22: {  	[simem:s7], [sflag:s8] =	dma.local @!p0 [hbm:s6], $0xF7A  }
0x23: {  	s9 =	sor.u32 $0xD0000000, s2;
	s6 =	simm.s32 $0x108;
	_ =	swait.ge @!p0 [sflag:s8], $0x0  }
0x24: {  	s3 =	sadd.s32 $0x88, s3;
	s6 =	simm.s32 @!p1 $0x1082;
	[sflag:s4] =	ssyncset.s32 $0xFFFFF086  }
0x25: {  	[simem:s6], [sflag:s4] =	dma.local [hbm:s3], $0xF7A  }
0x26: {  	[smem:$0x3F92] =	sst s1;
	(tag) =	ssettag s2;
	_ =	strace s9  }
0x27: {  	s1 =	sld [smem:$0x3FA2]  }
0x28: {  	s2 =	sld [smem:$0x3FA3]  }
0x29: {  	s4 =	sld [smem:$0x3FA5]  }
0x2a: {  	p0 =	seq.s32 s5, $0x0;
	s5 =	sld [smem:$0x3FA6]  }
0x2b: {  	s6 =	sld [smem:$0x3FA7]  }
0x2c: {  	s7 =	sld [smem:$0x3FA8]  }
0x2d: {  	s3 =	simm.s32 $0x108;
	s8 =	sld [smem:$0x3FA9]  }
0x2e: {  	s3 =	simm.s32 @!p0 $0x1082;
	s9 =	sld [smem:$0x3FAA]  }
0x2f: {  	lr =	sadd.s32 s0, s3;
	s0 =	sld [smem:$0x3FA1]  }
0x30: {  	s3 =	sld [smem:$0x3FA4]  }
0x31: {  	[smem:$0x3FAD] =	sst s10  }
0x32: {  	s10 =	sld [smem:$0x3FAB];
	_ =	sdelay $0x3  }
0x33: {  	p0 =	seq.s32 s10, $0x1;
	s10 =	sld [smem:$0x3FAD];
	_ =	sdelay $0x3  }
0x34: {  	[smem:$0x3FAD] =	sst s10  }
0x35: {  	s10 =	sld [smem:$0x3FAC];
	_ =	sdelay $0x3  }
0x36: {  	p1 =	seq.s32 s10, $0x1;
	s10 =	sld [smem:$0x3FAD];
	_ =	sdelay $0x3  }
0x37: {  	[smem:$0x3FAD] =	sst s10  }
0x38: {  	s10 =	sld [smem:$0x3FAE]  }
0x39: {  	_ = 	snop;
	(pc) =	sbr.ind lr, $3  }
0x3a: {  	_ = 	snop  }
0x3b: {  	_ = 	snop  }
0x3c: {  	p2 =	seq.s32 s10, $0x1;
	s10 =	sld [smem:$0x3FAD]  }
0x3d: {  	_ =	shalt  }
0x3e: {  	_ =	shalt  }
0x3f: {  	_ =	shalt  }
0x40: {  	_ =	shalt  }
0x41: {  	_ =	shalt  }
0x42: {  	_ =	shalt  }
0x43: {  	_ =	shalt  }
0x44: {  	_ =	shalt  }
0x45: {  	_ =	shalt  }
0x46: {  	_ =	shalt  }
0x47: {  	_ =	shalt  }
0x48: {  	_ =	shalt  }
0x49: {  	_ =	shalt  }
0x4a: {  	_ =	shalt  }
0x4b: {  	_ =	shalt  }
0x4c: {  	_ =	shalt  }
0x4d: {  	_ =	shalt  }
0x4e: {  	_ =	shalt  }
0x4f: {  	_ =	shalt  }
0x50: {  	_ =	shalt  }
0x51: {  	_ =	shalt  }
0x52: {  	_ =	shalt  }
0x53: {  	_ =	shalt  }
0x54: {  	_ =	shalt  }
0x55: {  	_ =	shalt  }
0x56: {  	_ =	shalt  }
0x57: {  	_ =	shalt  }
0x58: {  	_ =	shalt  }
0x59: {  	_ =	shalt  }
0x5a: {  	_ =	shalt  }
0x5b: {  	_ =	shalt  }
0x5c: {  	_ =	shalt  }
0x5d: {  	_ =	shalt  }
0x5e: {  	_ =	shalt  }
0x5f: {  	_ =	shalt  }
0x60: {  	_ =	shalt  }
0x61: {  	_ =	shalt  }
0x62: {  	_ =	shalt  }
0x63: {  	_ =	shalt  }
0x64: {  	_ =	shalt  }
0x65: {  	_ =	shalt  }
0x66: {  	_ =	shalt  }
0x67: {  	_ =	shalt  }
0x68: {  	_ =	shalt  }
0x69: {  	_ =	shalt  }
0x6a: {  	_ =	shalt  }
0x6b: {  	_ =	shalt  }
0x6c: {  	_ =	shalt  }
0x6d: {  	_ =	shalt  }
0x6e: {  	_ =	shalt  }
0x6f: {  	_ =	shalt  }
0x70: {  	_ =	shalt  }
0x71: {  	_ =	shalt  }
0x72: {  	_ =	shalt  }
0x73: {  	_ =	shalt  }
0x74: {  	_ =	shalt  }
0x75: {  	_ =	shalt  }
0x76: {  	_ =	shalt  }
0x77: {  	_ =	shalt  }
0x78: {  	_ =	shalt  }
0x79: {  	_ =	shalt  }
0x7a: {  	_ =	shalt  }
0x7b: {  	_ =	shalt  }
0x7c: {  	_ =	shalt  }
0x7d: {  	_ =	shalt  }
0x7e: {  	_ =	shalt  }
0x7f: {  	_ =	shalt  }
0x80: {  	_ =	shalt  }
0x81: {  	_ =	shalt  }
0x82: {  	_ =	shalt  }
0x83: {  	_ =	shalt  }
0x84: {  	_ =	shalt  }
0x85: {  	_ =	shalt  }
0x86: {  	_ =	shalt  }
0x87: {  	_ =	shalt  }
.Lfunc_end0:
.L_simem_size_0:
called_computation.2_lowered:
.L_overlay_start_0:
0x88: {  	s2 =	sld [smem:$0x3FD9]  }
0x89: {  	s3 =	sld [smem:$0x3FFE];
	_ =	sdelay $0x1  }
0x8a: {  	s1 =	srdreg.scid  }
0x8b: {  	s0 =	sand.u32 $0x1, s1  }
0x8c: {  	s16 =	sshll.u32 s0, $0xA;
	s2 =	sadd.s32 s3, s2  }
0x8d: {  	s2 =	sadd.s32 s2, s16  }
0x8e: {  	[smem:$0x3FB9] =	sst s2  }
0x8f: {  	_ = 	snop  }
0x90: {  	(tm) =	ssettm $0x1  }
0x91: {  	s17 =	sld [smem:$0x3FFB];
	_ =	sdelay $0x3  }
0x92: {  	_ =	strace s17  }
0x93: {  	s2 =	sld [smem:$0x3FFC];
	_ =	sdelay $0x3  }
0x94: {  	_ =	strace s2  }
0x95: {  	s2 =	sld [smem:$0x3FFD];
	_ =	sdelay $0x3  }
0x96: {  	_ =	strace s2  }
0x97: {  	_ =	strace $0x8FFFFFFF  }
0x98: {  	s18 =	sld [smem:$0x3FDB];
	_ =	sdelay $0x1  }
0x99: {  	s19 =	simm.s32 $_scs_section_size  }
0x9a: {  	s4 =	simm.s32 $_size__tile_overlayer_lowered;
	s5 =	simm.s32 $_tile_overlayer_lowered  }
0x9b: {  	s22 =	simm.s32 $0x1BFF;
	s21 =	sshll.u32 s5, $0x1;
	s2 =	sadd.s32 s19, s18  }
0x9c: {  	s6 =	simm.s32 $0x0;
	s20 =	sshll.u32 s4, $0x1;
	s4 =	sadd.s32 s21, s2  }
0x9d: {  	[timem:s6], [sflag:s22] =	dma.local [hbm:s4], s20  }
0x9e: {  	_ =	swait.ge [sflag:s22], s20  }
0x9f: {  	s3 =	ssub.s32 $0x0, s20;
	[sflag:s22] =	ssyncset.done $0x0  }
0xa0: {  	[sflag:s22] =	ssyncadd.s32 s3;
	_ =	sdelay $0x1  }
0xa1: {  	s23 =	simm.s32 $0x1B8B  }
0xa2: {  	_ =	swait.ge [sflag:s23], $0x1  }
0xa3: {  	[sflag:s23] =	ssyncset.done $0x0  }
0xa4: {  	s25 =	simm.s32 $0x1B8E;
	s24 =	sld [smem:$0x3FFE];
	[sflag:s23] =	ssyncadd.s32 $0xFFFFFFFF  }
0xa5: {  	s26 =	simm.s32 $execute0_lowered;
	[smem:$0x3FD2] =	sst s25  }
0xa6: {  	s4 =	sshll.u32 s26, $0x1;
	_ =	strace $0x8000004C;
	[dreg:$0x1] =	wrdreg $0xFFFFFFFF  }
0xa7: {  	s28 =	simm.s32 $_size_execute0_lowered;
	s2 =	sadd.s32 s2, s4;
	[dreg:$0x0] =	wrdreg $0x0  }
0xa8: {  	s4 =	sshll.u32 s28, $0x1;
	[dreg:$0x2] =	wrdreg s2  }
0xa9: {  	[dreg:$0x3] =	wrdreg s4  }
0xaa: {  	[dreg:$0x4] =	wrdreg $0xC0  }
0xab: {  	_ =	task [dreg:s6], $0x5FFFF  }
0xac: {  	[dreg:$0x1] =	wrdreg $0xFFFFFFFF  }
0xad: {  	[dreg:$0x0] =	wrdreg $0x60  }
0xae: {  	[dreg:$0x2] =	wrdreg s24  }
0xaf: {  	[dreg:$0x3] =	wrdreg $0x77800  }
0xb0: {  	[dreg:$0x4] =	wrdreg $0x9  }
0xb1: {  	_ =	task.clear_ibuf [dreg:s6], $0x5FFFF;
	_ =	strace $0x9000004C  }
0xb2: {  	s29 =	simm.s32 $0x9;
	_ =	strace $0x8000004E  }
0xb3: {  	_ =	swait.ge [sflag:s29], $0x1  }
0xb4: {  	[sflag:s29] =	ssyncadd.s32 $0xFFFFFFFF  }
0xb5: {  	_ =	strace $0x9000004E  }
0xb6: {  	_ =	sfence  }
0xb7: {  	s30 =	sld [smem:$0x0];
	_ =	sdelay $0x2  }
0xb8: {  	s31 =	sshll.u32 s1, $0xD;
	s1 =	sshrl.u32 s1, $0x2  }
0xb9: {  	s3 =	sand.u32 $0x4000, s31;
	s1 =	sadd.s32 s1, s30  }
0xba: {  	s0 =	sor.u32 s3, s0;
	s1 =	sshll.u32 s1, $0x11  }
0xbb: {  	s0 =	sor.u32 s1, s0  }
0xbc: {  	s0 =	sadd.s32 $0x8F2B, s0  }
0xbd: {  	[sflag:s0] =	ssyncadd.remote.s32 $0x1  }
0xbe: {  	_ =	sfence.sel $0xFFFF  }
0xbf: {  	[dreg:$0x0] =	wrdreg $0xFFFFFFFF;
	(pc) =	sbr.abs _section_cstart, $3  }
0xc0: {  	[dreg:$0x1] =	wrdreg $0xFFFFFFFF  }
0xc1: {  	_ =	task.clear_ibuf [dreg:s6], $0x2FFFF;
	_ =	strace $0x9FFFFFFF  }
0xc2: {  	(tm) =	ssettm $0x7FFFFFFF  }
0xc3: {  	_ =	shalt  }
tec
execute0_lowered:
.L_overlay_start_1:
0x0: {  	(tag) =	ssettag $0x1  }
0x1: {  	s0 =	rddreg [dreg:$0x0]  }
0x2: {  	s1 =	rddreg [dreg:$0x1];
	s2 =	simm.s32 $0x0;
	s3 =	srdreg.scid  }
0x3: {  	s12 =	stileid.u32;
	s16 =	simm.s32 $0x7;
	s17 =	simm.s32 $0x80  }
0x4: {  	s18 =	simm.s32 $0x400;
	s19 =	simm.s32 $0x780;
	s20 =	simm.s32 $0x40  }
0x5: {  	s28 =	simm.s32 $0x4;
	s29 =	simm.s32 $0xC0;
	s30 =	simm.s32 $0x3  }
0x6: {  	s31 =	simm.s32 $0x880;
	[smem:$0x7FF] =	sst s2;
	s4 =	sadd.s32 $0x27800, s0  }
0x7: {  	s5 =	sadd.s32 $0x4EA00, s0;
	s6 =	sadd.s32 $0x1AA00, s0;
	s3 =	sand.u32 $0x1, s3  }
0x8: {  	s7 =	sadd.s32 $0x4A00, s0;
	s9 =	smul.u32 $0x4F000, s12;
	s10 =	sadd.s32 $0x25000, s0  }
0x9: {  	s21 =	sadd.s32 $0x9DA00, s0;
	s0 =	sadd.s32 $0xC5200, s0;
	s25 =	sshll.u32 s12, $0x6  }
0xa: {  	s11 =	smul.u32 $0xB, s12;
	_ =	strace $0x8000004D;
	[dreg:$0x3] =	wrdreg s10  }
0xb: {  	s26 =	smul.u32 $0x2780, s12;
	s8 =	ssub.s32 $0x2, s3;
	[dreg:$0x4] =	wrdreg s21  }
0xc: {  	[dreg:$0x5] =	wrdreg s0;
	s13 =	sor.u32 $0x1C07, s25;
	p0 =	seq.s32 s3, $0x1  }
0xd: {  	s21 =	simm.s32 $0x1780;
	s25 =	simm.s32 $0x2;
	s3 =	simm.s32 $0x100  }
0xe: {  	s10 =	simm.s32 $0x1600;
	s22 =	sshrl.u32 s8, $0x1;
	s24 =	sshrl.u32 s9, $0x2  }
.Ltmp0:
0xf: {  	[dreg:$0x7] =	wrdreg s26;
	s26 =	simm.s32 $0x800;
	(pc) =	sbr.rel .LBB2_1-.Ltmp0, $4  }
0x10: {  	s9 =	simm.s32 $0x6;
	[dreg:$0x6] =	wrdreg s13;
	s23 =	ssub.s32 s8, s22  }
0x11: {  	s8 =	sadd.s32 s24, s1;
	s22 =	simm.s32 $0x3780;
	s0 =	smax.u32 s23, $0x1  }
0x12: {  	s24 =	simm.s32 $0x5780;
	s12 =	sshrl.u32 s8, $0x3;
	[dreg:$0x8] =	wrdreg s0  }
0x13: {  	s23 =	simm.s32 $0x1;
	s0 =	simm.s32 $0x5;
	[dreg:$0x9] =	wrdreg s12  }
.LBB2_11:
0x14: {  	s8 =	rddreg [dreg:$0x5]  }
.LBB2_12:
0x15: {  	s12 =	rddreg [dreg:$0x7];
	[bflag:$0x0] =	sbarrier.arrive $0xFFFF  }
0x16: {  	s13 =	rddreg [dreg:$0x6]  }
0x17: {  	s8 =	sadd.s32 s8, s12;
	s12 =	rddreg [dreg:$0x9]  }
0x18: {  	[hbm:s8], [sflag:s13] =	dma.local [spmem:s12], $0x2780  }
0x19: {  	_ =	swait.ge [sflag:s16], $0x2780  }
0x1a: {  	s2 =	sadd.s32 $0x1, s2;
	s15 =	rddreg [dreg:$0x8]  }
0x1b: {  	p1 =	sne.s32 s2, s15  }
.Ltmp1:
0x1c: {  	_ = 	snop;
	(pc) =	sbr.rel @!p1 .LBB2_13-.Ltmp1, $3  }
0x1d: {  	_ =	sdelay $0x1  }
0x1e: {  	[sflag:s16] =	ssyncset.done $0x0  }
0x1f: {  	[sflag:s16] =	ssyncadd.s32 $0xFFFFD880  }
.LBB2_1:
0x20: {  	s8 =	rddreg [dreg:$0x3]  }
0x21: {  	[spmem:s12], [sflag:s13] =	dma.local [hbm:s8], $0x2780  }
.Ltmp2:
0x22: {  	_ =	swait.ge [sflag:s16], $0x2780;
	(pc) =	sbr.rel @p0 .LBB2_7-.Ltmp2, $4  }
.Ltmp3:
0x23: {  	[sflag:s16] =	ssyncset.done $0x0;
	(pc) =	sbr.rel @!p0 .LBB2_2-.Ltmp3, $4  }
0x24: {  	[sflag:s16] =	ssyncadd.s32 $0xFFFFD880  }
0x25: {  	[bflag:$0x0] =	sbarrier.arrive $0xFFFF  }
0x26: {  	s8 =	simm.s32 $0x0;
	s13 =	simm.s32 $0x0  }
0x27: {  	_ = 	snop  }
.LBB2_10:
0x28: {  	_ =	swait.ge [sflag:s30], $0x2000  }
0x29: {  	[sflag:s30] =	ssyncset.done $0x0  }
0x2a: {  	s13 =	sadd.s32 $0x1, s13;
	[sflag:s30] =	ssyncadd.s32 $0xFFFFE000  }
0x2b: {  	[spmem:s1] =	stream.indirect.scatter.add.f32 [tilespmem:s24], [sflag:$0x6], $0x80, s10, s20, $0xb8;
	[tilespmem:$0x1B380] =	vst v63  }
0x2c: {  	p1 =	sne.s32 s13, $0xB;
	_ =	swait.ge [sflag:s0], $0x2000  }
.Ltmp4:
0x2d: {  	[sflag:s0] =	ssyncset.done $0x0;
	(pc) =	sbr.rel @!p1 .LBB2_11-.Ltmp4, $4  }
0x2e: {  	[sflag:s0] =	ssyncadd.s32 $0xFFFFE000  }
0x2f: {  	_ =	swait.ge [sflag:s9], $0x2000  }
0x30: {  	[sflag:s9] =	ssyncset.done $0x0  }
0x31: {  	[sflag:s9] =	ssyncadd.s32 $0xFFFFE000  }
.LBB2_7:
0x32: {  	s12 =	sadd.s32 s11, s13  }
0x33: {  	s8 =	sshrl.u32 s12, $0x3  }
0x34: {  	s14 =	sshll.u32 s12, $0x7;
	s8 =	smul.u32 $0x3C00, s8  }
0x35: {  	s14 =	sand.u32 $0x380, s14  }
0x36: {  	s8 =	sor.u32 s14, s8  }
0x37: {  	s8 =	sshrl.u32 s8, $0x3  }
0x38: {  	s15 =	sadd.s32 s6, s8;
	s8 =	simm.s32 $0x0  }
0x39: {  	[tilespmem:s8], [sflag:$0x7] =	stream.strided.gather [hbm4b:s15+s17], $0x780, s18, s17, $0x38;
	[tilespmem:$0x1B380] =	vst v63  }
0x3a: {  	_ =	swait.ge [sflag:s16], $0x780  }
0x3b: {  	s12 =	sshll.u32 s12, $0x9;
	[sflag:s16] =	ssyncset.done $0x0  }
0x3c: {  	s12 =	sadd.s32 s7, s12;
	[sflag:s16] =	ssyncadd.s32 $0xFFFFF880  }
0x3d: {  	[tilespmem:s19], [sflag:$0x7] =	stream.linear.gather [hbm4b:s12+s8], $0xF00, $0x38;
	[tilespmem:$0x1B380] =	vst v63  }
0x3e: {  	_ =	swait.ge [sflag:s16], $0xF00  }
0x3f: {  	[sflag:s16] =	ssyncset.done $0x0  }
0x40: {  	[sflag:s16] =	ssyncadd.s32 $0xFFFFF100  }
0x41: {  	[tilespmem:s21], [sflag:$0x1] =	stream.indirect.gather [hbm4b:s5+s20], $0x80, s8, s20, $0xb8;
	[tilespmem:$0x1B380] =	vst v63  }
0x42: {  	_ = 	snop  }
0x43: {  	[tilespmem:s22], [sflag:$0x2] =	stream.indirect.gather [hbm4b:s5+s20], $0x80, s20, s20, $0xb8;
	[tilespmem:$0x1B380] =	vst v63  }
0x44: {  	_ =	swait.ge [sflag:s23], $0x2000  }
0x45: {  	[sflag:s23] =	ssyncset.done $0x0  }
0x46: {  	[sflag:s23] =	ssyncadd.s32 $0xFFFFE000  }
0x47: {  	[spmem:s1] =	stream.indirect.scatter.add.f32 [tilespmem:s21], [sflag:$0x4], $0x80, s19, s20, $0xb8;
	[tilespmem:$0x1B380] =	vst v63  }
0x48: {  	_ = 	snop  }
0x49: {  	[tilespmem:s24], [sflag:$0x3] =	stream.indirect.gather [hbm4b:s5+s20], $0x80, s17, s20, $0xb8;
	[tilespmem:$0x1B380] =	vst v63  }
0x4a: {  	_ =	swait.ge [sflag:s25], $0x2000  }
0x4b: {  	[sflag:s25] =	ssyncset.done $0x0  }
0x4c: {  	[sflag:s25] =	ssyncadd.s32 $0xFFFFE000  }
0x4d: {  	[spmem:s1] =	stream.indirect.scatter.add.f32 [tilespmem:s22], [sflag:$0x5], $0x80, s26, s20, $0xb8;
	[tilespmem:$0x1B380] =	vst v63  }
0x4e: {  	_ =	swait.ge [sflag:s28], $0x2000  }
0x4f: {  	[sflag:s28] =	ssyncset.done $0x0  }
0x50: {  	[sflag:s28] =	ssyncadd.s32 $0xFFFFE000  }
0x51: {  	[tilespmem:s21], [sflag:$0x1] =	stream.indirect.gather [hbm4b:s5+s20], $0x80, s29, s20, $0xb8;
	[tilespmem:$0x1B380] =	vst v63  }
0x52: {  	_ =	swait.ge [sflag:s30], $0x2000  }
0x53: {  	[sflag:s30] =	ssyncset.done $0x0  }
0x54: {  	[sflag:s30] =	ssyncadd.s32 $0xFFFFE000  }
0x55: {  	[spmem:s1] =	stream.indirect.scatter.add.f32 [tilespmem:s24], [sflag:$0x6], $0x80, s31, s20, $0xb8;
	[tilespmem:$0x1B380] =	vst v63  }
0x56: {  	_ =	swait.ge [sflag:s0], $0x2000  }
0x57: {  	[sflag:s0] =	ssyncset.done $0x0  }
0x58: {  	s14 =	simm.s32 $0xA00;
	[sflag:s0] =	ssyncadd.s32 $0xFFFFE000  }
0x59: {  	[tilespmem:s22], [sflag:$0x2] =	stream.indirect.gather [hbm4b:s5+s20], $0x80, s3, s20, $0xb8;
	[tilespmem:$0x1B380] =	vst v63  }
.LBB2_8:
0x5a: {  	_ =	swait.ge [sflag:s23], $0x2000  }
0x5b: {  	[sflag:s23] =	ssyncset.done $0x0  }
0x5c: {  	s12 =	sadd.s32 $0xFFFFFF00, s14;
	[sflag:s23] =	ssyncadd.s32 $0xFFFFE000  }
0x5d: {  	[spmem:s1] =	stream.indirect.scatter.add.f32 [tilespmem:s21], [sflag:$0x4], $0x80, s12, s20, $0xb8;
	[tilespmem:$0x1B380] =	vst v63  }
0x5e: {  	_ =	swait.ge [sflag:s9], $0x2000  }
0x5f: {  	s12 =	sshra.s32 s8, $0x2;
	[sflag:s9] =	ssyncset.done $0x0  }
0x60: {  	s15 =	sadd.s32 $0x140, s12;
	[sflag:s9] =	ssyncadd.s32 $0xFFFFE000  }
0x61: {  	[tilespmem:s24], [sflag:$0x3] =	stream.indirect.gather [hbm4b:s5+s20], $0x80, s15, s20, $0xb8;
	[tilespmem:$0x1B380] =	vst v63  }
0x62: {  	_ =	swait.ge [sflag:s25], $0x2000  }
0x63: {  	p1 =	seq.s32 s8, $0x1800;
	[sflag:s25] =	ssyncset.done $0x0  }
.Ltmp5:
0x64: {  	s15 =	sadd.s32 $0xFFFFFF80, s14;
	[sflag:s25] =	ssyncadd.s32 $0xFFFFE000;
	(pc) =	sbr.rel @p1 .LBB2_10-.Ltmp5, $4  }
0x65: {  	[spmem:s1] =	stream.indirect.scatter.add.f32 [tilespmem:s22], [sflag:$0x5], $0x80, s15, s20, $0xb8;
	[tilespmem:$0x1B380] =	vst v63  }
0x66: {  	_ =	swait.ge [sflag:s28], $0x2000  }
0x67: {  	[sflag:s28] =	ssyncset.done $0x0  }
0x68: {  	[sflag:s28] =	ssyncadd.s32 $0xFFFFE000  }
0x69: {  	s15 =	sadd.s32 $0x180, s12  }
0x6a: {  	[tilespmem:s21], [sflag:$0x1] =	stream.indirect.gather [hbm4b:s5+s20], $0x80, s15, s20, $0xb8;
	[tilespmem:$0x1B380] =	vst v63  }
0x6b: {  	_ =	swait.ge [sflag:s30], $0x2000  }
0x6c: {  	[sflag:s30] =	ssyncset.done $0x0  }
0x6d: {  	[sflag:s30] =	ssyncadd.s32 $0xFFFFE000  }
0x6e: {  	[spmem:s1] =	stream.indirect.scatter.add.f32 [tilespmem:s24], [sflag:$0x6], $0x80, s14, s20, $0xb8;
	[tilespmem:$0x1B380] =	vst v63  }
.Ltmp6:
0x6f: {  	_ = 	snop;
	(pc) =	sbr.rel .LBB2_8-.Ltmp6, $4  }
0x70: {  	_ =	swait.ge [sflag:s0], $0x2000  }
0x71: {  	s8 =	sadd.s32 $0x300, s8;
	[sflag:s0] =	ssyncset.done $0x0  }
0x72: {  	s15 =	sadd.s32 $0x1C0, s12;
	s14 =	sadd.s32 $0x180, s14;
	[sflag:s0] =	ssyncadd.s32 $0xFFFFE000  }
0x73: {  	[tilespmem:s22], [sflag:$0x2] =	stream.indirect.gather [hbm4b:s5+s20], $0x80, s15, s20, $0xb8;
	[tilespmem:$0x1B380] =	vst v63  }
.LBB2_5:
0x74: {  	_ =	swait.ge [sflag:s30], $0x2000  }
0x75: {  	[sflag:s30] =	ssyncset.done $0x0  }
0x76: {  	s8 =	sadd.s32 $0x1, s8;
	[sflag:s30] =	ssyncadd.s32 $0xFFFFE000  }
0x77: {  	[spmem:s1] =	stream.indirect.scatter.add.f32 [tilespmem:s24], [sflag:$0x6], $0x80, s10, s20, $0xb8;
	[tilespmem:$0x1B380] =	vst v63  }
0x78: {  	p1 =	seq.s32 s8, $0xB;
	_ =	swait.ge [sflag:s0], $0x2000  }
.Ltmp7:
0x79: {  	[sflag:s0] =	ssyncset.done $0x0;
	(pc) =	sbr.rel @p1 .LBB2_6-.Ltmp7, $4  }
0x7a: {  	[sflag:s0] =	ssyncadd.s32 $0xFFFFE000  }
0x7b: {  	_ =	swait.ge [sflag:s9], $0x2000  }
0x7c: {  	[sflag:s9] =	ssyncset.done $0x0  }
0x7d: {  	[sflag:s9] =	ssyncadd.s32 $0xFFFFE000  }
.LBB2_2:
0x7e: {  	s12 =	sadd.s32 s11, s8  }
0x7f: {  	s13 =	sshrl.u32 s12, $0x3  }
0x80: {  	s14 =	sshll.u32 s12, $0x7;
	s13 =	smul.u32 $0x3C00, s13  }
0x81: {  	s14 =	sand.u32 $0x380, s14  }
0x82: {  	s13 =	sor.u32 s14, s13  }
0x83: {  	s13 =	sshrl.u32 s13, $0x3  }
0x84: {  	s15 =	sadd.s32 s6, s13;
	s13 =	simm.s32 $0x0  }
0x85: {  	[tilespmem:s13], [sflag:$0x7] =	stream.strided.gather [hbm4b:s15+s17], $0x780, s18, s17, $0x38;
	[tilespmem:$0x1B380] =	vst v63  }
0x86: {  	_ =	swait.ge [sflag:s16], $0x780  }
0x87: {  	s12 =	sshll.u32 s12, $0x9;
	[sflag:s16] =	ssyncset.done $0x0  }
0x88: {  	s12 =	sadd.s32 s7, s12;
	[sflag:s16] =	ssyncadd.s32 $0xFFFFF880  }
0x89: {  	[tilespmem:s19], [sflag:$0x7] =	stream.linear.gather [hbm4b:s12+s13], $0xF00, $0x38;
	[tilespmem:$0x1B380] =	vst v63  }
0x8a: {  	_ =	swait.ge [sflag:s16], $0xF00  }
0x8b: {  	[sflag:s16] =	ssyncset.done $0x0  }
0x8c: {  	[sflag:s16] =	ssyncadd.s32 $0xFFFFF100  }
0x8d: {  	[tilespmem:s21], [sflag:$0x1] =	stream.indirect.gather [hbm4b:s4+s20], $0x80, s13, s20, $0xb8;
	[tilespmem:$0x1B380] =	vst v63  }
0x8e: {  	_ = 	snop  }
0x8f: {  	[tilespmem:s22], [sflag:$0x2] =	stream.indirect.gather [hbm4b:s4+s20], $0x80, s20, s20, $0xb8;
	[tilespmem:$0x1B380] =	vst v63  }
0x90: {  	_ =	swait.ge [sflag:s23], $0x2000  }
0x91: {  	[sflag:s23] =	ssyncset.done $0x0  }
0x92: {  	[sflag:s23] =	ssyncadd.s32 $0xFFFFE000  }
0x93: {  	[spmem:s1] =	stream.indirect.scatter.add.f32 [tilespmem:s21], [sflag:$0x4], $0x80, s19, s20, $0xb8;
	[tilespmem:$0x1B380] =	vst v63  }
0x94: {  	_ = 	snop  }
0x95: {  	[tilespmem:s24], [sflag:$0x3] =	stream.indirect.gather [hbm4b:s4+s20], $0x80, s17, s20, $0xb8;
	[tilespmem:$0x1B380] =	vst v63  }
0x96: {  	_ =	swait.ge [sflag:s25], $0x2000  }
0x97: {  	[sflag:s25] =	ssyncset.done $0x0  }
0x98: {  	[sflag:s25] =	ssyncadd.s32 $0xFFFFE000  }
0x99: {  	[spmem:s1] =	stream.indirect.scatter.add.f32 [tilespmem:s22], [sflag:$0x5], $0x80, s26, s20, $0xb8;
	[tilespmem:$0x1B380] =	vst v63  }
0x9a: {  	_ =	swait.ge [sflag:s28], $0x2000  }
0x9b: {  	[sflag:s28] =	ssyncset.done $0x0  }
0x9c: {  	[sflag:s28] =	ssyncadd.s32 $0xFFFFE000  }
0x9d: {  	[tilespmem:s21], [sflag:$0x1] =	stream.indirect.gather [hbm4b:s4+s20], $0x80, s29, s20, $0xb8;
	[tilespmem:$0x1B380] =	vst v63  }
0x9e: {  	_ =	swait.ge [sflag:s30], $0x2000  }
0x9f: {  	[sflag:s30] =	ssyncset.done $0x0  }
0xa0: {  	[sflag:s30] =	ssyncadd.s32 $0xFFFFE000  }
0xa1: {  	[spmem:s1] =	stream.indirect.scatter.add.f32 [tilespmem:s24], [sflag:$0x6], $0x80, s31, s20, $0xb8;
	[tilespmem:$0x1B380] =	vst v63  }
0xa2: {  	_ =	swait.ge [sflag:s0], $0x2000  }
0xa3: {  	[sflag:s0] =	ssyncset.done $0x0  }
0xa4: {  	s14 =	simm.s32 $0xA00;
	[sflag:s0] =	ssyncadd.s32 $0xFFFFE000  }
0xa5: {  	[tilespmem:s22], [sflag:$0x2] =	stream.indirect.gather [hbm4b:s4+s20], $0x80, s3, s20, $0xb8;
	[tilespmem:$0x1B380] =	vst v63  }
.LBB2_3:
0xa6: {  	_ =	swait.ge [sflag:s23], $0x2000  }
0xa7: {  	[sflag:s23] =	ssyncset.done $0x0  }
0xa8: {  	s12 =	sadd.s32 $0xFFFFFF00, s14;
	[sflag:s23] =	ssyncadd.s32 $0xFFFFE000  }
0xa9: {  	[spmem:s1] =	stream.indirect.scatter.add.f32 [tilespmem:s21], [sflag:$0x4], $0x80, s12, s20, $0xb8;
	[tilespmem:$0x1B380] =	vst v63  }
0xaa: {  	_ =	swait.ge [sflag:s9], $0x2000  }
0xab: {  	s12 =	sshra.s32 s13, $0x2;
	[sflag:s9] =	ssyncset.done $0x0  }
0xac: {  	s15 =	sadd.s32 $0x140, s12;
	[sflag:s9] =	ssyncadd.s32 $0xFFFFE000  }
0xad: {  	[tilespmem:s24], [sflag:$0x3] =	stream.indirect.gather [hbm4b:s4+s20], $0x80, s15, s20, $0xb8;
	[tilespmem:$0x1B380] =	vst v63  }
0xae: {  	_ =	swait.ge [sflag:s25], $0x2000  }
0xaf: {  	p1 =	seq.s32 s13, $0x1800;
	[sflag:s25] =	ssyncset.done $0x0  }
.Ltmp8:
0xb0: {  	s15 =	sadd.s32 $0xFFFFFF80, s14;
	[sflag:s25] =	ssyncadd.s32 $0xFFFFE000;
	(pc) =	sbr.rel @p1 .LBB2_5-.Ltmp8, $4  }
0xb1: {  	[spmem:s1] =	stream.indirect.scatter.add.f32 [tilespmem:s22], [sflag:$0x5], $0x80, s15, s20, $0xb8;
	[tilespmem:$0x1B380] =	vst v63  }
0xb2: {  	_ =	swait.ge [sflag:s28], $0x2000  }
0xb3: {  	[sflag:s28] =	ssyncset.done $0x0  }
0xb4: {  	[sflag:s28] =	ssyncadd.s32 $0xFFFFE000  }
0xb5: {  	s15 =	sadd.s32 $0x180, s12  }
0xb6: {  	[tilespmem:s21], [sflag:$0x1] =	stream.indirect.gather [hbm4b:s4+s20], $0x80, s15, s20, $0xb8;
	[tilespmem:$0x1B380] =	vst v63  }
0xb7: {  	_ =	swait.ge [sflag:s30], $0x2000  }
0xb8: {  	[sflag:s30] =	ssyncset.done $0x0  }
0xb9: {  	[sflag:s30] =	ssyncadd.s32 $0xFFFFE000  }
0xba: {  	[spmem:s1] =	stream.indirect.scatter.add.f32 [tilespmem:s24], [sflag:$0x6], $0x80, s14, s20, $0xb8;
	[tilespmem:$0x1B380] =	vst v63  }
.Ltmp9:
0xbb: {  	_ = 	snop;
	(pc) =	sbr.rel .LBB2_3-.Ltmp9, $4  }
0xbc: {  	_ =	swait.ge [sflag:s0], $0x2000  }
0xbd: {  	s13 =	sadd.s32 $0x300, s13;
	[sflag:s0] =	ssyncset.done $0x0  }
0xbe: {  	s15 =	sadd.s32 $0x1C0, s12;
	s14 =	sadd.s32 $0x180, s14;
	[sflag:s0] =	ssyncadd.s32 $0xFFFFE000  }
0xbf: {  	[tilespmem:s22], [sflag:$0x2] =	stream.indirect.gather [hbm4b:s4+s20], $0x80, s15, s20, $0xb8;
	[tilespmem:$0x1B380] =	vst v63  }
.LBB2_6:
.Ltmp10:
0xc0: {  	(pc) =	sbr.rel .LBB2_12-.Ltmp10, $2  }
0xc1: {  	_ =	sdelay $0x2  }
0xc2: {  	s8 =	rddreg [dreg:$0x4]  }
.LBB2_13:
0xc3: {  	_ =	sfence.sel $0x180000  }
0xc4: {  	[bflag:$0x0] =	sbarrier.arrive $0xFFFF  }
0xc5: {  	_ =	strace $0x9000004D  }
0xc6: {  	s0 =	stileid.u32;
	[bflag:$0x2] =	sbarrier.arrive $0xFFFF  }
0xc7: {  	p0 =	sne.s32 s0, $0x0;
	s0 =	rddreg [dreg:$0x2]  }
0xc8: {  	s0 =	sadd.s32 @!p0 $0x100000, s0  }
0xc9: {  	[sflag:s0] =	ssyncadd.tile.s32 @!p0 $0x1;
	_ =	shalt  }
.Lfunc_end2:
_tile_overlayer_lowered:
.L_overlay_start_2:
0xca: {  	(tag) =	ssettag $0x2  }
0xcb: {  	s0 =	rddreg [dreg:$0x0];
	s2 =	stileid.u32  }
0xcc: {  	s1 =	rddreg [dreg:$0x1];
	p0 =	sne.s32 s2, $0x0  }
0xcd: {  	s3 =	rddreg [dreg:$0x2];
	[bflag:$0x3] =	sbarrier.arrive $0xFFFF;
	s2 =	simm.s32 @!p0 $0x1C07  }
0xce: {  	[timem:s3], [sflag:s2] =	dma.local @!p0 [hbm:s0], s1  }
0xcf: {  	s0 =	simm.s32 @!p0 $0x7  }
0xd0: {  	_ =	swait.ge @!p0 [sflag:s0], s1  }
0xd1: {  	s1 =	ssub.s32 @!p0 $0x0, s1;
	[sflag:s0] =	ssyncset.done @!p0 $0x0  }
0xd2: {  	[sflag:s0] =	ssyncadd.s32 @!p0 s1  }
0xd3: {  	[bflag:$0x3] =	sbarrier.arrive $0xFFFF  }
0xd4: {  	_ =	shalt  }

// kernel: kernel.8.cloned.1.call-start
scs
__scs_entry_jumppad:
0x0: {  	(pc) =	sbr.rel $0x88, $3  }
0x1: {  	(tag) =	ssettag $0x0;
	lr =	simm.s32 $0x1  }
0x2: {  	[smem:$0x3F92] =	sst lr;
	_ =	strace $0xD0000000  }
0x3: {  	_ = 	snop  }
0x4: {  	_ = 	snop  }
0x5: {  	_ = 	snop  }
0x6: {  	_ = 	snop  }
0x7: {  	_ = 	snop  }
__scs_overlays_trampoline_lowered:
0x8: {  	[smem:$0x3FA1] =	sst s0  }
0x9: {  	[smem:$0x3FA2] =	sst s1  }
0xa: {  	[smem:$0x3FA3] =	sst s2  }
0xb: {  	[smem:$0x3FA4] =	sst s3  }
0xc: {  	[smem:$0x3FA5] =	sst s4  }
0xd: {  	[smem:$0x3FA6] =	sst s5  }
0xe: {  	[smem:$0x3FA7] =	sst s6  }
0xf: {  	[smem:$0x3FA8] =	sst s7  }
0x10: {  	[smem:$0x3FA9] =	sst s8  }
0x11: {  	[smem:$0x3FAA] =	sst s9;
	s0 =	simm.s32 @!p0 $0x0  }
0x12: {  	s1 =	sld [smem:$0x3F90];
	s0 =	simm.s32 @p0 $0x1  }
0x13: {  	[smem:$0x3FAB] =	sst s0;
	s0 =	simm.s32 @!p1 $0x0  }
0x14: {  	s2 =	sld [smem:$0x3F8F];
	s0 =	simm.s32 @p1 $0x1  }
0x15: {  	[smem:$0x3FAC] =	sst s0;
	s0 =	simm.s32 @!p2 $0x0  }
0x16: {  	s3 =	sld [smem:$0x3FDB];
	s0 =	simm.s32 @p2 $0x1  }
0x17: {  	s4 =	simm.s32 $0x1BF5;
	[smem:$0x3FAE] =	sst s0  }
0x18: {  	s0 =	sld [smem:$0x3F91];
	_ =	swait.ge [sflag:s4], $0x0  }
0x19: {  	s7 =	sld [smem:$0x3F92]  }
0x1a: {  	s8 =	sadd.s32 $0xFFFFE003, lr  }
0x1b: {  	s9 =	sadd.s32 $0xFFFFFEF7, lr;
	s5 =	simm.s32 $0xFFFFFFFF;
	p2 =	slt.u32 s8, $0xFFFFF086  }
0x1c: {  	p1 =	slt.u32 s9, $0xF7A;
	s5 =	simm.s32 @!p2 $0x0  }
0x1d: {  	s5 =	simm.s32 @p1 $0x1;
	p0 =	seq.s32 s7, s2  }
0x1e: {  	s7 =	smul.u32 @!p0 $0xF7A, s2;
	p2 =	seq.s32 @!p0 s5, $0x0  }
0x1f: {  	s9 =	smul.u32 $0xF7A, s1;
	s8 =	simm.s32 @!p0 $0x1BF5;
	p2 =	por !p2, p0  }
0x20: {  	[sflag:s8] =	ssyncset.s32 @!p0 $0xFFFFF086;
	s6 =	sadd.s32 @!p0 s3, s7;
	s7 =	simm.s32 @!p0 $0x108  }
0x21: {  	s3 =	sadd.s32 s3, s9;
	s6 =	sadd.s32 @!p0 $0x88, s6;
	s7 =	simm.s32 @p2 $0x1082  }
0x22: {  	[simem:s7], [sflag:s8] =	dma.local @!p0 [hbm:s6], $0xF7A  }
0x23: {  	s9 =	sor.u32 $0xD0000000, s2;
	s6 =	simm.s32 $0x108;
	_ =	swait.ge @!p0 [sflag:s8], $0x0  }
0x24: {  	s3 =	sadd.s32 $0x88, s3;
	s6 =	simm.s32 @!p1 $0x1082;
	[sflag:s4] =	ssyncset.s32 $0xFFFFF086  }
0x25: {  	[simem:s6], [sflag:s4] =	dma.local [hbm:s3], $0xF7A  }
0x26: {  	[smem:$0x3F92] =	sst s1;
	(tag) =	ssettag s2;
	_ =	strace s9  }
0x27: {  	s1 =	sld [smem:$0x3FA2]  }
0x28: {  	s2 =	sld [smem:$0x3FA3]  }
0x29: {  	s4 =	sld [smem:$0x3FA5]  }
0x2a: {  	p0 =	seq.s32 s5, $0x0;
	s5 =	sld [smem:$0x3FA6]  }
0x2b: {  	s6 =	sld [smem:$0x3FA7]  }
0x2c: {  	s7 =	sld [smem:$0x3FA8]  }
0x2d: {  	s3 =	simm.s32 $0x108;
	s8 =	sld [smem:$0x3FA9]  }
0x2e: {  	s3 =	simm.s32 @!p0 $0x1082;
	s9 =	sld [smem:$0x3FAA]  }
0x2f: {  	lr =	sadd.s32 s0, s3;
	s0 =	sld [smem:$0x3FA1]  }
0x30: {  	s3 =	sld [smem:$0x3FA4]  }
0x31: {  	[smem:$0x3FAD] =	sst s10  }
0x32: {  	s10 =	sld [smem:$0x3FAB];
	_ =	sdelay $0x3  }
0x33: {  	p0 =	seq.s32 s10, $0x1;
	s10 =	sld [smem:$0x3FAD];
	_ =	sdelay $0x3  }
0x34: {  	[smem:$0x3FAD] =	sst s10  }
0x35: {  	s10 =	sld [smem:$0x3FAC];
	_ =	sdelay $0x3  }
0x36: {  	p1 =	seq.s32 s10, $0x1;
	s10 =	sld [smem:$0x3FAD];
	_ =	sdelay $0x3  }
0x37: {  	[smem:$0x3FAD] =	sst s10  }
0x38: {  	s10 =	sld [smem:$0x3FAE]  }
0x39: {  	_ = 	snop;
	(pc) =	sbr.ind lr, $3  }
0x3a: {  	_ = 	snop  }
0x3b: {  	_ = 	snop  }
0x3c: {  	p2 =	seq.s32 s10, $0x1;
	s10 =	sld [smem:$0x3FAD]  }
0x3d: {  	_ =	shalt  }
0x3e: {  	_ =	shalt  }
0x3f: {  	_ =	shalt  }
0x40: {  	_ =	shalt  }
0x41: {  	_ =	shalt  }
0x42: {  	_ =	shalt  }
0x43: {  	_ =	shalt  }
0x44: {  	_ =	shalt  }
0x45: {  	_ =	shalt  }
0x46: {  	_ =	shalt  }
0x47: {  	_ =	shalt  }
0x48: {  	_ =	shalt  }
0x49: {  	_ =	shalt  }
0x4a: {  	_ =	shalt  }
0x4b: {  	_ =	shalt  }
0x4c: {  	_ =	shalt  }
0x4d: {  	_ =	shalt  }
0x4e: {  	_ =	shalt  }
0x4f: {  	_ =	shalt  }
0x50: {  	_ =	shalt  }
0x51: {  	_ =	shalt  }
0x52: {  	_ =	shalt  }
0x53: {  	_ =	shalt  }
0x54: {  	_ =	shalt  }
0x55: {  	_ =	shalt  }
0x56: {  	_ =	shalt  }
0x57: {  	_ =	shalt  }
0x58: {  	_ =	shalt  }
0x59: {  	_ =	shalt  }
0x5a: {  	_ =	shalt  }
0x5b: {  	_ =	shalt  }
0x5c: {  	_ =	shalt  }
0x5d: {  	_ =	shalt  }
0x5e: {  	_ =	shalt  }
0x5f: {  	_ =	shalt  }
0x60: {  	_ =	shalt  }
0x61: {  	_ =	shalt  }
0x62: {  	_ =	shalt  }
0x63: {  	_ =	shalt  }
0x64: {  	_ =	shalt  }
0x65: {  	_ =	shalt  }
0x66: {  	_ =	shalt  }
0x67: {  	_ =	shalt  }
0x68: {  	_ =	shalt  }
0x69: {  	_ =	shalt  }
0x6a: {  	_ =	shalt  }
0x6b: {  	_ =	shalt  }
0x6c: {  	_ =	shalt  }
0x6d: {  	_ =	shalt  }
0x6e: {  	_ =	shalt  }
0x6f: {  	_ =	shalt  }
0x70: {  	_ =	shalt  }
0x71: {  	_ =	shalt  }
0x72: {  	_ =	shalt  }
0x73: {  	_ =	shalt  }
0x74: {  	_ =	shalt  }
0x75: {  	_ =	shalt  }
0x76: {  	_ =	shalt  }
0x77: {  	_ =	shalt  }
0x78: {  	_ =	shalt  }
0x79: {  	_ =	shalt  }
0x7a: {  	_ =	shalt  }
0x7b: {  	_ =	shalt  }
0x7c: {  	_ =	shalt  }
0x7d: {  	_ =	shalt  }
0x7e: {  	_ =	shalt  }
0x7f: {  	_ =	shalt  }
0x80: {  	_ =	shalt  }
0x81: {  	_ =	shalt  }
0x82: {  	_ =	shalt  }
0x83: {  	_ =	shalt  }
0x84: {  	_ =	shalt  }
0x85: {  	_ =	shalt  }
0x86: {  	_ =	shalt  }
0x87: {  	_ =	shalt  }
.Lfunc_end0:
.L_simem_size_0:
called_computation_lowered:
.L_overlay_start_0:
0x88: {  	s2 =	sld [smem:$0x3FD9]  }
0x89: {  	s3 =	sld [smem:$0x3FFE];
	_ =	sdelay $0x1  }
0x8a: {  	s1 =	srdreg.scid  }
0x8b: {  	s0 =	sand.u32 $0x1, s1  }
0x8c: {  	s16 =	sshll.u32 s0, $0xA;
	s2 =	sadd.s32 s3, s2  }
0x8d: {  	s2 =	sadd.s32 s2, s16  }
0x8e: {  	[smem:$0x3FB9] =	sst s2  }
0x8f: {  	_ = 	snop  }
0x90: {  	(tm) =	ssettm $0x1  }
0x91: {  	s17 =	sld [smem:$0x3FFB];
	_ =	sdelay $0x3  }
0x92: {  	_ =	strace s17  }
0x93: {  	s2 =	sld [smem:$0x3FFC];
	_ =	sdelay $0x3  }
0x94: {  	_ =	strace s2  }
0x95: {  	s2 =	sld [smem:$0x3FFD];
	_ =	sdelay $0x3  }
0x96: {  	_ =	strace s2  }
0x97: {  	_ =	strace $0x8FFFFFFF  }
0x98: {  	s18 =	sld [smem:$0x3FDB];
	_ =	sdelay $0x1  }
0x99: {  	s19 =	simm.s32 $_scs_section_size  }
0x9a: {  	s4 =	simm.s32 $_size__tile_overlayer_lowered;
	s5 =	simm.s32 $_tile_overlayer_lowered  }
0x9b: {  	s22 =	simm.s32 $0x1BFF;
	s21 =	sshll.u32 s5, $0x1;
	s2 =	sadd.s32 s19, s18  }
0x9c: {  	s6 =	simm.s32 $0x0;
	s20 =	sshll.u32 s4, $0x1;
	s4 =	sadd.s32 s21, s2  }
0x9d: {  	[timem:s6], [sflag:s22] =	dma.local [hbm:s4], s20  }
0x9e: {  	_ =	swait.ge [sflag:s22], s20  }
0x9f: {  	s3 =	ssub.s32 $0x0, s20;
	[sflag:s22] =	ssyncset.done $0x0  }
0xa0: {  	[sflag:s22] =	ssyncadd.s32 s3;
	_ =	sdelay $0x1  }
0xa1: {  	s23 =	simm.s32 $0x1B8B  }
0xa2: {  	_ =	swait.ge [sflag:s23], $0x1  }
0xa3: {  	[sflag:s23] =	ssyncset.done $0x0  }
0xa4: {  	s25 =	simm.s32 $0x1B8E;
	s24 =	sld [smem:$0x3FFE];
	[sflag:s23] =	ssyncadd.s32 $0xFFFFFFFF  }
0xa5: {  	s26 =	simm.s32 $execute0_lowered;
	[smem:$0x3FD2] =	sst s25  }
0xa6: {  	s4 =	sshll.u32 s26, $0x1;
	_ =	strace $0x80000046;
	[dreg:$0x1] =	wrdreg $0xFFFFFFFF  }
0xa7: {  	s28 =	simm.s32 $_size_execute0_lowered;
	s2 =	sadd.s32 s2, s4;
	[dreg:$0x0] =	wrdreg $0x0  }
0xa8: {  	s4 =	sshll.u32 s28, $0x1;
	[dreg:$0x2] =	wrdreg s2  }
0xa9: {  	[dreg:$0x3] =	wrdreg s4  }
0xaa: {  	[dreg:$0x4] =	wrdreg $0xC0  }
0xab: {  	_ =	task [dreg:s6], $0x5FFFF  }
0xac: {  	[dreg:$0x1] =	wrdreg $0xFFFFFFFF  }
0xad: {  	[dreg:$0x0] =	wrdreg $0x60  }
0xae: {  	[dreg:$0x2] =	wrdreg s24  }
0xaf: {  	[dreg:$0x3] =	wrdreg $0x77800  }
0xb0: {  	[dreg:$0x4] =	wrdreg $0x9  }
0xb1: {  	_ =	task.clear_ibuf [dreg:s6], $0x5FFFF;
	_ =	strace $0x90000046  }
0xb2: {  	s29 =	simm.s32 $0x9;
	_ =	strace $0x80000048  }
0xb3: {  	_ =	swait.ge [sflag:s29], $0x1  }
0xb4: {  	[sflag:s29] =	ssyncadd.s32 $0xFFFFFFFF  }
0xb5: {  	_ =	strace $0x90000048  }
0xb6: {  	_ =	sfence  }
0xb7: {  	s30 =	sld [smem:$0x0];
	_ =	sdelay $0x2  }
0xb8: {  	s31 =	sshll.u32 s1, $0xD;
	s1 =	sshrl.u32 s1, $0x2  }
0xb9: {  	s3 =	sand.u32 $0x4000, s31;
	s1 =	sadd.s32 s1, s30  }
0xba: {  	s0 =	sor.u32 s3, s0;
	s1 =	sshll.u32 s1, $0x11  }
0xbb: {  	s0 =	sor.u32 s1, s0  }
0xbc: {  	s0 =	sadd.s32 $0x8F2B, s0  }
0xbd: {  	[sflag:s0] =	ssyncadd.remote.s32 $0x1  }
0xbe: {  	_ =	sfence.sel $0xFFFF  }
0xbf: {  	[dreg:$0x0] =	wrdreg $0xFFFFFFFF;
	(pc) =	sbr.abs _section_cstart, $3  }
0xc0: {  	[dreg:$0x1] =	wrdreg $0xFFFFFFFF  }
0xc1: {  	_ =	task.clear_ibuf [dreg:s6], $0x2FFFF;
	_ =	strace $0x9FFFFFFF  }
0xc2: {  	(tm) =	ssettm $0x7FFFFFFF  }
0xc3: {  	_ =	shalt  }
tec
execute0_lowered:
.L_overlay_start_1:
0x0: {  	(tag) =	ssettag $0x1  }
0x1: {  	s0 =	rddreg [dreg:$0x0]  }
0x2: {  	s1 =	rddreg [dreg:$0x1]  }
0x3: {  	s2 =	simm.s32 $0x0;
	s3 =	srdreg.scid;
	s11 =	stileid.u32  }
0x4: {  	s15 =	simm.s32 $0x7;
	s16 =	simm.s32 $0x80;
	s17 =	simm.s32 $0x400  }
0x5: {  	s18 =	simm.s32 $0x780;
	s19 =	simm.s32 $0x40;
	s20 =	simm.s32 $0x1780  }
0x6: {  	s28 =	simm.s32 $0xC0;
	s29 =	simm.s32 $0x3;
	s30 =	simm.s32 $0x880  }
0x7: {  	s31 =	simm.s32 $0x5;
	[smem:$0x7FF] =	sst s2;
	s4 =	sadd.s32 $0x27800, s0  }
0x8: {  	s5 =	sadd.s32 $0x1AA00, s0;
	s3 =	sand.u32 $0x1, s3;
	s6 =	sadd.s32 $0x4A00, s0  }
0x9: {  	s8 =	smul.u32 $0x4F000, s11;
	s9 =	sadd.s32 $0x25000, s0;
	s21 =	sadd.s32 $0x76200, s0  }
0xa: {  	s0 =	sadd.s32 $0x4EA00, s0;
	_ =	strace $0x80000047;
	[dreg:$0x3] =	wrdreg s9  }
0xb: {  	s25 =	sshll.u32 s11, $0x6;
	s10 =	smul.u32 $0xB, s11;
	[dreg:$0x4] =	wrdreg s21  }
0xc: {  	s26 =	smul.u32 $0x2780, s11;
	s7 =	ssub.s32 $0x2, s3;
	[dreg:$0x5] =	wrdreg s0  }
0xd: {  	s9 =	sor.u32 $0x1C07, s25;
	p0 =	seq.s32 s3, $0x1;
	s21 =	simm.s32 $0x3780  }
0xe: {  	s25 =	simm.s32 $0x800;
	s3 =	simm.s32 $0x6;
	s22 =	sshrl.u32 s7, $0x1  }
.Ltmp0:
0xf: {  	s24 =	sshrl.u32 s8, $0x2;
	[dreg:$0x6] =	wrdreg s26;
	(pc) =	sbr.rel .LBB2_1-.Ltmp0, $4  }
0x10: {  	s26 =	simm.s32 $0x4;
	s8 =	simm.s32 $0x1600;
	[dreg:$0x8] =	wrdreg s9  }
0x11: {  	s23 =	ssub.s32 s7, s22;
	s7 =	sadd.s32 s24, s1;
	s22 =	simm.s32 $0x1  }
0x12: {  	s24 =	simm.s32 $0x2;
	s0 =	smax.u32 s23, $0x1;
	s11 =	sshrl.u32 s7, $0x3  }
0x13: {  	s23 =	simm.s32 $0x5780;
	[dreg:$0x7] =	wrdreg s0;
	s0 =	simm.s32 $0x100  }
.LBB2_11:
0x14: {  	s7 =	rddreg [dreg:$0x5]  }
.LBB2_12:
0x15: {  	s9 =	rddreg [dreg:$0x6];
	[bflag:$0x0] =	sbarrier.arrive $0xFFFF  }
0x16: {  	s7 =	sadd.s32 s7, s9;
	s9 =	rddreg [dreg:$0x8]  }
0x17: {  	[hbm:s7], [sflag:s9] =	dma.local [spmem:s14], $0x2780  }
0x18: {  	_ =	swait.ge [sflag:s15], $0x2780  }
0x19: {  	s11 =	smov.u32 s14;
	s2 =	sadd.s32 $0x1, s2;
	s14 =	rddreg [dreg:$0x7]  }
0x1a: {  	p1 =	sne.s32 s2, s14  }
.Ltmp1:
0x1b: {  	_ = 	snop;
	(pc) =	sbr.rel @!p1 .LBB2_13-.Ltmp1, $3  }
0x1c: {  	_ =	sdelay $0x1  }
0x1d: {  	[sflag:s15] =	ssyncset.done $0x0  }
0x1e: {  	[sflag:s15] =	ssyncadd.s32 $0xFFFFD880  }
.LBB2_1:
0x1f: {  	s7 =	rddreg [dreg:$0x3]  }
0x20: {  	[spmem:s11], [sflag:s9] =	dma.local [hbm:s7], $0x2780  }
.Ltmp2:
0x21: {  	_ =	swait.ge [sflag:s15], $0x2780;
	(pc) =	sbr.rel @p0 .LBB2_7-.Ltmp2, $4  }
.Ltmp3:
0x22: {  	[sflag:s15] =	ssyncset.done $0x0;
	(pc) =	sbr.rel @!p0 .LBB2_2-.Ltmp3, $4  }
0x23: {  	[sflag:s15] =	ssyncadd.s32 $0xFFFFD880  }
0x24: {  	[bflag:$0x0] =	sbarrier.arrive $0xFFFF  }
0x25: {  	s14 =	smov.u32 s11;
	s9 =	simm.s32 $0x0;
	s7 =	simm.s32 $0x0  }
0x26: {  	_ = 	snop  }
.LBB2_10:
0x27: {  	_ =	swait.ge [sflag:s29], $0x2000  }
0x28: {  	[sflag:s29] =	ssyncset.done $0x0  }
0x29: {  	s7 =	sadd.s32 $0x1, s7;
	[sflag:s29] =	ssyncadd.s32 $0xFFFFE000  }
0x2a: {  	[spmem:s1] =	stream.indirect.scatter.add.f32 [tilespmem:s23], [sflag:$0x6], $0x80, s8, s19, $0xb8;
	[tilespmem:$0x1B380] =	vst v63  }
0x2b: {  	p1 =	sne.s32 s7, $0xB;
	_ =	swait.ge [sflag:s31], $0x2000  }
.Ltmp4:
0x2c: {  	[sflag:s31] =	ssyncset.done $0x0;
	(pc) =	sbr.rel @!p1 .LBB2_11-.Ltmp4, $4  }
0x2d: {  	[sflag:s31] =	ssyncadd.s32 $0xFFFFE000  }
0x2e: {  	_ =	swait.ge [sflag:s3], $0x2000  }
0x2f: {  	[sflag:s3] =	ssyncset.done $0x0  }
0x30: {  	[sflag:s3] =	ssyncadd.s32 $0xFFFFE000  }
.LBB2_7:
0x31: {  	s11 =	sadd.s32 s10, s7  }
0x32: {  	s9 =	sshrl.u32 s11, $0x3  }
0x33: {  	s12 =	sshll.u32 s11, $0x7;
	s9 =	smul.u32 $0x3C00, s9  }
0x34: {  	s12 =	sand.u32 $0x380, s12  }
0x35: {  	s9 =	sor.u32 s12, s9  }
0x36: {  	s9 =	sshrl.u32 s9, $0x3  }
0x37: {  	s13 =	sadd.s32 s5, s9;
	s9 =	simm.s32 $0x0  }
0x38: {  	[tilespmem:s9], [sflag:$0x7] =	stream.strided.gather [hbm4b:s13+s16], $0x780, s17, s16, $0x38;
	[tilespmem:$0x1B380] =	vst v63  }
0x39: {  	_ =	swait.ge [sflag:s15], $0x780  }
0x3a: {  	s11 =	sshll.u32 s11, $0x9;
	[sflag:s15] =	ssyncset.done $0x0  }
0x3b: {  	s11 =	sadd.s32 s6, s11;
	[sflag:s15] =	ssyncadd.s32 $0xFFFFF880  }
0x3c: {  	[tilespmem:s18], [sflag:$0x7] =	stream.linear.gather [hbm4b:s11+s9], $0xF00, $0x38;
	[tilespmem:$0x1B380] =	vst v63  }
0x3d: {  	_ =	swait.ge [sflag:s15], $0xF00  }
0x3e: {  	[sflag:s15] =	ssyncset.done $0x0  }
0x3f: {  	[sflag:s15] =	ssyncadd.s32 $0xFFFFF100  }
0x40: {  	[tilespmem:s20], [sflag:$0x1] =	stream.indirect.gather [hbm4b:s4+s19], $0x80, s9, s19, $0xb8;
	[tilespmem:$0x1B380] =	vst v63  }
0x41: {  	_ = 	snop  }
0x42: {  	[tilespmem:s21], [sflag:$0x2] =	stream.indirect.gather [hbm4b:s4+s19], $0x80, s19, s19, $0xb8;
	[tilespmem:$0x1B380] =	vst v63  }
0x43: {  	_ =	swait.ge [sflag:s22], $0x2000  }
0x44: {  	[sflag:s22] =	ssyncset.done $0x0  }
0x45: {  	[sflag:s22] =	ssyncadd.s32 $0xFFFFE000  }
0x46: {  	[spmem:s1] =	stream.indirect.scatter.add.f32 [tilespmem:s20], [sflag:$0x4], $0x80, s18, s19, $0xb8;
	[tilespmem:$0x1B380] =	vst v63  }
0x47: {  	_ = 	snop  }
0x48: {  	[tilespmem:s23], [sflag:$0x3] =	stream.indirect.gather [hbm4b:s4+s19], $0x80, s16, s19, $0xb8;
	[tilespmem:$0x1B380] =	vst v63  }
0x49: {  	_ =	swait.ge [sflag:s24], $0x2000  }
0x4a: {  	[sflag:s24] =	ssyncset.done $0x0  }
0x4b: {  	[sflag:s24] =	ssyncadd.s32 $0xFFFFE000  }
0x4c: {  	[spmem:s1] =	stream.indirect.scatter.add.f32 [tilespmem:s21], [sflag:$0x5], $0x80, s25, s19, $0xb8;
	[tilespmem:$0x1B380] =	vst v63  }
0x4d: {  	_ =	swait.ge [sflag:s26], $0x2000  }
0x4e: {  	[sflag:s26] =	ssyncset.done $0x0  }
0x4f: {  	[sflag:s26] =	ssyncadd.s32 $0xFFFFE000  }
0x50: {  	[tilespmem:s20], [sflag:$0x1] =	stream.indirect.gather [hbm4b:s4+s19], $0x80, s28, s19, $0xb8;
	[tilespmem:$0x1B380] =	vst v63  }
0x51: {  	_ =	swait.ge [sflag:s29], $0x2000  }
0x52: {  	[sflag:s29] =	ssyncset.done $0x0  }
0x53: {  	[sflag:s29] =	ssyncadd.s32 $0xFFFFE000  }
0x54: {  	[spmem:s1] =	stream.indirect.scatter.add.f32 [tilespmem:s23], [sflag:$0x6], $0x80, s30, s19, $0xb8;
	[tilespmem:$0x1B380] =	vst v63  }
0x55: {  	_ =	swait.ge [sflag:s31], $0x2000  }
0x56: {  	[sflag:s31] =	ssyncset.done $0x0  }
0x57: {  	s12 =	simm.s32 $0xA00;
	[sflag:s31] =	ssyncadd.s32 $0xFFFFE000  }
0x58: {  	[tilespmem:s21], [sflag:$0x2] =	stream.indirect.gather [hbm4b:s4+s19], $0x80, s0, s19, $0xb8;
	[tilespmem:$0x1B380] =	vst v63  }
.LBB2_8:
0x59: {  	_ =	swait.ge [sflag:s22], $0x2000  }
0x5a: {  	[sflag:s22] =	ssyncset.done $0x0  }
0x5b: {  	s11 =	sadd.s32 $0xFFFFFF00, s12;
	[sflag:s22] =	ssyncadd.s32 $0xFFFFE000  }
0x5c: {  	[spmem:s1] =	stream.indirect.scatter.add.f32 [tilespmem:s20], [sflag:$0x4], $0x80, s11, s19, $0xb8;
	[tilespmem:$0x1B380] =	vst v63  }
0x5d: {  	_ =	swait.ge [sflag:s3], $0x2000  }
0x5e: {  	s13 =	sshra.s32 s9, $0x2;
	[sflag:s3] =	ssyncset.done $0x0  }
0x5f: {  	s11 =	sadd.s32 $0x140, s13;
	[sflag:s3] =	ssyncadd.s32 $0xFFFFE000  }
0x60: {  	[tilespmem:s23], [sflag:$0x3] =	stream.indirect.gather [hbm4b:s4+s19], $0x80, s11, s19, $0xb8;
	[tilespmem:$0x1B380] =	vst v63  }
0x61: {  	_ =	swait.ge [sflag:s24], $0x2000  }
0x62: {  	p1 =	seq.s32 s9, $0x1800;
	[sflag:s24] =	ssyncset.done $0x0  }
.Ltmp5:
0x63: {  	s11 =	sadd.s32 $0xFFFFFF80, s12;
	[sflag:s24] =	ssyncadd.s32 $0xFFFFE000;
	(pc) =	sbr.rel @p1 .LBB2_10-.Ltmp5, $4  }
0x64: {  	[spmem:s1] =	stream.indirect.scatter.add.f32 [tilespmem:s21], [sflag:$0x5], $0x80, s11, s19, $0xb8;
	[tilespmem:$0x1B380] =	vst v63  }
0x65: {  	_ =	swait.ge [sflag:s26], $0x2000  }
0x66: {  	[sflag:s26] =	ssyncset.done $0x0  }
0x67: {  	[sflag:s26] =	ssyncadd.s32 $0xFFFFE000  }
0x68: {  	s11 =	sadd.s32 $0x180, s13  }
0x69: {  	[tilespmem:s20], [sflag:$0x1] =	stream.indirect.gather [hbm4b:s4+s19], $0x80, s11, s19, $0xb8;
	[tilespmem:$0x1B380] =	vst v63  }
0x6a: {  	_ =	swait.ge [sflag:s29], $0x2000  }
0x6b: {  	[sflag:s29] =	ssyncset.done $0x0  }
0x6c: {  	[sflag:s29] =	ssyncadd.s32 $0xFFFFE000  }
0x6d: {  	[spmem:s1] =	stream.indirect.scatter.add.f32 [tilespmem:s23], [sflag:$0x6], $0x80, s12, s19, $0xb8;
	[tilespmem:$0x1B380] =	vst v63  }
.Ltmp6:
0x6e: {  	_ = 	snop;
	(pc) =	sbr.rel .LBB2_8-.Ltmp6, $4  }
0x6f: {  	_ =	swait.ge [sflag:s31], $0x2000  }
0x70: {  	s13 =	sadd.s32 $0x1C0, s13;
	[sflag:s31] =	ssyncset.done $0x0  }
0x71: {  	s9 =	sadd.s32 $0x300, s9;
	s12 =	sadd.s32 $0x180, s12;
	[sflag:s31] =	ssyncadd.s32 $0xFFFFE000  }
0x72: {  	[tilespmem:s21], [sflag:$0x2] =	stream.indirect.gather [hbm4b:s4+s19], $0x80, s13, s19, $0xb8;
	[tilespmem:$0x1B380] =	vst v63  }
.LBB2_5:
0x73: {  	_ =	swait.ge [sflag:s29], $0x2000  }
0x74: {  	[sflag:s29] =	ssyncset.done $0x0  }
0x75: {  	s9 =	sadd.s32 $0x1, s9;
	[sflag:s29] =	ssyncadd.s32 $0xFFFFE000  }
0x76: {  	[spmem:s1] =	stream.indirect.scatter.add.f32 [tilespmem:s23], [sflag:$0x6], $0x80, s8, s19, $0xb8;
	[tilespmem:$0x1B380] =	vst v63  }
0x77: {  	p1 =	seq.s32 s9, $0xB;
	_ =	swait.ge [sflag:s31], $0x2000  }
.Ltmp7:
0x78: {  	[sflag:s31] =	ssyncset.done $0x0;
	(pc) =	sbr.rel @p1 .LBB2_6-.Ltmp7, $4  }
0x79: {  	[sflag:s31] =	ssyncadd.s32 $0xFFFFE000  }
0x7a: {  	_ =	swait.ge [sflag:s3], $0x2000  }
0x7b: {  	[sflag:s3] =	ssyncset.done $0x0  }
0x7c: {  	[sflag:s3] =	ssyncadd.s32 $0xFFFFE000  }
.LBB2_2:
0x7d: {  	s12 =	sadd.s32 s10, s9  }
0x7e: {  	s7 =	sshrl.u32 s12, $0x3  }
0x7f: {  	s13 =	sshll.u32 s12, $0x7;
	s7 =	smul.u32 $0x3C00, s7  }
0x80: {  	s13 =	sand.u32 $0x380, s13  }
0x81: {  	s7 =	sor.u32 s13, s7  }
0x82: {  	s7 =	sshrl.u32 s7, $0x3  }
0x83: {  	s11 =	sadd.s32 s5, s7;
	s7 =	simm.s32 $0x0  }
0x84: {  	[tilespmem:s7], [sflag:$0x7] =	stream.strided.gather [hbm4b:s11+s16], $0x780, s17, s16, $0x38;
	[tilespmem:$0x1B380] =	vst v63  }
0x85: {  	_ =	swait.ge [sflag:s15], $0x780  }
0x86: {  	s12 =	sshll.u32 s12, $0x9;
	[sflag:s15] =	ssyncset.done $0x0  }
0x87: {  	s12 =	sadd.s32 s6, s12;
	[sflag:s15] =	ssyncadd.s32 $0xFFFFF880  }
0x88: {  	[tilespmem:s18], [sflag:$0x7] =	stream.linear.gather [hbm4b:s12+s7], $0xF00, $0x38;
	[tilespmem:$0x1B380] =	vst v63  }
0x89: {  	_ =	swait.ge [sflag:s15], $0xF00  }
0x8a: {  	[sflag:s15] =	ssyncset.done $0x0  }
0x8b: {  	[sflag:s15] =	ssyncadd.s32 $0xFFFFF100  }
0x8c: {  	[tilespmem:s20], [sflag:$0x1] =	stream.indirect.gather [hbm4b:s4+s19], $0x80, s7, s19, $0xb8;
	[tilespmem:$0x1B380] =	vst v63  }
0x8d: {  	_ = 	snop  }
0x8e: {  	[tilespmem:s21], [sflag:$0x2] =	stream.indirect.gather [hbm4b:s4+s19], $0x80, s19, s19, $0xb8;
	[tilespmem:$0x1B380] =	vst v63  }
0x8f: {  	_ =	swait.ge [sflag:s22], $0x2000  }
0x90: {  	[sflag:s22] =	ssyncset.done $0x0  }
0x91: {  	[sflag:s22] =	ssyncadd.s32 $0xFFFFE000  }
0x92: {  	[spmem:s1] =	stream.indirect.scatter.add.f32 [tilespmem:s20], [sflag:$0x4], $0x80, s18, s19, $0xb8;
	[tilespmem:$0x1B380] =	vst v63  }
0x93: {  	_ = 	snop  }
0x94: {  	[tilespmem:s23], [sflag:$0x3] =	stream.indirect.gather [hbm4b:s4+s19], $0x80, s16, s19, $0xb8;
	[tilespmem:$0x1B380] =	vst v63  }
0x95: {  	_ =	swait.ge [sflag:s24], $0x2000  }
0x96: {  	[sflag:s24] =	ssyncset.done $0x0  }
0x97: {  	[sflag:s24] =	ssyncadd.s32 $0xFFFFE000  }
0x98: {  	[spmem:s1] =	stream.indirect.scatter.add.f32 [tilespmem:s21], [sflag:$0x5], $0x80, s25, s19, $0xb8;
	[tilespmem:$0x1B380] =	vst v63  }
0x99: {  	_ =	swait.ge [sflag:s26], $0x2000  }
0x9a: {  	[sflag:s26] =	ssyncset.done $0x0  }
0x9b: {  	[sflag:s26] =	ssyncadd.s32 $0xFFFFE000  }
0x9c: {  	[tilespmem:s20], [sflag:$0x1] =	stream.indirect.gather [hbm4b:s4+s19], $0x80, s28, s19, $0xb8;
	[tilespmem:$0x1B380] =	vst v63  }
0x9d: {  	_ =	swait.ge [sflag:s29], $0x2000  }
0x9e: {  	[sflag:s29] =	ssyncset.done $0x0  }
0x9f: {  	[sflag:s29] =	ssyncadd.s32 $0xFFFFE000  }
0xa0: {  	[spmem:s1] =	stream.indirect.scatter.add.f32 [tilespmem:s23], [sflag:$0x6], $0x80, s30, s19, $0xb8;
	[tilespmem:$0x1B380] =	vst v63  }
0xa1: {  	_ =	swait.ge [sflag:s31], $0x2000  }
0xa2: {  	[sflag:s31] =	ssyncset.done $0x0  }
0xa3: {  	s12 =	simm.s32 $0xA00;
	[sflag:s31] =	ssyncadd.s32 $0xFFFFE000  }
0xa4: {  	[tilespmem:s21], [sflag:$0x2] =	stream.indirect.gather [hbm4b:s4+s19], $0x80, s0, s19, $0xb8;
	[tilespmem:$0x1B380] =	vst v63  }
.LBB2_3:
0xa5: {  	_ =	swait.ge [sflag:s22], $0x2000  }
0xa6: {  	[sflag:s22] =	ssyncset.done $0x0  }
0xa7: {  	s13 =	sadd.s32 $0xFFFFFF00, s12;
	[sflag:s22] =	ssyncadd.s32 $0xFFFFE000  }
0xa8: {  	[spmem:s1] =	stream.indirect.scatter.add.f32 [tilespmem:s20], [sflag:$0x4], $0x80, s13, s19, $0xb8;
	[tilespmem:$0x1B380] =	vst v63  }
0xa9: {  	_ =	swait.ge [sflag:s3], $0x2000  }
0xaa: {  	s13 =	sshra.s32 s7, $0x2;
	[sflag:s3] =	ssyncset.done $0x0  }
0xab: {  	s11 =	sadd.s32 $0x140, s13;
	[sflag:s3] =	ssyncadd.s32 $0xFFFFE000  }
0xac: {  	[tilespmem:s23], [sflag:$0x3] =	stream.indirect.gather [hbm4b:s4+s19], $0x80, s11, s19, $0xb8;
	[tilespmem:$0x1B380] =	vst v63  }
0xad: {  	_ =	swait.ge [sflag:s24], $0x2000  }
0xae: {  	p1 =	seq.s32 s7, $0x1800;
	[sflag:s24] =	ssyncset.done $0x0  }
.Ltmp8:
0xaf: {  	s11 =	sadd.s32 $0xFFFFFF80, s12;
	[sflag:s24] =	ssyncadd.s32 $0xFFFFE000;
	(pc) =	sbr.rel @p1 .LBB2_5-.Ltmp8, $4  }
0xb0: {  	[spmem:s1] =	stream.indirect.scatter.add.f32 [tilespmem:s21], [sflag:$0x5], $0x80, s11, s19, $0xb8;
	[tilespmem:$0x1B380] =	vst v63  }
0xb1: {  	_ =	swait.ge [sflag:s26], $0x2000  }
0xb2: {  	[sflag:s26] =	ssyncset.done $0x0  }
0xb3: {  	[sflag:s26] =	ssyncadd.s32 $0xFFFFE000  }
0xb4: {  	s11 =	sadd.s32 $0x180, s13  }
0xb5: {  	[tilespmem:s20], [sflag:$0x1] =	stream.indirect.gather [hbm4b:s4+s19], $0x80, s11, s19, $0xb8;
	[tilespmem:$0x1B380] =	vst v63  }
0xb6: {  	_ =	swait.ge [sflag:s29], $0x2000  }
0xb7: {  	[sflag:s29] =	ssyncset.done $0x0  }
0xb8: {  	[sflag:s29] =	ssyncadd.s32 $0xFFFFE000  }
0xb9: {  	[spmem:s1] =	stream.indirect.scatter.add.f32 [tilespmem:s23], [sflag:$0x6], $0x80, s12, s19, $0xb8;
	[tilespmem:$0x1B380] =	vst v63  }
.Ltmp9:
0xba: {  	_ = 	snop;
	(pc) =	sbr.rel .LBB2_3-.Ltmp9, $4  }
0xbb: {  	_ =	swait.ge [sflag:s31], $0x2000  }
0xbc: {  	s13 =	sadd.s32 $0x1C0, s13;
	[sflag:s31] =	ssyncset.done $0x0  }
0xbd: {  	s7 =	sadd.s32 $0x300, s7;
	s12 =	sadd.s32 $0x180, s12;
	[sflag:s31] =	ssyncadd.s32 $0xFFFFE000  }
0xbe: {  	[tilespmem:s21], [sflag:$0x2] =	stream.indirect.gather [hbm4b:s4+s19], $0x80, s13, s19, $0xb8;
	[tilespmem:$0x1B380] =	vst v63  }
.LBB2_6:
.Ltmp10:
0xbf: {  	(pc) =	sbr.rel .LBB2_12-.Ltmp10, $2  }
0xc0: {  	_ =	sdelay $0x2  }
0xc1: {  	s7 =	rddreg [dreg:$0x4]  }
.LBB2_13:
0xc2: {  	_ =	sfence.sel $0x180000  }
0xc3: {  	[bflag:$0x0] =	sbarrier.arrive $0xFFFF  }
0xc4: {  	_ =	strace $0x90000047  }
0xc5: {  	s0 =	stileid.u32;
	[bflag:$0x2] =	sbarrier.arrive $0xFFFF  }
0xc6: {  	p0 =	sne.s32 s0, $0x0;
	s0 =	rddreg [dreg:$0x2]  }
0xc7: {  	s0 =	sadd.s32 @!p0 $0x100000, s0  }
0xc8: {  	[sflag:s0] =	ssyncadd.tile.s32 @!p0 $0x1;
	_ =	shalt  }
.Lfunc_end2:
_tile_overlayer_lowered:
.L_overlay_start_2:
0xc9: {  	(tag) =	ssettag $0x2  }
0xca: {  	s0 =	rddreg [dreg:$0x0];
	s2 =	stileid.u32  }
0xcb: {  	s1 =	rddreg [dreg:$0x1];
	p0 =	sne.s32 s2, $0x0  }
0xcc: {  	s3 =	rddreg [dreg:$0x2];
	[bflag:$0x3] =	sbarrier.arrive $0xFFFF;
	s2 =	simm.s32 @!p0 $0x1C07  }
0xcd: {  	[timem:s3], [sflag:s2] =	dma.local @!p0 [hbm:s0], s1  }
0xce: {  	s0 =	simm.s32 @!p0 $0x7  }
0xcf: {  	_ =	swait.ge @!p0 [sflag:s0], s1  }
0xd0: {  	s1 =	ssub.s32 @!p0 $0x0, s1;
	[sflag:s0] =	ssyncset.done @!p0 $0x0  }
0xd1: {  	[sflag:s0] =	ssyncadd.s32 @!p0 s1  }
0xd2: {  	[bflag:$0x3] =	sbarrier.arrive $0xFFFF  }
0xd3: {  	_ =	shalt  }

</sc_bundles>
